<compile_context>
chip_gen: v7x
topology: tpu7x:2x2x1
jax: 0.10.2.dev20260603
libtpu: 0.0.44.dev20260713+nightly
codegen_flags: <defaults>
</compile_context>

<pallas_src>
import dataclasses
import functools

import jax
import jax.numpy as jnp
from jax import lax
from jax.experimental import pallas as pl
from jax.experimental.pallas import tpu as pltpu
from jax.experimental.pallas import tpu_sc as plsc

WH = 1025
NH = 16
NHC = 8
NV = 3972
NVP = 3976
EP = 1032
BR = 8
BC = 512
GR = 128
GC = 2
LANES = 16


def _compiler_params():
    cp = pltpu.CompilerParams()
    if "needs_layout_passes" in pltpu.CompilerParams.__dataclass_fields__:
        cp = dataclasses.replace(cp, needs_layout_passes=False)
    return cp


def _bias_gather(table_flat, idx, ecol, erow):
    mesh = plsc.VectorSubcoreMesh(core_axis_name="c", subcore_axis_name="s")

    @functools.partial(
        pl.kernel,
        mesh=mesh,
        out_type=jax.ShapeDtypeStruct((NH, WH, WH), jnp.float32),
        compiler_params=_compiler_params(),
        scratch_types=[pltpu.VMEM((NVP,), jnp.float32) for _ in range(NHC)]
        + [
            pltpu.VMEM((NHC, 1, 128), jnp.float32),
            pltpu.VMEM((NHC, 8, 1), jnp.float32),
            pltpu.VMEM((NHC, 1, 1), jnp.float32),
            pltpu.VMEM((EP,), jnp.int32),
            pltpu.VMEM((EP,), jnp.int32),
        ],
    )
    def k(tab_hbm, idx_hbm, ecol_hbm, erow_hbm, out_hbm, *refs):
        tab_refs = refs[:NHC]
        rowbuf, colbuf, cornerbuf, ecol_v, erow_v = refs[NHC:]
        c = lax.axis_index("c")
        s = lax.axis_index("s")
        h0 = c * NHC
        for h in range(NHC):
            pltpu.sync_copy(tab_hbm.at[pl.ds((h0 + h) * NVP, NVP)], tab_refs[h])

        out_c = out_hbm.at[pl.ds(h0, NHC)]

        def body(idx_v, out_v):
            @plsc.parallel_loop(0, BR * (BC // LANES), unroll=4)
            def _vreg(g):
                r = g // (BC // LANES)
                cv = g % (BC // LANES)
                iv = idx_v[r, pl.ds(cv * LANES, LANES)]
                for h in range(NHC):
                    out_v[h, r, pl.ds(cv * LANES, LANES)] = plsc.load_gather(
                        tab_refs[h], [iv]
                    )

        pltpu.emit_pipeline(
            body,
            grid=(GR, GC),
            in_specs=[pl.BlockSpec((BR, BC), index_map=lambda i, j: (i, j))],
            out_specs=[pl.BlockSpec((NHC, BR, BC), index_map=lambda i, j: (0, i, j))],
            core_axis_name=("s",),
            dimension_semantics=(pltpu.PARALLEL, pltpu.PARALLEL),
        )(
            idx_hbm.at[pl.ds(0, GR * BR), pl.ds(0, GC * BC)],
            out_c.at[:, pl.ds(0, GR * BR), pl.ds(0, GC * BC)],
        )

        pltpu.sync_copy(ecol_hbm, ecol_v)
        pltpu.sync_copy(erow_hbm, erow_v)
        iota = lax.iota(jnp.int32, LANES)

        @pl.when(s < 8)
        def _row_edge():
            c0 = pl.multiple_of(s * 128, 128)
            for cv in range(128 // LANES):
                iv = erow_v[pl.ds(s * 128 + cv * LANES, LANES)]
                for h in range(NHC):
                    rowbuf[h, 0, pl.ds(cv * LANES, LANES)] = plsc.load_gather(
                        tab_refs[h], [iv]
                    )
            pltpu.sync_copy(
                rowbuf,
                out_c.at[:, pl.ds(GR * BR, 1), pl.ds(c0, 128)],
            )

        for t in range(8):
            r0 = pl.multiple_of((s * 8 + t) * 8, 8)
            iv = ecol_v[pl.ds((s * 8 + t) * 8, LANES)]
            for h in range(NHC):
                vh = plsc.load_gather(tab_refs[h], [iv])
                plsc.store_scatter(
                    colbuf,
                    [jnp.full((LANES,), h, jnp.int32), iota, jnp.zeros((LANES,), jnp.int32)],
                    vh,
                    mask=iota < 8,
                )
            pltpu.sync_copy(
                colbuf,
                out_c.at[:, pl.ds(r0, 8), pl.ds(GC * BC, 1)],
            )

        @pl.when(s == 8)
        def _corner():
            iv = ecol_v[pl.ds(1016, LANES)]
            for h in range(NHC):
                vh = plsc.load_gather(tab_refs[h], [iv])
                plsc.store_scatter(
                    cornerbuf,
                    [jnp.full((LANES,), h, jnp.int32), iota - 8, iota - 8],
                    vh,
                    mask=iota == 8,
                )
            pltpu.sync_copy(
                cornerbuf,
                out_c.at[:, pl.ds(GR * BR, 1), pl.ds(GC * BC, 1)],
            )

    return k(table_flat, idx, ecol, erow)


def kernel(relative_position_bias_table, relative_position_index):
    table_t = relative_position_bias_table.T
    table_flat = jnp.pad(table_t, ((0, 0), (0, NVP - NV))).reshape(-1)
    idx = relative_position_index.astype(jnp.int32)
    ecol = jnp.pad(idx[:, WH - 1], (0, EP - WH))
    erow = jnp.pad(idx[WH - 1, :], (0, EP - WH))
    return _bias_gather(table_flat, idx, ecol, erow)

# --- scband reference (transcript-rebuilt; emitter-appended) ---
"""Pipeline reference for scband-relative-position-bias-1726576856259 (READ-ONLY COPY).

The authoritative reference and input builder live on the scoring server;
editing this copy changes nothing except your own understanding.
"""

import jax, jax.numpy as jnp
import numpy as np

WINDOW = (32, 32)
NUM_HEADS = 16


def _build_index():
    wh, ww = WINDOW
    num_rel = (2 * wh - 1) * (2 * ww - 1) + 3
    coords_h = np.arange(wh)
    coords_w = np.arange(ww)
    coords = np.stack(np.meshgrid(coords_h, coords_w, indexing='ij'))
    coords_flatten = coords.reshape(2, -1)
    rel = coords_flatten[:, :, None] - coords_flatten[:, None, :]
    rel = rel.transpose(1, 2, 0).copy()
    rel[:, :, 0] += wh - 1
    rel[:, :, 1] += ww - 1
    rel[:, :, 0] *= 2 * ww - 1
    idx = np.zeros(((wh * ww + 1),) * 2, dtype=np.int64)
    idx[1:, 1:] = rel.sum(-1)
    idx[0, :] = num_rel - 3
    idx[:, 0] = num_rel - 2
    idx[0, 0] = num_rel - 1
    return idx, num_rel


def setup_inputs(seed: int = 0) -> dict:
    key = jax.random.key(seed)
    idx, num_rel = _build_index()
    table = jax.random.normal(key, (num_rel, NUM_HEADS), dtype=jnp.float32) * 0.02
    return {
        'relative_position_bias_table': table,
        'relative_position_index': jnp.asarray(idx, dtype=jnp.int32),
    }


def reference(relative_position_bias_table, relative_position_index):
    wh, ww = WINDOW
    n = wh * ww + 1
    bias = jnp.take(relative_position_bias_table, relative_position_index.reshape(-1), axis=0)
    bias = bias.reshape(n, n, -1)
    return jnp.transpose(bias, (2, 0, 1))

if __name__ == "__main__":
    import jax
    _d = setup_inputs()
    print(jax.jit(kernel)(*tuple(_d.values())))

</pallas_src>

<mosaic_0001>
#map = affine_map<(d0, d1) -> (0)>
#map1 = affine_map<(d0, d1) -> (0, 0)>
#map2 = affine_map<(d0, d1) -> (0, 0, 0)>
module attributes {stable_mosaic.version = 14 : i64} {
  func.func @k(%arg0: i32, %arg1: i32, %arg2: memref<63616xf32, #tpu.memory_space<hbm>>, %arg3: memref<1025x1025xi32, #tpu.memory_space<hbm>>, %arg4: memref<1032xi32, #tpu.memory_space<hbm>>, %arg5: memref<1032xi32, #tpu.memory_space<hbm>>, %arg6: memref<16x1025x1025xf32, #tpu.memory_space<hbm>>, %arg7: memref<3976xf32, #tpu.memory_space<vmem>>, %arg8: memref<3976xf32, #tpu.memory_space<vmem>>, %arg9: memref<3976xf32, #tpu.memory_space<vmem>>, %arg10: memref<3976xf32, #tpu.memory_space<vmem>>, %arg11: memref<3976xf32, #tpu.memory_space<vmem>>, %arg12: memref<3976xf32, #tpu.memory_space<vmem>>, %arg13: memref<3976xf32, #tpu.memory_space<vmem>>, %arg14: memref<3976xf32, #tpu.memory_space<vmem>>, %arg15: memref<8x1x128xf32, #tpu.memory_space<vmem>>, %arg16: memref<8x8x1xf32, #tpu.memory_space<vmem>>, %arg17: memref<8x1x1xf32, #tpu.memory_space<vmem>>, %arg18: memref<1032xi32, #tpu.memory_space<vmem>>, %arg19: memref<1032xi32, #tpu.memory_space<vmem>>) attributes {dimension_semantics = [#tpu.dimension_semantics<core_parallel>, #tpu.dimension_semantics<subcore_parallel>], iteration_bounds = array<i64: 2, 16>, scalar_prefetch = 0 : i64, scratch_operands = 13 : i64, tpu.core_type = #tpu.core_type<sc_vector_subcore>, window_params = [{transform_indices = #map}, {transform_indices = #map1}, {transform_indices = #map}, {transform_indices = #map}, {transform_indices = #map2}]} {
    %mul3A = arith.constant 8 : i32
    %mul3A_0 = arith.muli %arg0, %mul3A : i32
    %add3A = arith.constant 0 : i32
    %add3A_1 = arith.addi %mul3A_0, %add3A : i32
    %mul3A_2 = arith.constant 3976 : i32
    %mul3A_3 = arith.muli %add3A_1, %mul3A_2 : i32
    "tpu.region"() ({
      %run_scoped3A = tpu.sem_alloc : memref<!tpu.dma_semaphore, #tpu.memory_space<semaphore_mem>>
      %dma_start3A = tpu.memref_slice %arg2[%mul3A_3] : memref<63616xf32, #tpu.memory_space<hbm>> -> memref<3976xf32, #tpu.memory_space<hbm>>
      %dma_start3A_672 = tpu.memref_slice %arg2[%mul3A_3] : memref<63616xf32, #tpu.memory_space<hbm>> -> memref<3976xf32, #tpu.memory_space<hbm>>
      tpu.enqueue_dma source(%dma_start3A_672 : memref<3976xf32, #tpu.memory_space<hbm>>) target(%arg7 : memref<3976xf32, #tpu.memory_space<vmem>>) target_semaphore(%run_scoped3A : memref<!tpu.dma_semaphore, #tpu.memory_space<semaphore_mem>>)
      %dma_wait3A = tpu.memref_slice %arg2[%mul3A_3] : memref<63616xf32, #tpu.memory_space<hbm>> -> memref<3976xf32, #tpu.memory_space<hbm>>
      %dma_wait3A_673 = tpu.memref_slice %arg2[%mul3A_3] : memref<63616xf32, #tpu.memory_space<hbm>> -> memref<3976xf32, #tpu.memory_space<hbm>>
      tpu.wait_dma2 semaphore(%run_scoped3A : memref<!tpu.dma_semaphore, #tpu.memory_space<semaphore_mem>>) src(%dma_wait3A_673 : memref<3976xf32, #tpu.memory_space<hbm>>) dst(%arg7 : memref<3976xf32, #tpu.memory_space<vmem>>)
      tpu.yield
    }) : () -> ()
    %add3A_4 = arith.constant 1 : i32
    %add3A_5 = arith.addi %mul3A_0, %add3A_4 : i32
    %mul3A_6 = arith.constant 3976 : i32
    %mul3A_7 = arith.muli %add3A_5, %mul3A_6 : i32
    "tpu.region"() ({
      %run_scoped3A = tpu.sem_alloc : memref<!tpu.dma_semaphore, #tpu.memory_space<semaphore_mem>>
      %dma_start3A = tpu.memref_slice %arg2[%mul3A_7] : memref<63616xf32, #tpu.memory_space<hbm>> -> memref<3976xf32, #tpu.memory_space<hbm>>
      %dma_start3A_672 = tpu.memref_slice %arg2[%mul3A_7] : memref<63616xf32, #tpu.memory_space<hbm>> -> memref<3976xf32, #tpu.memory_space<hbm>>
      tpu.enqueue_dma source(%dma_start3A_672 : memref<3976xf32, #tpu.memory_space<hbm>>) target(%arg8 : memref<3976xf32, #tpu.memory_space<vmem>>) target_semaphore(%run_scoped3A : memref<!tpu.dma_semaphore, #tpu.memory_space<semaphore_mem>>)
      %dma_wait3A = tpu.memref_slice %arg2[%mul3A_7] : memref<63616xf32, #tpu.memory_space<hbm>> -> memref<3976xf32, #tpu.memory_space<hbm>>
      %dma_wait3A_673 = tpu.memref_slice %arg2[%mul3A_7] : memref<63616xf32, #tpu.memory_space<hbm>> -> memref<3976xf32, #tpu.memory_space<hbm>>
      tpu.wait_dma2 semaphore(%run_scoped3A : memref<!tpu.dma_semaphore, #tpu.memory_space<semaphore_mem>>) src(%dma_wait3A_673 : memref<3976xf32, #tpu.memory_space<hbm>>) dst(%arg8 : memref<3976xf32, #tpu.memory_space<vmem>>)
      tpu.yield
    }) : () -> ()
    %add3A_8 = arith.constant 2 : i32
    %add3A_9 = arith.addi %mul3A_0, %add3A_8 : i32
    %mul3A_10 = arith.constant 3976 : i32
    %mul3A_11 = arith.muli %add3A_9, %mul3A_10 : i32
    "tpu.region"() ({
      %run_scoped3A = tpu.sem_alloc : memref<!tpu.dma_semaphore, #tpu.memory_space<semaphore_mem>>
      %dma_start3A = tpu.memref_slice %arg2[%mul3A_11] : memref<63616xf32, #tpu.memory_space<hbm>> -> memref<3976xf32, #tpu.memory_space<hbm>>
      %dma_start3A_672 = tpu.memref_slice %arg2[%mul3A_11] : memref<63616xf32, #tpu.memory_space<hbm>> -> memref<3976xf32, #tpu.memory_space<hbm>>
      tpu.enqueue_dma source(%dma_start3A_672 : memref<3976xf32, #tpu.memory_space<hbm>>) target(%arg9 : memref<3976xf32, #tpu.memory_space<vmem>>) target_semaphore(%run_scoped3A : memref<!tpu.dma_semaphore, #tpu.memory_space<semaphore_mem>>)
      %dma_wait3A = tpu.memref_slice %arg2[%mul3A_11] : memref<63616xf32, #tpu.memory_space<hbm>> -> memref<3976xf32, #tpu.memory_space<hbm>>
      %dma_wait3A_673 = tpu.memref_slice %arg2[%mul3A_11] : memref<63616xf32, #tpu.memory_space<hbm>> -> memref<3976xf32, #tpu.memory_space<hbm>>
      tpu.wait_dma2 semaphore(%run_scoped3A : memref<!tpu.dma_semaphore, #tpu.memory_space<semaphore_mem>>) src(%dma_wait3A_673 : memref<3976xf32, #tpu.memory_space<hbm>>) dst(%arg9 : memref<3976xf32, #tpu.memory_space<vmem>>)
      tpu.yield
    }) : () -> ()
    %add3A_12 = arith.constant 3 : i32
    %add3A_13 = arith.addi %mul3A_0, %add3A_12 : i32
    %mul3A_14 = arith.constant 3976 : i32
    %mul3A_15 = arith.muli %add3A_13, %mul3A_14 : i32
    "tpu.region"() ({
      %run_scoped3A = tpu.sem_alloc : memref<!tpu.dma_semaphore, #tpu.memory_space<semaphore_mem>>
      %dma_start3A = tpu.memref_slice %arg2[%mul3A_15] : memref<63616xf32, #tpu.memory_space<hbm>> -> memref<3976xf32, #tpu.memory_space<hbm>>
      %dma_start3A_672 = tpu.memref_slice %arg2[%mul3A_15] : memref<63616xf32, #tpu.memory_space<hbm>> -> memref<3976xf32, #tpu.memory_space<hbm>>
      tpu.enqueue_dma source(%dma_start3A_672 : memref<3976xf32, #tpu.memory_space<hbm>>) target(%arg10 : memref<3976xf32, #tpu.memory_space<vmem>>) target_semaphore(%run_scoped3A : memref<!tpu.dma_semaphore, #tpu.memory_space<semaphore_mem>>)
      %dma_wait3A = tpu.memref_slice %arg2[%mul3A_15] : memref<63616xf32, #tpu.memory_space<hbm>> -> memref<3976xf32, #tpu.memory_space<hbm>>
      %dma_wait3A_673 = tpu.memref_slice %arg2[%mul3A_15] : memref<63616xf32, #tpu.memory_space<hbm>> -> memref<3976xf32, #tpu.memory_space<hbm>>
      tpu.wait_dma2 semaphore(%run_scoped3A : memref<!tpu.dma_semaphore, #tpu.memory_space<semaphore_mem>>) src(%dma_wait3A_673 : memref<3976xf32, #tpu.memory_space<hbm>>) dst(%arg10 : memref<3976xf32, #tpu.memory_space<vmem>>)
      tpu.yield
    }) : () -> ()
    %add3A_16 = arith.constant 4 : i32
    %add3A_17 = arith.addi %mul3A_0, %add3A_16 : i32
    %mul3A_18 = arith.constant 3976 : i32
    %mul3A_19 = arith.muli %add3A_17, %mul3A_18 : i32
    "tpu.region"() ({
      %run_scoped3A = tpu.sem_alloc : memref<!tpu.dma_semaphore, #tpu.memory_space<semaphore_mem>>
      %dma_start3A = tpu.memref_slice %arg2[%mul3A_19] : memref<63616xf32, #tpu.memory_space<hbm>> -> memref<3976xf32, #tpu.memory_space<hbm>>
      %dma_start3A_672 = tpu.memref_slice %arg2[%mul3A_19] : memref<63616xf32, #tpu.memory_space<hbm>> -> memref<3976xf32, #tpu.memory_space<hbm>>
      tpu.enqueue_dma source(%dma_start3A_672 : memref<3976xf32, #tpu.memory_space<hbm>>) target(%arg11 : memref<3976xf32, #tpu.memory_space<vmem>>) target_semaphore(%run_scoped3A : memref<!tpu.dma_semaphore, #tpu.memory_space<semaphore_mem>>)
      %dma_wait3A = tpu.memref_slice %arg2[%mul3A_19] : memref<63616xf32, #tpu.memory_space<hbm>> -> memref<3976xf32, #tpu.memory_space<hbm>>
      %dma_wait3A_673 = tpu.memref_slice %arg2[%mul3A_19] : memref<63616xf32, #tpu.memory_space<hbm>> -> memref<3976xf32, #tpu.memory_space<hbm>>
      tpu.wait_dma2 semaphore(%run_scoped3A : memref<!tpu.dma_semaphore, #tpu.memory_space<semaphore_mem>>) src(%dma_wait3A_673 : memref<3976xf32, #tpu.memory_space<hbm>>) dst(%arg11 : memref<3976xf32, #tpu.memory_space<vmem>>)
      tpu.yield
    }) : () -> ()
    %add3A_20 = arith.constant 5 : i32
    %add3A_21 = arith.addi %mul3A_0, %add3A_20 : i32
    %mul3A_22 = arith.constant 3976 : i32
    %mul3A_23 = arith.muli %add3A_21, %mul3A_22 : i32
    "tpu.region"() ({
      %run_scoped3A = tpu.sem_alloc : memref<!tpu.dma_semaphore, #tpu.memory_space<semaphore_mem>>
      %dma_start3A = tpu.memref_slice %arg2[%mul3A_23] : memref<63616xf32, #tpu.memory_space<hbm>> -> memref<3976xf32, #tpu.memory_space<hbm>>
      %dma_start3A_672 = tpu.memref_slice %arg2[%mul3A_23] : memref<63616xf32, #tpu.memory_space<hbm>> -> memref<3976xf32, #tpu.memory_space<hbm>>
      tpu.enqueue_dma source(%dma_start3A_672 : memref<3976xf32, #tpu.memory_space<hbm>>) target(%arg12 : memref<3976xf32, #tpu.memory_space<vmem>>) target_semaphore(%run_scoped3A : memref<!tpu.dma_semaphore, #tpu.memory_space<semaphore_mem>>)
      %dma_wait3A = tpu.memref_slice %arg2[%mul3A_23] : memref<63616xf32, #tpu.memory_space<hbm>> -> memref<3976xf32, #tpu.memory_space<hbm>>
      %dma_wait3A_673 = tpu.memref_slice %arg2[%mul3A_23] : memref<63616xf32, #tpu.memory_space<hbm>> -> memref<3976xf32, #tpu.memory_space<hbm>>
      tpu.wait_dma2 semaphore(%run_scoped3A : memref<!tpu.dma_semaphore, #tpu.memory_space<semaphore_mem>>) src(%dma_wait3A_673 : memref<3976xf32, #tpu.memory_space<hbm>>) dst(%arg12 : memref<3976xf32, #tpu.memory_space<vmem>>)
      tpu.yield
    }) : () -> ()
    %add3A_24 = arith.constant 6 : i32
    %add3A_25 = arith.addi %mul3A_0, %add3A_24 : i32
    %mul3A_26 = arith.constant 3976 : i32
    %mul3A_27 = arith.muli %add3A_25, %mul3A_26 : i32
    "tpu.region"() ({
      %run_scoped3A = tpu.sem_alloc : memref<!tpu.dma_semaphore, #tpu.memory_space<semaphore_mem>>
      %dma_start3A = tpu.memref_slice %arg2[%mul3A_27] : memref<63616xf32, #tpu.memory_space<hbm>> -> memref<3976xf32, #tpu.memory_space<hbm>>
      %dma_start3A_672 = tpu.memref_slice %arg2[%mul3A_27] : memref<63616xf32, #tpu.memory_space<hbm>> -> memref<3976xf32, #tpu.memory_space<hbm>>
      tpu.enqueue_dma source(%dma_start3A_672 : memref<3976xf32, #tpu.memory_space<hbm>>) target(%arg13 : memref<3976xf32, #tpu.memory_space<vmem>>) target_semaphore(%run_scoped3A : memref<!tpu.dma_semaphore, #tpu.memory_space<semaphore_mem>>)
      %dma_wait3A = tpu.memref_slice %arg2[%mul3A_27] : memref<63616xf32, #tpu.memory_space<hbm>> -> memref<3976xf32, #tpu.memory_space<hbm>>
      %dma_wait3A_673 = tpu.memref_slice %arg2[%mul3A_27] : memref<63616xf32, #tpu.memory_space<hbm>> -> memref<3976xf32, #tpu.memory_space<hbm>>
      tpu.wait_dma2 semaphore(%run_scoped3A : memref<!tpu.dma_semaphore, #tpu.memory_space<semaphore_mem>>) src(%dma_wait3A_673 : memref<3976xf32, #tpu.memory_space<hbm>>) dst(%arg13 : memref<3976xf32, #tpu.memory_space<vmem>>)
      tpu.yield
    }) : () -> ()
    %add3A_28 = arith.constant 7 : i32
    %add3A_29 = arith.addi %mul3A_0, %add3A_28 : i32
    %mul3A_30 = arith.constant 3976 : i32
    %mul3A_31 = arith.muli %add3A_29, %mul3A_30 : i32
    "tpu.region"() ({
      %run_scoped3A = tpu.sem_alloc : memref<!tpu.dma_semaphore, #tpu.memory_space<semaphore_mem>>
      %dma_start3A = tpu.memref_slice %arg2[%mul3A_31] : memref<63616xf32, #tpu.memory_space<hbm>> -> memref<3976xf32, #tpu.memory_space<hbm>>
      %dma_start3A_672 = tpu.memref_slice %arg2[%mul3A_31] : memref<63616xf32, #tpu.memory_space<hbm>> -> memref<3976xf32, #tpu.memory_space<hbm>>
      tpu.enqueue_dma source(%dma_start3A_672 : memref<3976xf32, #tpu.memory_space<hbm>>) target(%arg14 : memref<3976xf32, #tpu.memory_space<vmem>>) target_semaphore(%run_scoped3A : memref<!tpu.dma_semaphore, #tpu.memory_space<semaphore_mem>>)
      %dma_wait3A = tpu.memref_slice %arg2[%mul3A_31] : memref<63616xf32, #tpu.memory_space<hbm>> -> memref<3976xf32, #tpu.memory_space<hbm>>
      %dma_wait3A_673 = tpu.memref_slice %arg2[%mul3A_31] : memref<63616xf32, #tpu.memory_space<hbm>> -> memref<3976xf32, #tpu.memory_space<hbm>>
      tpu.wait_dma2 semaphore(%run_scoped3A : memref<!tpu.dma_semaphore, #tpu.memory_space<semaphore_mem>>) src(%dma_wait3A_673 : memref<3976xf32, #tpu.memory_space<hbm>>) dst(%arg14 : memref<3976xf32, #tpu.memory_space<vmem>>)
      tpu.yield
    }) : () -> ()
    %mul3A_32 = arith.constant 1 : i32
    %mul3A_33 = arith.muli %arg1, %mul3A_32 : i32
    %add3A_34 = arith.constant 0 : i32
    %add3A_35 = arith.addi %add3A_34, %mul3A_33 : i32
    %mul3A_36 = arith.constant 8 : i32
    %mul3A_37 = arith.muli %add3A_35, %mul3A_36 : i32
    "tpu.region"() ({
      %run_scoped3A = memref.alloca() : memref<2x8x512xi32, #tpu.memory_space<vmem>>
      %run_scoped3A_672 = tpu.sem_alloc : memref<2x!tpu.dma_semaphore, #tpu.memory_space<semaphore_mem>>
      %run_scoped3A_673 = memref.alloca() : memref<2x8x8x512xf32, #tpu.memory_space<vmem>>
      %run_scoped3A_674 = tpu.sem_alloc : memref<2x!tpu.dma_semaphore, #tpu.memory_space<semaphore_mem>>
      %add3A_675 = arith.constant 0 : i32
      %add3A_676 = arith.addi %add3A_675, %mul3A_37 : i32
      %select_n3A = arith.constant true
      %select_n3A_677 = arith.constant 0 : i32
      %select_n3A_678 = arith.constant -1 : i32
      %select_n3A_679 = arith.select %select_n3A, %select_n3A_678, %select_n3A_677 : i32
      %eq3A_680 = arith.constant -1 : i32
      %eq3A_681 = arith.cmpi eq, %select_n3A_679, %eq3A_680 : i32
      %select_n3A_682 = arith.constant 1 : i32
      %select_n3A_683 = arith.select %eq3A_681, %select_n3A_682, %select_n3A_679 : i32
      %select_n3A_684 = arith.constant 0 : i32
      %select_n3A_685 = arith.constant -1 : i32
      %select_n3A_686 = arith.select %eq3A_681, %select_n3A_685, %select_n3A_684 : i32
      %eq3A_687 = arith.constant -1 : i32
      %eq3A_688 = arith.cmpi eq, %select_n3A_686, %eq3A_687 : i32
      %select_n3A_689 = arith.constant 7 : i32
      %select_n3A_690 = arith.select %eq3A_688, %select_n3A_689, %select_n3A_686 : i32
      %add3A_691 = arith.addi %select_n3A_690, %mul3A_37 : i32
      %add3A_692 = arith.constant 0 : i32
      %add3A_693 = arith.addi %select_n3A_683, %add3A_692 : i32
      %select_n3A_694 = arith.constant true
      %select_n3A_695 = arith.constant 0 : i32
      %select_n3A_696 = arith.constant 1 : i32
      %select_n3A_697 = arith.select %select_n3A_694, %select_n3A_696, %select_n3A_695 : i32
      %eq3A_698 = arith.constant 2 : i32
      %eq3A_699 = arith.cmpi eq, %select_n3A_697, %eq3A_698 : i32
      %select_n3A_700 = arith.constant 0 : i32
      %select_n3A_701 = arith.select %eq3A_699, %select_n3A_700, %select_n3A_697 : i32
      %select_n3A_702 = arith.constant 0 : i32
      %select_n3A_703 = arith.constant 1 : i32
      %select_n3A_704 = arith.select %eq3A_699, %select_n3A_703, %select_n3A_702 : i32
      %eq3A_705 = arith.constant 8 : i32
      %eq3A_706 = arith.cmpi eq, %select_n3A_704, %eq3A_705 : i32
      %select_n3A_707 = arith.constant 0 : i32
      %select_n3A_708 = arith.select %eq3A_706, %select_n3A_707, %select_n3A_704 : i32
      %add3A_709 = arith.addi %select_n3A_708, %mul3A_37 : i32
      %add3A_710 = arith.constant 0 : i32
      %add3A_711 = arith.addi %select_n3A_701, %add3A_710 : i32
      %add3A_712 = arith.constant 1 : i32
      %add3A_713 = arith.addi %select_n3A_701, %add3A_712 : i32
      %select_n3A_714 = arith.constant true
      %select_n3A_715 = arith.select %select_n3A_714, %add3A_713, %select_n3A_701 : i32
      %eq3A_716 = arith.constant 2 : i32
      %eq3A_717 = arith.cmpi eq, %select_n3A_715, %eq3A_716 : i32
      %select_n3A_718 = arith.constant 0 : i32
      %select_n3A_719 = arith.select %eq3A_717, %select_n3A_718, %select_n3A_715 : i32
      %add3A_720 = arith.constant 1 : i32
      %add3A_721 = arith.addi %select_n3A_708, %add3A_720 : i32
      %select_n3A_722 = arith.select %eq3A_717, %add3A_721, %select_n3A_708 : i32
      %eq3A_723 = arith.constant 8 : i32
      %eq3A_724 = arith.cmpi eq, %select_n3A_722, %eq3A_723 : i32
      %select_n3A_725 = arith.constant 0 : i32
      %select_n3A_726 = arith.select %eq3A_724, %select_n3A_725, %select_n3A_722 : i32
      %add3A_727 = arith.addi %select_n3A_726, %mul3A_37 : i32
      %add3A_728 = arith.constant 0 : i32
      %add3A_729 = arith.addi %select_n3A_719, %add3A_728 : i32
      "tpu.trace_start"() <{level = 10 : i32, message = "ep_initialize_0"}> : () -> ()
      %rem3A = arith.constant 0 : i32
      %rem3A_730 = arith.constant 2 : i32
      %rem3A_731 = arith.remui %rem3A, %rem3A_730 : i32
      %mul3A_732 = arith.constant 8 : i32
      %mul3A_733 = arith.muli %mul3A_732, %add3A_676 : i32
      %dma_start3A = arith.constant 0 : i32
      %dma_start3A_734 = arith.constant 0 : i32
      %dma_start3A_735 = tpu.memref_slice %run_scoped3A[%rem3A_731, %dma_start3A, %dma_start3A_734] : memref<2x8x512xi32, #tpu.memory_space<vmem>> -> memref<1x8x512xi32, #tpu.memory_space<vmem>>
      %dma_start3A_736 = tpu.memref_squeeze %dma_start3A_735 : memref<1x8x512xi32, #tpu.memory_space<vmem>> -> memref<8x512xi32, #tpu.memory_space<vmem>>
      %dma_start3A_737 = arith.constant 0 : i32
      %dma_start3A_738 = arith.constant 0 : i32
      %dma_start3A_739 = tpu.memref_slice %arg3[%dma_start3A_737, %dma_start3A_738] : memref<1025x1025xi32, #tpu.memory_space<hbm>> -> memref<1024x1024xi32, #tpu.memory_space<hbm>>
      %dma_start3A_740 = arith.constant 0 : i32
      %dma_start3A_741 = tpu.memref_slice %dma_start3A_739[%mul3A_733, %dma_start3A_740] : memref<1024x1024xi32, #tpu.memory_space<hbm>> -> memref<8x512xi32, #tpu.memory_space<hbm>>
      %dma_start3A_742 = tpu.memref_slice %run_scoped3A_672[%rem3A_731] : memref<2x!tpu.dma_semaphore, #tpu.memory_space<semaphore_mem>> -> memref<1x!tpu.dma_semaphore, #tpu.memory_space<semaphore_mem>>
      %dma_start3A_743 = tpu.memref_squeeze %dma_start3A_742 : memref<1x!tpu.dma_semaphore, #tpu.memory_space<semaphore_mem>> -> memref<!tpu.dma_semaphore, #tpu.memory_space<semaphore_mem>>
      %dma_start3A_744 = arith.constant 0 : i32
      %dma_start3A_745 = arith.constant 0 : i32
      %dma_start3A_746 = tpu.memref_slice %run_scoped3A[%rem3A_731, %dma_start3A_744, %dma_start3A_745] : memref<2x8x512xi32, #tpu.memory_space<vmem>> -> memref<1x8x512xi32, #tpu.memory_space<vmem>>
      %dma_start3A_747 = tpu.memref_squeeze %dma_start3A_746 : memref<1x8x512xi32, #tpu.memory_space<vmem>> -> memref<8x512xi32, #tpu.memory_space<vmem>>
      %dma_start3A_748 = arith.constant 0 : i32
      %dma_start3A_749 = arith.constant 0 : i32
      %dma_start3A_750 = tpu.memref_slice %arg3[%dma_start3A_748, %dma_start3A_749] : memref<1025x1025xi32, #tpu.memory_space<hbm>> -> memref<1024x1024xi32, #tpu.memory_space<hbm>>
      %dma_start3A_751 = arith.constant 0 : i32
      %dma_start3A_752 = tpu.memref_slice %dma_start3A_750[%mul3A_733, %dma_start3A_751] : memref<1024x1024xi32, #tpu.memory_space<hbm>> -> memref<8x512xi32, #tpu.memory_space<hbm>>
      tpu.enqueue_dma source(%dma_start3A_752 : memref<8x512xi32, #tpu.memory_space<hbm>>) target(%dma_start3A_747 : memref<8x512xi32, #tpu.memory_space<vmem>>) target_semaphore(%dma_start3A_743 : memref<!tpu.dma_semaphore, #tpu.memory_space<semaphore_mem>>)
      %add3A_753 = arith.constant 0 : i32
      %add3A_754 = arith.constant 1 : i32
      %add3A_755 = arith.addi %add3A_753, %add3A_754 : i32
      %select_n3A_756 = arith.constant true
      %select_n3A_757 = arith.constant 0 : i32
      %select_n3A_758 = arith.select %select_n3A_756, %add3A_755, %select_n3A_757 : i32
      "tpu.trace_stop"() : () -> ()
      %scan3A = arith.constant 0 : i32
      %scan3A_759 = arith.constant 0 : i32
      %scan3A_760 = arith.constant 0 : i32
      %scan3A_761 = arith.constant 0 : i32
      %scan3A_762 = arith.constant 0 : i32
      %scan3A_763 = arith.constant 0 : i32
      %scan3A_764 = arith.constant 16 : i32
      %scan3A_765 = arith.addi %scan3A_763, %scan3A_764 : i32
      %scan3A_766 = arith.constant 1 : i32
      %scan3A_767:6 = scf.for %scan3A_875 = %scan3A_763 to %scan3A_765 step %scan3A_766 iter_args(%scan3A_876 = %select_n3A_758, %scan3A_877 = %scan3A, %scan3A_878 = %scan3A_759, %scan3A_879 = %scan3A_760, %scan3A_880 = %scan3A_761, %scan3A_881 = %scan3A_762) -> (i32, i32, i32, i32, i32, i32)  : i32 {
        %eq3A_882 = arith.constant 0 : i32
        %eq3A_883 = arith.cmpi eq, %scan3A_875, %eq3A_882 : i32
        %eq3A_884 = arith.constant 15 : i32
        %eq3A_885 = arith.cmpi eq, %scan3A_875, %eq3A_884 : i32
        %add3A_886 = arith.addi %scan3A_880, %mul3A_37 : i32
        %add3A_887 = arith.constant 0 : i32
        %add3A_888 = arith.addi %scan3A_881, %add3A_887 : i32
        %sub3A_889 = arith.constant 1 : i32
        %sub3A_890 = arith.subi %scan3A_881, %sub3A_889 : i32
        %select_n3A_891 = arith.constant true
        %select_n3A_892 = arith.select %select_n3A_891, %sub3A_890, %scan3A_881 : i32
        %eq3A_893 = arith.constant -1 : i32
        %eq3A_894 = arith.cmpi eq, %select_n3A_892, %eq3A_893 : i32
        %select_n3A_895 = arith.constant 1 : i32
        %select_n3A_896 = arith.select %eq3A_894, %select_n3A_895, %select_n3A_892 : i32
        %sub3A_897 = arith.constant 1 : i32
        %sub3A_898 = arith.subi %scan3A_880, %sub3A_897 : i32
        %select_n3A_899 = arith.select %eq3A_894, %sub3A_898, %scan3A_880 : i32
        %eq3A_900 = arith.constant -1 : i32
        %eq3A_901 = arith.cmpi eq, %select_n3A_899, %eq3A_900 : i32
        %select_n3A_902 = arith.constant 7 : i32
        %select_n3A_903 = arith.select %eq3A_901, %select_n3A_902, %select_n3A_899 : i32
        %add3A_904 = arith.addi %select_n3A_903, %mul3A_37 : i32
        %add3A_905 = arith.constant 0 : i32
        %add3A_906 = arith.addi %select_n3A_896, %add3A_905 : i32
        %add3A_907 = arith.constant 1 : i32
        %add3A_908 = arith.addi %scan3A_881, %add3A_907 : i32
        %select_n3A_909 = arith.constant true
        %select_n3A_910 = arith.select %select_n3A_909, %add3A_908, %scan3A_881 : i32
        %eq3A_911 = arith.constant 2 : i32
        %eq3A_912 = arith.cmpi eq, %select_n3A_910, %eq3A_911 : i32
        %select_n3A_913 = arith.constant 0 : i32
        %select_n3A_914 = arith.select %eq3A_912, %select_n3A_913, %select_n3A_910 : i32
        %add3A_915 = arith.constant 1 : i32
        %add3A_916 = arith.addi %scan3A_880, %add3A_915 : i32
        %select_n3A_917 = arith.select %eq3A_912, %add3A_916, %scan3A_880 : i32
        %eq3A_918 = arith.constant 8 : i32
        %eq3A_919 = arith.cmpi eq, %select_n3A_917, %eq3A_918 : i32
        %select_n3A_920 = arith.constant 0 : i32
        %select_n3A_921 = arith.select %eq3A_919, %select_n3A_920, %select_n3A_917 : i32
        %add3A_922 = arith.addi %select_n3A_921, %mul3A_37 : i32
        %add3A_923 = arith.constant 0 : i32
        %add3A_924 = arith.addi %select_n3A_914, %add3A_923 : i32
        %add3A_925 = arith.constant 1 : i32
        %add3A_926 = arith.addi %select_n3A_914, %add3A_925 : i32
        %select_n3A_927 = arith.constant true
        %select_n3A_928 = arith.select %select_n3A_927, %add3A_926, %select_n3A_914 : i32
        %eq3A_929 = arith.constant 2 : i32
        %eq3A_930 = arith.cmpi eq, %select_n3A_928, %eq3A_929 : i32
        %select_n3A_931 = arith.constant 0 : i32
        %select_n3A_932 = arith.select %eq3A_930, %select_n3A_931, %select_n3A_928 : i32
        %add3A_933 = arith.constant 1 : i32
        %add3A_934 = arith.addi %select_n3A_921, %add3A_933 : i32
        %select_n3A_935 = arith.select %eq3A_930, %add3A_934, %select_n3A_921 : i32
        %eq3A_936 = arith.constant 8 : i32
        %eq3A_937 = arith.cmpi eq, %select_n3A_935, %eq3A_936 : i32
        %select_n3A_938 = arith.constant 0 : i32
        %select_n3A_939 = arith.select %eq3A_937, %select_n3A_938, %select_n3A_935 : i32
        %add3A_940 = arith.addi %select_n3A_939, %mul3A_37 : i32
        %add3A_941 = arith.constant 0 : i32
        %add3A_942 = arith.addi %select_n3A_932, %add3A_941 : i32
        %ne3A = arith.cmpi ne, %add3A_886, %add3A_922 : i32
        %ne3A_943 = arith.cmpi ne, %add3A_888, %add3A_924 : i32
        %or3A = arith.constant false
        %or3A_944 = arith.ori %or3A, %ne3A : i1
        %or3A_945 = arith.ori %or3A_944, %ne3A_943 : i1
        %ge3A = arith.constant 15 : i32
        %ge3A_946 = arith.cmpi sge, %scan3A_875, %ge3A : i32
        %not3A = arith.constant true
        %not3A_947 = arith.xori %ge3A_946, %not3A : i1
        %and3A = arith.andi %or3A_945, %not3A_947 : i1
        %convert_element_type3A_948 = arith.extui %and3A : i1 to i32
        %cond3A_949 = arith.constant 0 : i32
        %cond3A_950 = arith.cmpi ne, %convert_element_type3A_948, %cond3A_949 : i32
        scf.if %cond3A_950 {
          "tpu.trace_start"() <{level = 10 : i32, message = "ep_copy_in"}> : () -> ()
          %rem3A_1068 = arith.constant 2 : i32
          %rem3A_1069 = arith.remui %scan3A_876, %rem3A_1068 : i32
          %mul3A_1070 = arith.constant 8 : i32
          %mul3A_1071 = arith.muli %mul3A_1070, %add3A_922 : i32
          %mul3A_1072 = arith.constant 512 : i32
          %mul3A_1073 = arith.muli %mul3A_1072, %add3A_924 : i32
          %dma_start3A_1074 = arith.constant 0 : i32
          %dma_start3A_1075 = arith.constant 0 : i32
          %dma_start3A_1076 = tpu.memref_slice %run_scoped3A[%rem3A_1069, %dma_start3A_1074, %dma_start3A_1075] : memref<2x8x512xi32, #tpu.memory_space<vmem>> -> memref<1x8x512xi32, #tpu.memory_space<vmem>>
          %dma_start3A_1077 = tpu.memref_squeeze %dma_start3A_1076 : memref<1x8x512xi32, #tpu.memory_space<vmem>> -> memref<8x512xi32, #tpu.memory_space<vmem>>
          %dma_start3A_1078 = arith.constant 0 : i32
          %dma_start3A_1079 = arith.constant 0 : i32
          %dma_start3A_1080 = tpu.memref_slice %arg3[%dma_start3A_1078, %dma_start3A_1079] : memref<1025x1025xi32, #tpu.memory_space<hbm>> -> memref<1024x1024xi32, #tpu.memory_space<hbm>>
          %dma_start3A_1081 = tpu.memref_slice %dma_start3A_1080[%mul3A_1071, %mul3A_1073] : memref<1024x1024xi32, #tpu.memory_space<hbm>> -> memref<8x512xi32, #tpu.memory_space<hbm>>
          %dma_start3A_1082 = tpu.memref_slice %run_scoped3A_672[%rem3A_1069] : memref<2x!tpu.dma_semaphore, #tpu.memory_space<semaphore_mem>> -> memref<1x!tpu.dma_semaphore, #tpu.memory_space<semaphore_mem>>
          %dma_start3A_1083 = tpu.memref_squeeze %dma_start3A_1082 : memref<1x!tpu.dma_semaphore, #tpu.memory_space<semaphore_mem>> -> memref<!tpu.dma_semaphore, #tpu.memory_space<semaphore_mem>>
          %dma_start3A_1084 = arith.constant 0 : i32
          %dma_start3A_1085 = arith.constant 0 : i32
          %dma_start3A_1086 = tpu.memref_slice %run_scoped3A[%rem3A_1069, %dma_start3A_1084, %dma_start3A_1085] : memref<2x8x512xi32, #tpu.memory_space<vmem>> -> memref<1x8x512xi32, #tpu.memory_space<vmem>>
          %dma_start3A_1087 = tpu.memref_squeeze %dma_start3A_1086 : memref<1x8x512xi32, #tpu.memory_space<vmem>> -> memref<8x512xi32, #tpu.memory_space<vmem>>
          %dma_start3A_1088 = arith.constant 0 : i32
          %dma_start3A_1089 = arith.constant 0 : i32
          %dma_start3A_1090 = tpu.memref_slice %arg3[%dma_start3A_1088, %dma_start3A_1089] : memref<1025x1025xi32, #tpu.memory_space<hbm>> -> memref<1024x1024xi32, #tpu.memory_space<hbm>>
          %dma_start3A_1091 = tpu.memref_slice %dma_start3A_1090[%mul3A_1071, %mul3A_1073] : memref<1024x1024xi32, #tpu.memory_space<hbm>> -> memref<8x512xi32, #tpu.memory_space<hbm>>
          tpu.enqueue_dma source(%dma_start3A_1091 : memref<8x512xi32, #tpu.memory_space<hbm>>) target(%dma_start3A_1087 : memref<8x512xi32, #tpu.memory_space<vmem>>) target_semaphore(%dma_start3A_1083 : memref<!tpu.dma_semaphore, #tpu.memory_space<semaphore_mem>>)
          "tpu.trace_stop"() : () -> ()
        } else {
        }
        %and3A_951 = arith.constant true
        %and3A_952 = arith.andi %and3A, %and3A_951 : i1
        %add3A_953 = arith.constant 1 : i32
        %add3A_954 = arith.addi %scan3A_876, %add3A_953 : i32
        %select_n3A_955 = arith.select %and3A_952, %add3A_954, %scan3A_876 : i32
        %ne3A_956 = arith.cmpi ne, %add3A_886, %add3A_922 : i32
        %ne3A_957 = arith.cmpi ne, %add3A_888, %add3A_924 : i32
        %or3A_958 = arith.constant false
        %or3A_959 = arith.ori %or3A_958, %ne3A_956 : i1
        %or3A_960 = arith.ori %or3A_959, %ne3A_957 : i1
        %ge3A_961 = arith.constant 15 : i32
        %ge3A_962 = arith.cmpi sge, %scan3A_875, %ge3A_961 : i32
        %not3A_963 = arith.constant true
        %not3A_964 = arith.xori %ge3A_962, %not3A_963 : i1
        %and3A_965 = arith.andi %or3A_960, %not3A_964 : i1
        %ne3A_966 = arith.cmpi ne, %add3A_886, %add3A_904 : i32
        %ne3A_967 = arith.cmpi ne, %add3A_888, %add3A_906 : i32
        %or3A_968 = arith.constant false
        %or3A_969 = arith.ori %or3A_968, %ne3A_966 : i1
        %or3A_970 = arith.ori %or3A_969, %ne3A_967 : i1
        %or3A_971 = arith.ori %or3A_970, %eq3A_883 : i1
        %convert_element_type3A_972 = arith.extui %or3A_971 : i1 to i32
        %cond3A_973 = arith.constant 0 : i32
        %cond3A_974 = arith.cmpi ne, %convert_element_type3A_972, %cond3A_973 : i32
        scf.if %cond3A_974 {
          "tpu.trace_start"() <{level = 10 : i32, message = "ep_wait_in"}> : () -> ()
          %mul3A_1068 = arith.constant 8 : i32
          %mul3A_1069 = arith.muli %mul3A_1068, %add3A_886 : i32
          %mul3A_1070 = arith.constant 512 : i32
          %mul3A_1071 = arith.muli %mul3A_1070, %add3A_888 : i32
          %rem3A_1072 = arith.constant 2 : i32
          %rem3A_1073 = arith.remui %scan3A_877, %rem3A_1072 : i32
          %dma_wait3A_1074 = arith.constant 0 : i32
          %dma_wait3A_1075 = arith.constant 0 : i32
          %dma_wait3A_1076 = tpu.memref_slice %run_scoped3A[%rem3A_1073, %dma_wait3A_1074, %dma_wait3A_1075] : memref<2x8x512xi32, #tpu.memory_space<vmem>> -> memref<1x8x512xi32, #tpu.memory_space<vmem>>
          %dma_wait3A_1077 = tpu.memref_squeeze %dma_wait3A_1076 : memref<1x8x512xi32, #tpu.memory_space<vmem>> -> memref<8x512xi32, #tpu.memory_space<vmem>>
          %dma_wait3A_1078 = arith.constant 0 : i32
          %dma_wait3A_1079 = arith.constant 0 : i32
          %dma_wait3A_1080 = tpu.memref_slice %arg3[%dma_wait3A_1078, %dma_wait3A_1079] : memref<1025x1025xi32, #tpu.memory_space<hbm>> -> memref<1024x1024xi32, #tpu.memory_space<hbm>>
          %dma_wait3A_1081 = tpu.memref_slice %dma_wait3A_1080[%mul3A_1069, %mul3A_1071] : memref<1024x1024xi32, #tpu.memory_space<hbm>> -> memref<8x512xi32, #tpu.memory_space<hbm>>
          %dma_wait3A_1082 = tpu.memref_slice %run_scoped3A_672[%rem3A_1073] : memref<2x!tpu.dma_semaphore, #tpu.memory_space<semaphore_mem>> -> memref<1x!tpu.dma_semaphore, #tpu.memory_space<semaphore_mem>>
          %dma_wait3A_1083 = tpu.memref_squeeze %dma_wait3A_1082 : memref<1x!tpu.dma_semaphore, #tpu.memory_space<semaphore_mem>> -> memref<!tpu.dma_semaphore, #tpu.memory_space<semaphore_mem>>
          %dma_wait3A_1084 = arith.constant 0 : i32
          %dma_wait3A_1085 = arith.constant 0 : i32
          %dma_wait3A_1086 = tpu.memref_slice %run_scoped3A[%rem3A_1073, %dma_wait3A_1084, %dma_wait3A_1085] : memref<2x8x512xi32, #tpu.memory_space<vmem>> -> memref<1x8x512xi32, #tpu.memory_space<vmem>>
          %dma_wait3A_1087 = tpu.memref_squeeze %dma_wait3A_1086 : memref<1x8x512xi32, #tpu.memory_space<vmem>> -> memref<8x512xi32, #tpu.memory_space<vmem>>
          %dma_wait3A_1088 = arith.constant 0 : i32
          %dma_wait3A_1089 = arith.constant 0 : i32
          %dma_wait3A_1090 = tpu.memref_slice %arg3[%dma_wait3A_1088, %dma_wait3A_1089] : memref<1025x1025xi32, #tpu.memory_space<hbm>> -> memref<1024x1024xi32, #tpu.memory_space<hbm>>
          %dma_wait3A_1091 = tpu.memref_slice %dma_wait3A_1090[%mul3A_1069, %mul3A_1071] : memref<1024x1024xi32, #tpu.memory_space<hbm>> -> memref<8x512xi32, #tpu.memory_space<hbm>>
          tpu.wait_dma2 semaphore(%dma_wait3A_1083 : memref<!tpu.dma_semaphore, #tpu.memory_space<semaphore_mem>>) src(%dma_wait3A_1091 : memref<8x512xi32, #tpu.memory_space<hbm>>) dst(%dma_wait3A_1087 : memref<8x512xi32, #tpu.memory_space<vmem>>)
          "tpu.trace_stop"() : () -> ()
        } else {
        }
        %ne3A_975 = arith.cmpi ne, %add3A_886, %add3A_904 : i32
        %ne3A_976 = arith.cmpi ne, %add3A_888, %add3A_906 : i32
        %or3A_977 = arith.constant false
        %or3A_978 = arith.ori %or3A_977, %ne3A_975 : i1
        %or3A_979 = arith.ori %or3A_978, %ne3A_976 : i1
        %or3A_980 = arith.ori %or3A_979, %eq3A_883 : i1
        %convert_element_type3A_981 = arith.extui %or3A_980 : i1 to i32
        %cond3A_982 = arith.constant 0 : i32
        %cond3A_983 = arith.cmpi ne, %convert_element_type3A_981, %cond3A_982 : i32
        scf.if %cond3A_983 {
        } else {
        }
        %rem3A_984 = arith.constant 2 : i32
        %rem3A_985 = arith.remui %scan3A_877, %rem3A_984 : i32
        %rem3A_986 = arith.constant 2 : i32
        %rem3A_987 = arith.remui %scan3A_878, %rem3A_986 : i32
        %parallel_loop3A = arith.constant 0 : i32
        %parallel_loop3A_988 = arith.constant 256 : i32
        %parallel_loop3A_989 = arith.constant 1 : i32
        "tpu.trace_start"() <{level = 10 : i32, message = "ep_run_kernel"}> : () -> ()
        scf.for %parallel_loop3A_1068 = %parallel_loop3A to %parallel_loop3A_988 step %parallel_loop3A_989  : i32 {
          %parallel_loop3A_1069 = arith.constant 32 : i32
          %parallel_loop3A_1070 = arith.divsi %parallel_loop3A_1068, %parallel_loop3A_1069 : i32
          %parallel_loop3A_1071 = arith.constant 0 : i32
          %parallel_loop3A_1072 = arith.cmpi sgt, %parallel_loop3A_1068, %parallel_loop3A_1071 : i32
          %parallel_loop3A_1073 = arith.extui %parallel_loop3A_1072 : i1 to i32
          %parallel_loop3A_1074 = arith.constant 0 : i32
          %parallel_loop3A_1075 = arith.cmpi slt, %parallel_loop3A_1068, %parallel_loop3A_1074 : i32
          %parallel_loop3A_1076 = arith.extui %parallel_loop3A_1075 : i1 to i32
          %parallel_loop3A_1077 = arith.subi %parallel_loop3A_1073, %parallel_loop3A_1076 : i32
          %parallel_loop3A_1078 = arith.constant 0 : i32
          %parallel_loop3A_1079 = arith.cmpi sgt, %parallel_loop3A_1069, %parallel_loop3A_1078 : i32
          %parallel_loop3A_1080 = arith.extui %parallel_loop3A_1079 : i1 to i32
          %parallel_loop3A_1081 = arith.constant 0 : i32
          %parallel_loop3A_1082 = arith.cmpi slt, %parallel_loop3A_1069, %parallel_loop3A_1081 : i32
          %parallel_loop3A_1083 = arith.extui %parallel_loop3A_1082 : i1 to i32
          %parallel_loop3A_1084 = arith.subi %parallel_loop3A_1080, %parallel_loop3A_1083 : i32
          %parallel_loop3A_1085 = arith.cmpi ne, %parallel_loop3A_1077, %parallel_loop3A_1084 : i32
          %parallel_loop3A_1086 = arith.remsi %parallel_loop3A_1068, %parallel_loop3A_1069 : i32
          %parallel_loop3A_1087 = arith.constant 0 : i32
          %parallel_loop3A_1088 = arith.cmpi ne, %parallel_loop3A_1086, %parallel_loop3A_1087 : i32
          %parallel_loop3A_1089 = arith.andi %parallel_loop3A_1085, %parallel_loop3A_1088 : i1
          %parallel_loop3A_1090 = arith.constant 1 : i32
          %parallel_loop3A_1091 = arith.subi %parallel_loop3A_1070, %parallel_loop3A_1090 : i32
          %parallel_loop3A_1092 = arith.select %parallel_loop3A_1089, %parallel_loop3A_1091, %parallel_loop3A_1070 : i32
          %parallel_loop3A_1093 = arith.constant 32 : i32
          %parallel_loop3A_1094 = arith.constant 0 : i32
          %parallel_loop3A_1095 = arith.cmpi eq, %parallel_loop3A_1093, %parallel_loop3A_1094 : i32
          %parallel_loop3A_1096 = arith.constant 1 : i32
          %parallel_loop3A_1097 = arith.select %parallel_loop3A_1095, %parallel_loop3A_1096, %parallel_loop3A_1093 : i32
          %parallel_loop3A_1098 = arith.remsi %parallel_loop3A_1068, %parallel_loop3A_1097 : i32
          %parallel_loop3A_1099 = arith.constant 0 : i32
          %parallel_loop3A_1100 = arith.cmpi ne, %parallel_loop3A_1098, %parallel_loop3A_1099 : i32
          %parallel_loop3A_1101 = arith.constant 0 : i32
          %parallel_loop3A_1102 = arith.cmpi slt, %parallel_loop3A_1098, %parallel_loop3A_1101 : i32
          %parallel_loop3A_1103 = arith.constant 0 : i32
          %parallel_loop3A_1104 = arith.cmpi slt, %parallel_loop3A_1097, %parallel_loop3A_1103 : i32
          %parallel_loop3A_1105 = arith.xori %parallel_loop3A_1102, %parallel_loop3A_1104 : i1
          %parallel_loop3A_1106 = arith.andi %parallel_loop3A_1105, %parallel_loop3A_1100 : i1
          %parallel_loop3A_1107 = arith.addi %parallel_loop3A_1098, %parallel_loop3A_1097 : i32
          %parallel_loop3A_1108 = arith.select %parallel_loop3A_1106, %parallel_loop3A_1107, %parallel_loop3A_1098 : i32
          %parallel_loop3A_1109 = arith.constant 16 : i32
          %parallel_loop3A_1110 = arith.muli %parallel_loop3A_1108, %parallel_loop3A_1109 : i32
          %parallel_loop3A_1111 = arith.constant 0 : i32
          %parallel_loop3A_1112 = arith.constant 0 : i32
          %parallel_loop3A_1113 = tpu.memref_slice %run_scoped3A[%rem3A_985, %parallel_loop3A_1111, %parallel_loop3A_1112] : memref<2x8x512xi32, #tpu.memory_space<vmem>> -> memref<1x8x512xi32, #tpu.memory_space<vmem>>
          %parallel_loop3A_1114 = tpu.memref_squeeze %parallel_loop3A_1113 : memref<1x8x512xi32, #tpu.memory_space<vmem>> -> memref<8x512xi32, #tpu.memory_space<vmem>>
          %parallel_loop3A_1115 = arith.index_cast %parallel_loop3A_1092 : i32 to index
          %parallel_loop3A_1116 = arith.index_cast %parallel_loop3A_1110 : i32 to index
          %parallel_loop3A_1117 = tpu.vector_load %parallel_loop3A_1114[%parallel_loop3A_1115, %parallel_loop3A_1116] {strides = array<i32>} : memref<8x512xi32, #tpu.memory_space<vmem>>, vector<16xi32>,
          %parallel_loop3A_1118 = tpu.vector_load_idx %arg7[%parallel_loop3A_1117] : memref<3976xf32, #tpu.memory_space<vmem>>[vector<16xi32>], vector<16xf32>,
          %parallel_loop3A_1119 = arith.constant 16 : i32
          %parallel_loop3A_1120 = arith.muli %parallel_loop3A_1108, %parallel_loop3A_1119 : i32
          %parallel_loop3A_1121 = arith.constant 0 : i32
          %parallel_loop3A_1122 = arith.constant 0 : i32
          %parallel_loop3A_1123 = arith.constant 0 : i32
          %parallel_loop3A_1124 = arith.constant 0 : i32
          %parallel_loop3A_1125 = tpu.memref_slice %run_scoped3A_673[%rem3A_987, %parallel_loop3A_1122, %parallel_loop3A_1123, %parallel_loop3A_1124] : memref<2x8x8x512xf32, #tpu.memory_space<vmem>> -> memref<1x8x8x512xf32, #tpu.memory_space<vmem>>
          %parallel_loop3A_1126 = tpu.memref_squeeze %parallel_loop3A_1125 : memref<1x8x8x512xf32, #tpu.memory_space<vmem>> -> memref<8x8x512xf32, #tpu.memory_space<vmem>>
          %parallel_loop3A_1127 = arith.index_cast %parallel_loop3A_1121 : i32 to index
          %parallel_loop3A_1128 = arith.index_cast %parallel_loop3A_1092 : i32 to index
          %parallel_loop3A_1129 = arith.index_cast %parallel_loop3A_1120 : i32 to index
          %parallel_loop3A_1130 = tpu.vector_load %parallel_loop3A_1126[%parallel_loop3A_1127, %parallel_loop3A_1128, %parallel_loop3A_1129] {strides = array<i32>} : memref<8x8x512xf32, #tpu.memory_space<vmem>>, vector<16xf32>,
          tpu.vector_store %parallel_loop3A_1126[%parallel_loop3A_1127, %parallel_loop3A_1128, %parallel_loop3A_1129], %parallel_loop3A_1118 {strides = array<i32>} : memref<8x8x512xf32, #tpu.memory_space<vmem>>, vector<16xf32>,
          %parallel_loop3A_1131 = tpu.vector_load_idx %arg8[%parallel_loop3A_1117] : memref<3976xf32, #tpu.memory_space<vmem>>[vector<16xi32>], vector<16xf32>,
          %parallel_loop3A_1132 = arith.constant 16 : i32
          %parallel_loop3A_1133 = arith.muli %parallel_loop3A_1108, %parallel_loop3A_1132 : i32
          %parallel_loop3A_1134 = arith.constant 1 : i32
          %parallel_loop3A_1135 = arith.constant 0 : i32
          %parallel_loop3A_1136 = arith.constant 0 : i32
          %parallel_loop3A_1137 = arith.constant 0 : i32
          %parallel_loop3A_1138 = tpu.memref_slice %run_scoped3A_673[%rem3A_987, %parallel_loop3A_1135, %parallel_loop3A_1136, %parallel_loop3A_1137] : memref<2x8x8x512xf32, #tpu.memory_space<vmem>> -> memref<1x8x8x512xf32, #tpu.memory_space<vmem>>
          %parallel_loop3A_1139 = tpu.memref_squeeze %parallel_loop3A_1138 : memref<1x8x8x512xf32, #tpu.memory_space<vmem>> -> memref<8x8x512xf32, #tpu.memory_space<vmem>>
          %parallel_loop3A_1140 = arith.index_cast %parallel_loop3A_1134 : i32 to index
          %parallel_loop3A_1141 = arith.index_cast %parallel_loop3A_1092 : i32 to index
          %parallel_loop3A_1142 = arith.index_cast %parallel_loop3A_1133 : i32 to index
          %parallel_loop3A_1143 = tpu.vector_load %parallel_loop3A_1139[%parallel_loop3A_1140, %parallel_loop3A_1141, %parallel_loop3A_1142] {strides = array<i32>} : memref<8x8x512xf32, #tpu.memory_space<vmem>>, vector<16xf32>,
          tpu.vector_store %parallel_loop3A_1139[%parallel_loop3A_1140, %parallel_loop3A_1141, %parallel_loop3A_1142], %parallel_loop3A_1131 {strides = array<i32>} : memref<8x8x512xf32, #tpu.memory_space<vmem>>, vector<16xf32>,
          %parallel_loop3A_1144 = tpu.vector_load_idx %arg9[%parallel_loop3A_1117] : memref<3976xf32, #tpu.memory_space<vmem>>[vector<16xi32>], vector<16xf32>,
          %parallel_loop3A_1145 = arith.constant 16 : i32
          %parallel_loop3A_1146 = arith.muli %parallel_loop3A_1108, %parallel_loop3A_1145 : i32
          %parallel_loop3A_1147 = arith.constant 2 : i32
          %parallel_loop3A_1148 = arith.constant 0 : i32
          %parallel_loop3A_1149 = arith.constant 0 : i32
          %parallel_loop3A_1150 = arith.constant 0 : i32
          %parallel_loop3A_1151 = tpu.memref_slice %run_scoped3A_673[%rem3A_987, %parallel_loop3A_1148, %parallel_loop3A_1149, %parallel_loop3A_1150] : memref<2x8x8x512xf32, #tpu.memory_space<vmem>> -> memref<1x8x8x512xf32, #tpu.memory_space<vmem>>
          %parallel_loop3A_1152 = tpu.memref_squeeze %parallel_loop3A_1151 : memref<1x8x8x512xf32, #tpu.memory_space<vmem>> -> memref<8x8x512xf32, #tpu.memory_space<vmem>>
          %parallel_loop3A_1153 = arith.index_cast %parallel_loop3A_1147 : i32 to index
          %parallel_loop3A_1154 = arith.index_cast %parallel_loop3A_1092 : i32 to index
          %parallel_loop3A_1155 = arith.index_cast %parallel_loop3A_1146 : i32 to index
          %parallel_loop3A_1156 = tpu.vector_load %parallel_loop3A_1152[%parallel_loop3A_1153, %parallel_loop3A_1154, %parallel_loop3A_1155] {strides = array<i32>} : memref<8x8x512xf32, #tpu.memory_space<vmem>>, vector<16xf32>,
          tpu.vector_store %parallel_loop3A_1152[%parallel_loop3A_1153, %parallel_loop3A_1154, %parallel_loop3A_1155], %parallel_loop3A_1144 {strides = array<i32>} : memref<8x8x512xf32, #tpu.memory_space<vmem>>, vector<16xf32>,
          %parallel_loop3A_1157 = tpu.vector_load_idx %arg10[%parallel_loop3A_1117] : memref<3976xf32, #tpu.memory_space<vmem>>[vector<16xi32>], vector<16xf32>,
          %parallel_loop3A_1158 = arith.constant 16 : i32
          %parallel_loop3A_1159 = arith.muli %parallel_loop3A_1108, %parallel_loop3A_1158 : i32
          %parallel_loop3A_1160 = arith.constant 3 : i32
          %parallel_loop3A_1161 = arith.constant 0 : i32
          %parallel_loop3A_1162 = arith.constant 0 : i32
          %parallel_loop3A_1163 = arith.constant 0 : i32
          %parallel_loop3A_1164 = tpu.memref_slice %run_scoped3A_673[%rem3A_987, %parallel_loop3A_1161, %parallel_loop3A_1162, %parallel_loop3A_1163] : memref<2x8x8x512xf32, #tpu.memory_space<vmem>> -> memref<1x8x8x512xf32, #tpu.memory_space<vmem>>
          %parallel_loop3A_1165 = tpu.memref_squeeze %parallel_loop3A_1164 : memref<1x8x8x512xf32, #tpu.memory_space<vmem>> -> memref<8x8x512xf32, #tpu.memory_space<vmem>>
          %parallel_loop3A_1166 = arith.index_cast %parallel_loop3A_1160 : i32 to index
          %parallel_loop3A_1167 = arith.index_cast %parallel_loop3A_1092 : i32 to index
          %parallel_loop3A_1168 = arith.index_cast %parallel_loop3A_1159 : i32 to index
          %parallel_loop3A_1169 = tpu.vector_load %parallel_loop3A_1165[%parallel_loop3A_1166, %parallel_loop3A_1167, %parallel_loop3A_1168] {strides = array<i32>} : memref<8x8x512xf32, #tpu.memory_space<vmem>>, vector<16xf32>,
          tpu.vector_store %parallel_loop3A_1165[%parallel_loop3A_1166, %parallel_loop3A_1167, %parallel_loop3A_1168], %parallel_loop3A_1157 {strides = array<i32>} : memref<8x8x512xf32, #tpu.memory_space<vmem>>, vector<16xf32>,
          %parallel_loop3A_1170 = tpu.vector_load_idx %arg11[%parallel_loop3A_1117] : memref<3976xf32, #tpu.memory_space<vmem>>[vector<16xi32>], vector<16xf32>,
          %parallel_loop3A_1171 = arith.constant 16 : i32
          %parallel_loop3A_1172 = arith.muli %parallel_loop3A_1108, %parallel_loop3A_1171 : i32
          %parallel_loop3A_1173 = arith.constant 4 : i32
          %parallel_loop3A_1174 = arith.constant 0 : i32
          %parallel_loop3A_1175 = arith.constant 0 : i32
          %parallel_loop3A_1176 = arith.constant 0 : i32
          %parallel_loop3A_1177 = tpu.memref_slice %run_scoped3A_673[%rem3A_987, %parallel_loop3A_1174, %parallel_loop3A_1175, %parallel_loop3A_1176] : memref<2x8x8x512xf32, #tpu.memory_space<vmem>> -> memref<1x8x8x512xf32, #tpu.memory_space<vmem>>
          %parallel_loop3A_1178 = tpu.memref_squeeze %parallel_loop3A_1177 : memref<1x8x8x512xf32, #tpu.memory_space<vmem>> -> memref<8x8x512xf32, #tpu.memory_space<vmem>>
          %parallel_loop3A_1179 = arith.index_cast %parallel_loop3A_1173 : i32 to index
          %parallel_loop3A_1180 = arith.index_cast %parallel_loop3A_1092 : i32 to index
          %parallel_loop3A_1181 = arith.index_cast %parallel_loop3A_1172 : i32 to index
          %parallel_loop3A_1182 = tpu.vector_load %parallel_loop3A_1178[%parallel_loop3A_1179, %parallel_loop3A_1180, %parallel_loop3A_1181] {strides = array<i32>} : memref<8x8x512xf32, #tpu.memory_space<vmem>>, vector<16xf32>,
          tpu.vector_store %parallel_loop3A_1178[%parallel_loop3A_1179, %parallel_loop3A_1180, %parallel_loop3A_1181], %parallel_loop3A_1170 {strides = array<i32>} : memref<8x8x512xf32, #tpu.memory_space<vmem>>, vector<16xf32>,
          %parallel_loop3A_1183 = tpu.vector_load_idx %arg12[%parallel_loop3A_1117] : memref<3976xf32, #tpu.memory_space<vmem>>[vector<16xi32>], vector<16xf32>,
          %parallel_loop3A_1184 = arith.constant 16 : i32
          %parallel_loop3A_1185 = arith.muli %parallel_loop3A_1108, %parallel_loop3A_1184 : i32
          %parallel_loop3A_1186 = arith.constant 5 : i32
          %parallel_loop3A_1187 = arith.constant 0 : i32
          %parallel_loop3A_1188 = arith.constant 0 : i32
          %parallel_loop3A_1189 = arith.constant 0 : i32
          %parallel_loop3A_1190 = tpu.memref_slice %run_scoped3A_673[%rem3A_987, %parallel_loop3A_1187, %parallel_loop3A_1188, %parallel_loop3A_1189] : memref<2x8x8x512xf32, #tpu.memory_space<vmem>> -> memref<1x8x8x512xf32, #tpu.memory_space<vmem>>
          %parallel_loop3A_1191 = tpu.memref_squeeze %parallel_loop3A_1190 : memref<1x8x8x512xf32, #tpu.memory_space<vmem>> -> memref<8x8x512xf32, #tpu.memory_space<vmem>>
          %parallel_loop3A_1192 = arith.index_cast %parallel_loop3A_1186 : i32 to index
          %parallel_loop3A_1193 = arith.index_cast %parallel_loop3A_1092 : i32 to index
          %parallel_loop3A_1194 = arith.index_cast %parallel_loop3A_1185 : i32 to index
          %parallel_loop3A_1195 = tpu.vector_load %parallel_loop3A_1191[%parallel_loop3A_1192, %parallel_loop3A_1193, %parallel_loop3A_1194] {strides = array<i32>} : memref<8x8x512xf32, #tpu.memory_space<vmem>>, vector<16xf32>,
          tpu.vector_store %parallel_loop3A_1191[%parallel_loop3A_1192, %parallel_loop3A_1193, %parallel_loop3A_1194], %parallel_loop3A_1183 {strides = array<i32>} : memref<8x8x512xf32, #tpu.memory_space<vmem>>, vector<16xf32>,
          %parallel_loop3A_1196 = tpu.vector_load_idx %arg13[%parallel_loop3A_1117] : memref<3976xf32, #tpu.memory_space<vmem>>[vector<16xi32>], vector<16xf32>,
          %parallel_loop3A_1197 = arith.constant 16 : i32
          %parallel_loop3A_1198 = arith.muli %parallel_loop3A_1108, %parallel_loop3A_1197 : i32
          %parallel_loop3A_1199 = arith.constant 6 : i32
          %parallel_loop3A_1200 = arith.constant 0 : i32
          %parallel_loop3A_1201 = arith.constant 0 : i32
          %parallel_loop3A_1202 = arith.constant 0 : i32
          %parallel_loop3A_1203 = tpu.memref_slice %run_scoped3A_673[%rem3A_987, %parallel_loop3A_1200, %parallel_loop3A_1201, %parallel_loop3A_1202] : memref<2x8x8x512xf32, #tpu.memory_space<vmem>> -> memref<1x8x8x512xf32, #tpu.memory_space<vmem>>
          %parallel_loop3A_1204 = tpu.memref_squeeze %parallel_loop3A_1203 : memref<1x8x8x512xf32, #tpu.memory_space<vmem>> -> memref<8x8x512xf32, #tpu.memory_space<vmem>>
          %parallel_loop3A_1205 = arith.index_cast %parallel_loop3A_1199 : i32 to index
          %parallel_loop3A_1206 = arith.index_cast %parallel_loop3A_1092 : i32 to index
          %parallel_loop3A_1207 = arith.index_cast %parallel_loop3A_1198 : i32 to index
          %parallel_loop3A_1208 = tpu.vector_load %parallel_loop3A_1204[%parallel_loop3A_1205, %parallel_loop3A_1206, %parallel_loop3A_1207] {strides = array<i32>} : memref<8x8x512xf32, #tpu.memory_space<vmem>>, vector<16xf32>,
          tpu.vector_store %parallel_loop3A_1204[%parallel_loop3A_1205, %parallel_loop3A_1206, %parallel_loop3A_1207], %parallel_loop3A_1196 {strides = array<i32>} : memref<8x8x512xf32, #tpu.memory_space<vmem>>, vector<16xf32>,
          %parallel_loop3A_1209 = tpu.vector_load_idx %arg14[%parallel_loop3A_1117] : memref<3976xf32, #tpu.memory_space<vmem>>[vector<16xi32>], vector<16xf32>,
          %parallel_loop3A_1210 = arith.constant 16 : i32
          %parallel_loop3A_1211 = arith.muli %parallel_loop3A_1108, %parallel_loop3A_1210 : i32
          %parallel_loop3A_1212 = arith.constant 7 : i32
          %parallel_loop3A_1213 = arith.constant 0 : i32
          %parallel_loop3A_1214 = arith.constant 0 : i32
          %parallel_loop3A_1215 = arith.constant 0 : i32
          %parallel_loop3A_1216 = tpu.memref_slice %run_scoped3A_673[%rem3A_987, %parallel_loop3A_1213, %parallel_loop3A_1214, %parallel_loop3A_1215] : memref<2x8x8x512xf32, #tpu.memory_space<vmem>> -> memref<1x8x8x512xf32, #tpu.memory_space<vmem>>
          %parallel_loop3A_1217 = tpu.memref_squeeze %parallel_loop3A_1216 : memref<1x8x8x512xf32, #tpu.memory_space<vmem>> -> memref<8x8x512xf32, #tpu.memory_space<vmem>>
          %parallel_loop3A_1218 = arith.index_cast %parallel_loop3A_1212 : i32 to index
          %parallel_loop3A_1219 = arith.index_cast %parallel_loop3A_1092 : i32 to index
          %parallel_loop3A_1220 = arith.index_cast %parallel_loop3A_1211 : i32 to index
          %parallel_loop3A_1221 = tpu.vector_load %parallel_loop3A_1217[%parallel_loop3A_1218, %parallel_loop3A_1219, %parallel_loop3A_1220] {strides = array<i32>} : memref<8x8x512xf32, #tpu.memory_space<vmem>>, vector<16xf32>,
          tpu.vector_store %parallel_loop3A_1217[%parallel_loop3A_1218, %parallel_loop3A_1219, %parallel_loop3A_1220], %parallel_loop3A_1209 {strides = array<i32>} : memref<8x8x512xf32, #tpu.memory_space<vmem>>, vector<16xf32>,
        } {sc.loop_unroll_factor = 4 : i64, sc.parallel_access}
        "tpu.trace_stop"() : () -> ()
        %ne3A_990 = arith.cmpi ne, %add3A_886, %add3A_922 : i32
        %ne3A_991 = arith.cmpi ne, %add3A_888, %add3A_924 : i32
        %or3A_992 = arith.constant false
        %or3A_993 = arith.ori %or3A_992, %ne3A_990 : i1
        %or3A_994 = arith.ori %or3A_993, %ne3A_991 : i1
        %or3A_995 = arith.ori %or3A_994, %eq3A_885 : i1
        %convert_element_type3A_996 = arith.extui %or3A_995 : i1 to i32
        %cond3A_997 = arith.constant 0 : i32
        %cond3A_998 = arith.cmpi ne, %convert_element_type3A_996, %cond3A_997 : i32
        scf.if %cond3A_998 {
        } else {
        }
        %and3A_999 = arith.constant false
        %and3A_1000 = arith.andi %or3A_995, %and3A_999 : i1
        %ne3A_1001 = arith.cmpi ne, %add3A_886, %add3A_922 : i32
        %ne3A_1002 = arith.cmpi ne, %add3A_888, %add3A_924 : i32
        %or3A_1003 = arith.constant false
        %or3A_1004 = arith.ori %or3A_1003, %ne3A_1001 : i1
        %or3A_1005 = arith.ori %or3A_1004, %ne3A_1002 : i1
        %or3A_1006 = arith.ori %or3A_1005, %eq3A_885 : i1
        %convert_element_type3A_1007 = arith.extui %or3A_1006 : i1 to i32
        %cond3A_1008 = arith.constant 0 : i32
        %cond3A_1009 = arith.cmpi ne, %convert_element_type3A_1007, %cond3A_1008 : i32
        scf.if %cond3A_1009 {
          "tpu.trace_start"() <{level = 10 : i32, message = "ep_copy_out"}> : () -> ()
          %rem3A_1068 = arith.constant 2 : i32
          %rem3A_1069 = arith.remui %scan3A_878, %rem3A_1068 : i32
          %mul3A_1070 = arith.constant 8 : i32
          %mul3A_1071 = arith.muli %mul3A_1070, %add3A_886 : i32
          %mul3A_1072 = arith.constant 512 : i32
          %mul3A_1073 = arith.muli %mul3A_1072, %add3A_888 : i32
          %dma_start3A_1074 = arith.constant 0 : i32
          %dma_start3A_1075 = arith.constant 0 : i32
          %dma_start3A_1076 = arith.constant 0 : i32
          %dma_start3A_1077 = tpu.memref_slice %run_scoped3A_673[%rem3A_1069, %dma_start3A_1074, %dma_start3A_1075, %dma_start3A_1076] : memref<2x8x8x512xf32, #tpu.memory_space<vmem>> -> memref<1x8x8x512xf32, #tpu.memory_space<vmem>>
          %dma_start3A_1078 = tpu.memref_squeeze %dma_start3A_1077 : memref<1x8x8x512xf32, #tpu.memory_space<vmem>> -> memref<8x8x512xf32, #tpu.memory_space<vmem>>
          %dma_start3A_1079 = arith.constant 0 : i32
          %dma_start3A_1080 = arith.constant 0 : i32
          %dma_start3A_1081 = tpu.memref_slice %arg6[%mul3A_0, %dma_start3A_1079, %dma_start3A_1080] : memref<16x1025x1025xf32, #tpu.memory_space<hbm>> -> memref<8x1025x1025xf32, #tpu.memory_space<hbm>>
          %dma_start3A_1082 = arith.constant 0 : i32
          %dma_start3A_1083 = arith.constant 0 : i32
          %dma_start3A_1084 = arith.constant 0 : i32
          %dma_start3A_1085 = tpu.memref_slice %dma_start3A_1081[%dma_start3A_1082, %dma_start3A_1083, %dma_start3A_1084] : memref<8x1025x1025xf32, #tpu.memory_space<hbm>> -> memref<8x1024x1024xf32, #tpu.memory_space<hbm>>
          %dma_start3A_1086 = arith.constant 0 : i32
          %dma_start3A_1087 = tpu.memref_slice %dma_start3A_1085[%dma_start3A_1086, %mul3A_1071, %mul3A_1073] : memref<8x1024x1024xf32, #tpu.memory_space<hbm>> -> memref<8x8x512xf32, #tpu.memory_space<hbm>>
          %dma_start3A_1088 = tpu.memref_slice %run_scoped3A_674[%rem3A_1069] : memref<2x!tpu.dma_semaphore, #tpu.memory_space<semaphore_mem>> -> memref<1x!tpu.dma_semaphore, #tpu.memory_space<semaphore_mem>>
          %dma_start3A_1089 = tpu.memref_squeeze %dma_start3A_1088 : memref<1x!tpu.dma_semaphore, #tpu.memory_space<semaphore_mem>> -> memref<!tpu.dma_semaphore, #tpu.memory_space<semaphore_mem>>
          %dma_start3A_1090 = arith.constant 0 : i32
          %dma_start3A_1091 = arith.constant 0 : i32
          %dma_start3A_1092 = tpu.memref_slice %arg6[%mul3A_0, %dma_start3A_1090, %dma_start3A_1091] : memref<16x1025x1025xf32, #tpu.memory_space<hbm>> -> memref<8x1025x1025xf32, #tpu.memory_space<hbm>>
          %dma_start3A_1093 = arith.constant 0 : i32
          %dma_start3A_1094 = arith.constant 0 : i32
          %dma_start3A_1095 = arith.constant 0 : i32
          %dma_start3A_1096 = tpu.memref_slice %dma_start3A_1092[%dma_start3A_1093, %dma_start3A_1094, %dma_start3A_1095] : memref<8x1025x1025xf32, #tpu.memory_space<hbm>> -> memref<8x1024x1024xf32, #tpu.memory_space<hbm>>
          %dma_start3A_1097 = arith.constant 0 : i32
          %dma_start3A_1098 = tpu.memref_slice %dma_start3A_1096[%dma_start3A_1097, %mul3A_1071, %mul3A_1073] : memref<8x1024x1024xf32, #tpu.memory_space<hbm>> -> memref<8x8x512xf32, #tpu.memory_space<hbm>>
          %dma_start3A_1099 = arith.constant 0 : i32
          %dma_start3A_1100 = arith.constant 0 : i32
          %dma_start3A_1101 = arith.constant 0 : i32
          %dma_start3A_1102 = tpu.memref_slice %run_scoped3A_673[%rem3A_1069, %dma_start3A_1099, %dma_start3A_1100, %dma_start3A_1101] : memref<2x8x8x512xf32, #tpu.memory_space<vmem>> -> memref<1x8x8x512xf32, #tpu.memory_space<vmem>>
          %dma_start3A_1103 = tpu.memref_squeeze %dma_start3A_1102 : memref<1x8x8x512xf32, #tpu.memory_space<vmem>> -> memref<8x8x512xf32, #tpu.memory_space<vmem>>
          tpu.enqueue_dma source(%dma_start3A_1103 : memref<8x8x512xf32, #tpu.memory_space<vmem>>) target(%dma_start3A_1098 : memref<8x8x512xf32, #tpu.memory_space<hbm>>) target_semaphore(%dma_start3A_1089 : memref<!tpu.dma_semaphore, #tpu.memory_space<semaphore_mem>>)
          "tpu.trace_stop"() : () -> ()
        } else {
        }
        %and3A_1010 = arith.constant true
        %and3A_1011 = arith.andi %or3A_1006, %and3A_1010 : i1
        %add3A_1012 = arith.constant 1 : i32
        %add3A_1013 = arith.addi %scan3A_878, %add3A_1012 : i32
        %select_n3A_1014 = arith.select %and3A_1011, %add3A_1013, %scan3A_878 : i32
        %ne3A_1015 = arith.cmpi ne, %add3A_886, %add3A_904 : i32
        %ne3A_1016 = arith.cmpi ne, %add3A_888, %add3A_906 : i32
        %or3A_1017 = arith.constant false
        %or3A_1018 = arith.ori %or3A_1017, %ne3A_1015 : i1
        %or3A_1019 = arith.ori %or3A_1018, %ne3A_1016 : i1
        %not3A_1020 = arith.constant true
        %not3A_1021 = arith.xori %eq3A_883, %not3A_1020 : i1
        %and3A_1022 = arith.andi %or3A_1019, %not3A_1021 : i1
        %convert_element_type3A_1023 = arith.extui %and3A_1022 : i1 to i32
        %cond3A_1024 = arith.constant 0 : i32
        %cond3A_1025 = arith.cmpi ne, %convert_element_type3A_1023, %cond3A_1024 : i32
        scf.if %cond3A_1025 {
        } else {
        }
        %and3A_1026 = arith.constant false
        %and3A_1027 = arith.andi %and3A_1022, %and3A_1026 : i1
        %ne3A_1028 = arith.cmpi ne, %add3A_886, %add3A_904 : i32
        %ne3A_1029 = arith.cmpi ne, %add3A_888, %add3A_906 : i32
        %or3A_1030 = arith.constant false
        %or3A_1031 = arith.ori %or3A_1030, %ne3A_1028 : i1
        %or3A_1032 = arith.ori %or3A_1031, %ne3A_1029 : i1
        %not3A_1033 = arith.constant true
        %not3A_1034 = arith.xori %eq3A_883, %not3A_1033 : i1
        %and3A_1035 = arith.andi %or3A_1032, %not3A_1034 : i1
        %convert_element_type3A_1036 = arith.extui %and3A_1035 : i1 to i32
        %cond3A_1037 = arith.constant 0 : i32
        %cond3A_1038 = arith.cmpi ne, %convert_element_type3A_1036, %cond3A_1037 : i32
        scf.if %cond3A_1038 {
          "tpu.trace_start"() <{level = 10 : i32, message = "ep_wait_out"}> : () -> ()
          %rem3A_1068 = arith.constant 2 : i32
          %rem3A_1069 = arith.remui %scan3A_879, %rem3A_1068 : i32
          %mul3A_1070 = arith.constant 8 : i32
          %mul3A_1071 = arith.muli %mul3A_1070, %add3A_904 : i32
          %mul3A_1072 = arith.constant 512 : i32
          %mul3A_1073 = arith.muli %mul3A_1072, %add3A_906 : i32
          %dma_wait3A_1074 = arith.constant 0 : i32
          %dma_wait3A_1075 = arith.constant 0 : i32
          %dma_wait3A_1076 = arith.constant 0 : i32
          %dma_wait3A_1077 = tpu.memref_slice %run_scoped3A_673[%rem3A_1069, %dma_wait3A_1074, %dma_wait3A_1075, %dma_wait3A_1076] : memref<2x8x8x512xf32, #tpu.memory_space<vmem>> -> memref<1x8x8x512xf32, #tpu.memory_space<vmem>>
          %dma_wait3A_1078 = tpu.memref_squeeze %dma_wait3A_1077 : memref<1x8x8x512xf32, #tpu.memory_space<vmem>> -> memref<8x8x512xf32, #tpu.memory_space<vmem>>
          %dma_wait3A_1079 = arith.constant 0 : i32
          %dma_wait3A_1080 = arith.constant 0 : i32
          %dma_wait3A_1081 = tpu.memref_slice %arg6[%mul3A_0, %dma_wait3A_1079, %dma_wait3A_1080] : memref<16x1025x1025xf32, #tpu.memory_space<hbm>> -> memref<8x1025x1025xf32, #tpu.memory_space<hbm>>
          %dma_wait3A_1082 = arith.constant 0 : i32
          %dma_wait3A_1083 = arith.constant 0 : i32
          %dma_wait3A_1084 = arith.constant 0 : i32
          %dma_wait3A_1085 = tpu.memref_slice %dma_wait3A_1081[%dma_wait3A_1082, %dma_wait3A_1083, %dma_wait3A_1084] : memref<8x1025x1025xf32, #tpu.memory_space<hbm>> -> memref<8x1024x1024xf32, #tpu.memory_space<hbm>>
          %dma_wait3A_1086 = arith.constant 0 : i32
          %dma_wait3A_1087 = tpu.memref_slice %dma_wait3A_1085[%dma_wait3A_1086, %mul3A_1071, %mul3A_1073] : memref<8x1024x1024xf32, #tpu.memory_space<hbm>> -> memref<8x8x512xf32, #tpu.memory_space<hbm>>
          %dma_wait3A_1088 = tpu.memref_slice %run_scoped3A_674[%rem3A_1069] : memref<2x!tpu.dma_semaphore, #tpu.memory_space<semaphore_mem>> -> memref<1x!tpu.dma_semaphore, #tpu.memory_space<semaphore_mem>>
          %dma_wait3A_1089 = tpu.memref_squeeze %dma_wait3A_1088 : memref<1x!tpu.dma_semaphore, #tpu.memory_space<semaphore_mem>> -> memref<!tpu.dma_semaphore, #tpu.memory_space<semaphore_mem>>
          %dma_wait3A_1090 = arith.constant 0 : i32
          %dma_wait3A_1091 = arith.constant 0 : i32
          %dma_wait3A_1092 = tpu.memref_slice %arg6[%mul3A_0, %dma_wait3A_1090, %dma_wait3A_1091] : memref<16x1025x1025xf32, #tpu.memory_space<hbm>> -> memref<8x1025x1025xf32, #tpu.memory_space<hbm>>
          %dma_wait3A_1093 = arith.constant 0 : i32
          %dma_wait3A_1094 = arith.constant 0 : i32
          %dma_wait3A_1095 = arith.constant 0 : i32
          %dma_wait3A_1096 = tpu.memref_slice %dma_wait3A_1092[%dma_wait3A_1093, %dma_wait3A_1094, %dma_wait3A_1095] : memref<8x1025x1025xf32, #tpu.memory_space<hbm>> -> memref<8x1024x1024xf32, #tpu.memory_space<hbm>>
          %dma_wait3A_1097 = arith.constant 0 : i32
          %dma_wait3A_1098 = tpu.memref_slice %dma_wait3A_1096[%dma_wait3A_1097, %mul3A_1071, %mul3A_1073] : memref<8x1024x1024xf32, #tpu.memory_space<hbm>> -> memref<8x8x512xf32, #tpu.memory_space<hbm>>
          %dma_wait3A_1099 = arith.constant 0 : i32
          %dma_wait3A_1100 = arith.constant 0 : i32
          %dma_wait3A_1101 = arith.constant 0 : i32
          %dma_wait3A_1102 = tpu.memref_slice %run_scoped3A_673[%rem3A_1069, %dma_wait3A_1099, %dma_wait3A_1100, %dma_wait3A_1101] : memref<2x8x8x512xf32, #tpu.memory_space<vmem>> -> memref<1x8x8x512xf32, #tpu.memory_space<vmem>>
          %dma_wait3A_1103 = tpu.memref_squeeze %dma_wait3A_1102 : memref<1x8x8x512xf32, #tpu.memory_space<vmem>> -> memref<8x8x512xf32, #tpu.memory_space<vmem>>
          tpu.wait_dma2 semaphore(%dma_wait3A_1089 : memref<!tpu.dma_semaphore, #tpu.memory_space<semaphore_mem>>) src(%dma_wait3A_1103 : memref<8x8x512xf32, #tpu.memory_space<vmem>>) dst(%dma_wait3A_1098 : memref<8x8x512xf32, #tpu.memory_space<hbm>>)
          "tpu.trace_stop"() : () -> ()
        } else {
        }
        %and3A_1039 = arith.constant true
        %and3A_1040 = arith.andi %and3A_1035, %and3A_1039 : i1
        %add3A_1041 = arith.constant 1 : i32
        %add3A_1042 = arith.addi %scan3A_879, %add3A_1041 : i32
        %select_n3A_1043 = arith.select %and3A_1040, %add3A_1042, %scan3A_879 : i32
        %ne3A_1044 = arith.cmpi ne, %add3A_886, %add3A_922 : i32
        %ne3A_1045 = arith.cmpi ne, %add3A_888, %add3A_924 : i32
        %or3A_1046 = arith.constant false
        %or3A_1047 = arith.ori %or3A_1046, %ne3A_1044 : i1
        %or3A_1048 = arith.ori %or3A_1047, %ne3A_1045 : i1
        %or3A_1049 = arith.ori %or3A_1048, %eq3A_885 : i1
        %add3A_1050 = arith.constant 1 : i32
        %add3A_1051 = arith.addi %scan3A_877, %add3A_1050 : i32
        %select_n3A_1052 = arith.select %or3A_1049, %add3A_1051, %scan3A_877 : i32
        %add3A_1053 = arith.constant 1 : i32
        %add3A_1054 = arith.addi %scan3A_881, %add3A_1053 : i32
        %select_n3A_1055 = arith.constant true
        %select_n3A_1056 = arith.select %select_n3A_1055, %add3A_1054, %scan3A_881 : i32
        %eq3A_1057 = arith.constant 2 : i32
        %eq3A_1058 = arith.cmpi eq, %select_n3A_1056, %eq3A_1057 : i32
        %select_n3A_1059 = arith.constant 0 : i32
        %select_n3A_1060 = arith.select %eq3A_1058, %select_n3A_1059, %select_n3A_1056 : i32
        %add3A_1061 = arith.constant 1 : i32
        %add3A_1062 = arith.addi %scan3A_880, %add3A_1061 : i32
        %select_n3A_1063 = arith.select %eq3A_1058, %add3A_1062, %scan3A_880 : i32
        %eq3A_1064 = arith.constant 8 : i32
        %eq3A_1065 = arith.cmpi eq, %select_n3A_1063, %eq3A_1064 : i32
        %select_n3A_1066 = arith.constant 0 : i32
        %select_n3A_1067 = arith.select %eq3A_1065, %select_n3A_1066, %select_n3A_1063 : i32
        scf.yield %select_n3A_955, %select_n3A_1052, %select_n3A_1014, %select_n3A_1043, %select_n3A_1067, %select_n3A_1060 : i32, i32, i32, i32, i32, i32
      }
      %scan3A_768 = arith.constant 16 : i32
      %sub3A = arith.constant 1 : i32
      %sub3A_769 = arith.subi %scan3A_767#5, %sub3A : i32
      %select_n3A_770 = arith.constant true
      %select_n3A_771 = arith.select %select_n3A_770, %sub3A_769, %scan3A_767#5 : i32
      %eq3A_772 = arith.constant -1 : i32
      %eq3A_773 = arith.cmpi eq, %select_n3A_771, %eq3A_772 : i32
      %select_n3A_774 = arith.constant 1 : i32
      %select_n3A_775 = arith.select %eq3A_773, %select_n3A_774, %select_n3A_771 : i32
      %sub3A_776 = arith.constant 1 : i32
      %sub3A_777 = arith.subi %scan3A_767#4, %sub3A_776 : i32
      %select_n3A_778 = arith.select %eq3A_773, %sub3A_777, %scan3A_767#4 : i32
      %eq3A_779 = arith.constant -1 : i32
      %eq3A_780 = arith.cmpi eq, %select_n3A_778, %eq3A_779 : i32
      %select_n3A_781 = arith.constant 7 : i32
      %select_n3A_782 = arith.select %eq3A_780, %select_n3A_781, %select_n3A_778 : i32
      %add3A_783 = arith.addi %select_n3A_782, %mul3A_37 : i32
      %add3A_784 = arith.constant 0 : i32
      %add3A_785 = arith.addi %select_n3A_775, %add3A_784 : i32
      %sub3A_786 = arith.constant 1 : i32
      %sub3A_787 = arith.subi %select_n3A_775, %sub3A_786 : i32
      %select_n3A_788 = arith.constant true
      %select_n3A_789 = arith.select %select_n3A_788, %sub3A_787, %select_n3A_775 : i32
      %eq3A_790 = arith.constant -1 : i32
      %eq3A_791 = arith.cmpi eq, %select_n3A_789, %eq3A_790 : i32
      %select_n3A_792 = arith.constant 1 : i32
      %select_n3A_793 = arith.select %eq3A_791, %select_n3A_792, %select_n3A_789 : i32
      %sub3A_794 = arith.constant 1 : i32
      %sub3A_795 = arith.subi %select_n3A_782, %sub3A_794 : i32
      %select_n3A_796 = arith.select %eq3A_791, %sub3A_795, %select_n3A_782 : i32
      %eq3A_797 = arith.constant -1 : i32
      %eq3A_798 = arith.cmpi eq, %select_n3A_796, %eq3A_797 : i32
      %select_n3A_799 = arith.constant 7 : i32
      %select_n3A_800 = arith.select %eq3A_798, %select_n3A_799, %select_n3A_796 : i32
      %add3A_801 = arith.addi %select_n3A_800, %mul3A_37 : i32
      %add3A_802 = arith.constant 0 : i32
      %add3A_803 = arith.addi %select_n3A_793, %add3A_802 : i32
      %add3A_804 = arith.constant 1 : i32
      %add3A_805 = arith.addi %select_n3A_775, %add3A_804 : i32
      %select_n3A_806 = arith.constant true
      %select_n3A_807 = arith.select %select_n3A_806, %add3A_805, %select_n3A_775 : i32
      %eq3A_808 = arith.constant 2 : i32
      %eq3A_809 = arith.cmpi eq, %select_n3A_807, %eq3A_808 : i32
      %select_n3A_810 = arith.constant 0 : i32
      %select_n3A_811 = arith.select %eq3A_809, %select_n3A_810, %select_n3A_807 : i32
      %add3A_812 = arith.constant 1 : i32
      %add3A_813 = arith.addi %select_n3A_782, %add3A_812 : i32
      %select_n3A_814 = arith.select %eq3A_809, %add3A_813, %select_n3A_782 : i32
      %eq3A_815 = arith.constant 8 : i32
      %eq3A_816 = arith.cmpi eq, %select_n3A_814, %eq3A_815 : i32
      %select_n3A_817 = arith.constant 0 : i32
      %select_n3A_818 = arith.select %eq3A_816, %select_n3A_817, %select_n3A_814 : i32
      %add3A_819 = arith.addi %select_n3A_818, %mul3A_37 : i32
      %add3A_820 = arith.constant 0 : i32
      %add3A_821 = arith.addi %select_n3A_811, %add3A_820 : i32
      %add3A_822 = arith.constant 1 : i32
      %add3A_823 = arith.addi %select_n3A_811, %add3A_822 : i32
      %select_n3A_824 = arith.constant true
      %select_n3A_825 = arith.select %select_n3A_824, %add3A_823, %select_n3A_811 : i32
      %eq3A_826 = arith.constant 2 : i32
      %eq3A_827 = arith.cmpi eq, %select_n3A_825, %eq3A_826 : i32
      %select_n3A_828 = arith.constant 0 : i32
      %select_n3A_829 = arith.select %eq3A_827, %select_n3A_828, %select_n3A_825 : i32
      %add3A_830 = arith.constant 1 : i32
      %add3A_831 = arith.addi %select_n3A_818, %add3A_830 : i32
      %select_n3A_832 = arith.select %eq3A_827, %add3A_831, %select_n3A_818 : i32
      %eq3A_833 = arith.constant 8 : i32
      %eq3A_834 = arith.cmpi eq, %select_n3A_832, %eq3A_833 : i32
      %select_n3A_835 = arith.constant 0 : i32
      %select_n3A_836 = arith.select %eq3A_834, %select_n3A_835, %select_n3A_832 : i32
      %add3A_837 = arith.addi %select_n3A_836, %mul3A_37 : i32
      %add3A_838 = arith.constant 0 : i32
      %add3A_839 = arith.addi %select_n3A_829, %add3A_838 : i32
      "tpu.trace_start"() <{level = 10 : i32, message = "ep_finalize"}> : () -> ()
      %rem3A_840 = arith.constant 2 : i32
      %rem3A_841 = arith.remui %scan3A_767#3, %rem3A_840 : i32
      %mul3A_842 = arith.constant 8 : i32
      %mul3A_843 = arith.muli %mul3A_842, %add3A_783 : i32
      %mul3A_844 = arith.constant 512 : i32
      %mul3A_845 = arith.muli %mul3A_844, %add3A_785 : i32
      %dma_wait3A = arith.constant 0 : i32
      %dma_wait3A_846 = arith.constant 0 : i32
      %dma_wait3A_847 = arith.constant 0 : i32
      %dma_wait3A_848 = tpu.memref_slice %run_scoped3A_673[%rem3A_841, %dma_wait3A, %dma_wait3A_846, %dma_wait3A_847] : memref<2x8x8x512xf32, #tpu.memory_space<vmem>> -> memref<1x8x8x512xf32, #tpu.memory_space<vmem>>
      %dma_wait3A_849 = tpu.memref_squeeze %dma_wait3A_848 : memref<1x8x8x512xf32, #tpu.memory_space<vmem>> -> memref<8x8x512xf32, #tpu.memory_space<vmem>>
      %dma_wait3A_850 = arith.constant 0 : i32
      %dma_wait3A_851 = arith.constant 0 : i32
      %dma_wait3A_852 = tpu.memref_slice %arg6[%mul3A_0, %dma_wait3A_850, %dma_wait3A_851] : memref<16x1025x1025xf32, #tpu.memory_space<hbm>> -> memref<8x1025x1025xf32, #tpu.memory_space<hbm>>
      %dma_wait3A_853 = arith.constant 0 : i32
      %dma_wait3A_854 = arith.constant 0 : i32
      %dma_wait3A_855 = arith.constant 0 : i32
      %dma_wait3A_856 = tpu.memref_slice %dma_wait3A_852[%dma_wait3A_853, %dma_wait3A_854, %dma_wait3A_855] : memref<8x1025x1025xf32, #tpu.memory_space<hbm>> -> memref<8x1024x1024xf32, #tpu.memory_space<hbm>>
      %dma_wait3A_857 = arith.constant 0 : i32
      %dma_wait3A_858 = tpu.memref_slice %dma_wait3A_856[%dma_wait3A_857, %mul3A_843, %mul3A_845] : memref<8x1024x1024xf32, #tpu.memory_space<hbm>> -> memref<8x8x512xf32, #tpu.memory_space<hbm>>
      %dma_wait3A_859 = tpu.memref_slice %run_scoped3A_674[%rem3A_841] : memref<2x!tpu.dma_semaphore, #tpu.memory_space<semaphore_mem>> -> memref<1x!tpu.dma_semaphore, #tpu.memory_space<semaphore_mem>>
      %dma_wait3A_860 = tpu.memref_squeeze %dma_wait3A_859 : memref<1x!tpu.dma_semaphore, #tpu.memory_space<semaphore_mem>> -> memref<!tpu.dma_semaphore, #tpu.memory_space<semaphore_mem>>
      %dma_wait3A_861 = arith.constant 0 : i32
      %dma_wait3A_862 = arith.constant 0 : i32
      %dma_wait3A_863 = tpu.memref_slice %arg6[%mul3A_0, %dma_wait3A_861, %dma_wait3A_862] : memref<16x1025x1025xf32, #tpu.memory_space<hbm>> -> memref<8x1025x1025xf32, #tpu.memory_space<hbm>>
      %dma_wait3A_864 = arith.constant 0 : i32
      %dma_wait3A_865 = arith.constant 0 : i32
      %dma_wait3A_866 = arith.constant 0 : i32
      %dma_wait3A_867 = tpu.memref_slice %dma_wait3A_863[%dma_wait3A_864, %dma_wait3A_865, %dma_wait3A_866] : memref<8x1025x1025xf32, #tpu.memory_space<hbm>> -> memref<8x1024x1024xf32, #tpu.memory_space<hbm>>
      %dma_wait3A_868 = arith.constant 0 : i32
      %dma_wait3A_869 = tpu.memref_slice %dma_wait3A_867[%dma_wait3A_868, %mul3A_843, %mul3A_845] : memref<8x1024x1024xf32, #tpu.memory_space<hbm>> -> memref<8x8x512xf32, #tpu.memory_space<hbm>>
      %dma_wait3A_870 = arith.constant 0 : i32
      %dma_wait3A_871 = arith.constant 0 : i32
      %dma_wait3A_872 = arith.constant 0 : i32
      %dma_wait3A_873 = tpu.memref_slice %run_scoped3A_673[%rem3A_841, %dma_wait3A_870, %dma_wait3A_871, %dma_wait3A_872] : memref<2x8x8x512xf32, #tpu.memory_space<vmem>> -> memref<1x8x8x512xf32, #tpu.memory_space<vmem>>
      %dma_wait3A_874 = tpu.memref_squeeze %dma_wait3A_873 : memref<1x8x8x512xf32, #tpu.memory_space<vmem>> -> memref<8x8x512xf32, #tpu.memory_space<vmem>>
      tpu.wait_dma2 semaphore(%dma_wait3A_860 : memref<!tpu.dma_semaphore, #tpu.memory_space<semaphore_mem>>) src(%dma_wait3A_874 : memref<8x8x512xf32, #tpu.memory_space<vmem>>) dst(%dma_wait3A_869 : memref<8x8x512xf32, #tpu.memory_space<hbm>>)
      "tpu.trace_stop"() : () -> ()
      tpu.yield
    }) : () -> ()
    "tpu.region"() ({
      %run_scoped3A = tpu.sem_alloc : memref<!tpu.dma_semaphore, #tpu.memory_space<semaphore_mem>>
      tpu.enqueue_dma source(%arg4 : memref<1032xi32, #tpu.memory_space<hbm>>) target(%arg18 : memref<1032xi32, #tpu.memory_space<vmem>>) target_semaphore(%run_scoped3A : memref<!tpu.dma_semaphore, #tpu.memory_space<semaphore_mem>>)
      tpu.wait_dma2 semaphore(%run_scoped3A : memref<!tpu.dma_semaphore, #tpu.memory_space<semaphore_mem>>) src(%arg4 : memref<1032xi32, #tpu.memory_space<hbm>>) dst(%arg18 : memref<1032xi32, #tpu.memory_space<vmem>>)
      tpu.yield
    }) : () -> ()
    "tpu.region"() ({
      %run_scoped3A = tpu.sem_alloc : memref<!tpu.dma_semaphore, #tpu.memory_space<semaphore_mem>>
      tpu.enqueue_dma source(%arg5 : memref<1032xi32, #tpu.memory_space<hbm>>) target(%arg19 : memref<1032xi32, #tpu.memory_space<vmem>>) target_semaphore(%run_scoped3A : memref<!tpu.dma_semaphore, #tpu.memory_space<semaphore_mem>>)
      tpu.wait_dma2 semaphore(%run_scoped3A : memref<!tpu.dma_semaphore, #tpu.memory_space<semaphore_mem>>) src(%arg5 : memref<1032xi32, #tpu.memory_space<hbm>>) dst(%arg19 : memref<1032xi32, #tpu.memory_space<vmem>>)
      tpu.yield
    }) : () -> ()
    %iota3A = tpu.iota {dimensions = array<i32: 0>} : vector<16xi32>
    %lt3A = arith.constant 8 : i32
    %lt3A_38 = arith.cmpi slt, %arg1, %lt3A : i32
    %convert_element_type3A = arith.extui %lt3A_38 : i1 to i32
    %cond3A = arith.constant 0 : i32
    %cond3A_39 = arith.cmpi ne, %convert_element_type3A, %cond3A : i32
    scf.if %cond3A_39 {
      %mul3A_672 = arith.constant 128 : i32
      %mul3A_673 = arith.muli %arg1, %mul3A_672 : i32
      %multiple_of3A_674 = tpu.assume_multiple %mul3A_673, 128 : i32
      %mul3A_675 = arith.constant 128 : i32
      %mul3A_676 = arith.muli %arg1, %mul3A_675 : i32
      %add3A_677 = arith.constant 0 : i32
      %add3A_678 = arith.addi %mul3A_676, %add3A_677 : i32
      %get3A_679 = arith.index_cast %add3A_678 : i32 to index
      %get3A_680 = tpu.vector_load %arg19[%get3A_679] {strides = array<i32>} : memref<1032xi32, #tpu.memory_space<vmem>>, vector<16xi32>,
      %gather3A_681 = tpu.vector_load_idx %arg7[%get3A_680] : memref<3976xf32, #tpu.memory_space<vmem>>[vector<16xi32>], vector<16xf32>,
      %swap3A = arith.constant 0 : i32
      %swap3A_682 = arith.constant 0 : i32
      %swap3A_683 = arith.index_cast %swap3A : i32 to index
      %swap3A_684 = arith.index_cast %swap3A_682 : i32 to index
      %swap3A_685 = arith.constant 0 : index
      %swap3A_686 = tpu.vector_load %arg15[%swap3A_683, %swap3A_684, %swap3A_685] {strides = array<i32>} : memref<8x1x128xf32, #tpu.memory_space<vmem>>, vector<16xf32>,
      tpu.vector_store %arg15[%swap3A_683, %swap3A_684, %swap3A_685], %gather3A_681 {strides = array<i32>} : memref<8x1x128xf32, #tpu.memory_space<vmem>>, vector<16xf32>,
      %gather3A_687 = tpu.vector_load_idx %arg8[%get3A_680] : memref<3976xf32, #tpu.memory_space<vmem>>[vector<16xi32>], vector<16xf32>,
      %swap3A_688 = arith.constant 1 : i32
      %swap3A_689 = arith.constant 0 : i32
      %swap3A_690 = arith.index_cast %swap3A_688 : i32 to index
      %swap3A_691 = arith.index_cast %swap3A_689 : i32 to index
      %swap3A_692 = arith.constant 0 : index
      %swap3A_693 = tpu.vector_load %arg15[%swap3A_690, %swap3A_691, %swap3A_692] {strides = array<i32>} : memref<8x1x128xf32, #tpu.memory_space<vmem>>, vector<16xf32>,
      tpu.vector_store %arg15[%swap3A_690, %swap3A_691, %swap3A_692], %gather3A_687 {strides = array<i32>} : memref<8x1x128xf32, #tpu.memory_space<vmem>>, vector<16xf32>,
      %gather3A_694 = tpu.vector_load_idx %arg9[%get3A_680] : memref<3976xf32, #tpu.memory_space<vmem>>[vector<16xi32>], vector<16xf32>,
      %swap3A_695 = arith.constant 2 : i32
      %swap3A_696 = arith.constant 0 : i32
      %swap3A_697 = arith.index_cast %swap3A_695 : i32 to index
      %swap3A_698 = arith.index_cast %swap3A_696 : i32 to index
      %swap3A_699 = arith.constant 0 : index
      %swap3A_700 = tpu.vector_load %arg15[%swap3A_697, %swap3A_698, %swap3A_699] {strides = array<i32>} : memref<8x1x128xf32, #tpu.memory_space<vmem>>, vector<16xf32>,
      tpu.vector_store %arg15[%swap3A_697, %swap3A_698, %swap3A_699], %gather3A_694 {strides = array<i32>} : memref<8x1x128xf32, #tpu.memory_space<vmem>>, vector<16xf32>,
      %gather3A_701 = tpu.vector_load_idx %arg10[%get3A_680] : memref<3976xf32, #tpu.memory_space<vmem>>[vector<16xi32>], vector<16xf32>,
      %swap3A_702 = arith.constant 3 : i32
      %swap3A_703 = arith.constant 0 : i32
      %swap3A_704 = arith.index_cast %swap3A_702 : i32 to index
      %swap3A_705 = arith.index_cast %swap3A_703 : i32 to index
      %swap3A_706 = arith.constant 0 : index
      %swap3A_707 = tpu.vector_load %arg15[%swap3A_704, %swap3A_705, %swap3A_706] {strides = array<i32>} : memref<8x1x128xf32, #tpu.memory_space<vmem>>, vector<16xf32>,
      tpu.vector_store %arg15[%swap3A_704, %swap3A_705, %swap3A_706], %gather3A_701 {strides = array<i32>} : memref<8x1x128xf32, #tpu.memory_space<vmem>>, vector<16xf32>,
      %gather3A_708 = tpu.vector_load_idx %arg11[%get3A_680] : memref<3976xf32, #tpu.memory_space<vmem>>[vector<16xi32>], vector<16xf32>,
      %swap3A_709 = arith.constant 4 : i32
      %swap3A_710 = arith.constant 0 : i32
      %swap3A_711 = arith.index_cast %swap3A_709 : i32 to index
      %swap3A_712 = arith.index_cast %swap3A_710 : i32 to index
      %swap3A_713 = arith.constant 0 : index
      %swap3A_714 = tpu.vector_load %arg15[%swap3A_711, %swap3A_712, %swap3A_713] {strides = array<i32>} : memref<8x1x128xf32, #tpu.memory_space<vmem>>, vector<16xf32>,
      tpu.vector_store %arg15[%swap3A_711, %swap3A_712, %swap3A_713], %gather3A_708 {strides = array<i32>} : memref<8x1x128xf32, #tpu.memory_space<vmem>>, vector<16xf32>,
      %gather3A_715 = tpu.vector_load_idx %arg12[%get3A_680] : memref<3976xf32, #tpu.memory_space<vmem>>[vector<16xi32>], vector<16xf32>,
      %swap3A_716 = arith.constant 5 : i32
      %swap3A_717 = arith.constant 0 : i32
      %swap3A_718 = arith.index_cast %swap3A_716 : i32 to index
      %swap3A_719 = arith.index_cast %swap3A_717 : i32 to index
      %swap3A_720 = arith.constant 0 : index
      %swap3A_721 = tpu.vector_load %arg15[%swap3A_718, %swap3A_719, %swap3A_720] {strides = array<i32>} : memref<8x1x128xf32, #tpu.memory_space<vmem>>, vector<16xf32>,
      tpu.vector_store %arg15[%swap3A_718, %swap3A_719, %swap3A_720], %gather3A_715 {strides = array<i32>} : memref<8x1x128xf32, #tpu.memory_space<vmem>>, vector<16xf32>,
      %gather3A_722 = tpu.vector_load_idx %arg13[%get3A_680] : memref<3976xf32, #tpu.memory_space<vmem>>[vector<16xi32>], vector<16xf32>,
      %swap3A_723 = arith.constant 6 : i32
      %swap3A_724 = arith.constant 0 : i32
      %swap3A_725 = arith.index_cast %swap3A_723 : i32 to index
      %swap3A_726 = arith.index_cast %swap3A_724 : i32 to index
      %swap3A_727 = arith.constant 0 : index
      %swap3A_728 = tpu.vector_load %arg15[%swap3A_725, %swap3A_726, %swap3A_727] {strides = array<i32>} : memref<8x1x128xf32, #tpu.memory_space<vmem>>, vector<16xf32>,
      tpu.vector_store %arg15[%swap3A_725, %swap3A_726, %swap3A_727], %gather3A_722 {strides = array<i32>} : memref<8x1x128xf32, #tpu.memory_space<vmem>>, vector<16xf32>,
      %gather3A_729 = tpu.vector_load_idx %arg14[%get3A_680] : memref<3976xf32, #tpu.memory_space<vmem>>[vector<16xi32>], vector<16xf32>,
      %swap3A_730 = arith.constant 7 : i32
      %swap3A_731 = arith.constant 0 : i32
      %swap3A_732 = arith.index_cast %swap3A_730 : i32 to index
      %swap3A_733 = arith.index_cast %swap3A_731 : i32 to index
      %swap3A_734 = arith.constant 0 : index
      %swap3A_735 = tpu.vector_load %arg15[%swap3A_732, %swap3A_733, %swap3A_734] {strides = array<i32>} : memref<8x1x128xf32, #tpu.memory_space<vmem>>, vector<16xf32>,
      tpu.vector_store %arg15[%swap3A_732, %swap3A_733, %swap3A_734], %gather3A_729 {strides = array<i32>} : memref<8x1x128xf32, #tpu.memory_space<vmem>>, vector<16xf32>,
      %mul3A_736 = arith.constant 128 : i32
      %mul3A_737 = arith.muli %arg1, %mul3A_736 : i32
      %add3A_738 = arith.constant 16 : i32
      %add3A_739 = arith.addi %mul3A_737, %add3A_738 : i32
      %get3A_740 = arith.index_cast %add3A_739 : i32 to index
      %get3A_741 = tpu.vector_load %arg19[%get3A_740] {strides = array<i32>} : memref<1032xi32, #tpu.memory_space<vmem>>, vector<16xi32>,
      %gather3A_742 = tpu.vector_load_idx %arg7[%get3A_741] : memref<3976xf32, #tpu.memory_space<vmem>>[vector<16xi32>], vector<16xf32>,
      %swap3A_743 = arith.constant 0 : i32
      %swap3A_744 = arith.constant 0 : i32
      %swap3A_745 = arith.index_cast %swap3A_743 : i32 to index
      %swap3A_746 = arith.index_cast %swap3A_744 : i32 to index
      %swap3A_747 = arith.constant 16 : index
      %swap3A_748 = tpu.vector_load %arg15[%swap3A_745, %swap3A_746, %swap3A_747] {strides = array<i32>} : memref<8x1x128xf32, #tpu.memory_space<vmem>>, vector<16xf32>,
      tpu.vector_store %arg15[%swap3A_745, %swap3A_746, %swap3A_747], %gather3A_742 {strides = array<i32>} : memref<8x1x128xf32, #tpu.memory_space<vmem>>, vector<16xf32>,
      %gather3A_749 = tpu.vector_load_idx %arg8[%get3A_741] : memref<3976xf32, #tpu.memory_space<vmem>>[vector<16xi32>], vector<16xf32>,
      %swap3A_750 = arith.constant 1 : i32
      %swap3A_751 = arith.constant 0 : i32
      %swap3A_752 = arith.index_cast %swap3A_750 : i32 to index
      %swap3A_753 = arith.index_cast %swap3A_751 : i32 to index
      %swap3A_754 = arith.constant 16 : index
      %swap3A_755 = tpu.vector_load %arg15[%swap3A_752, %swap3A_753, %swap3A_754] {strides = array<i32>} : memref<8x1x128xf32, #tpu.memory_space<vmem>>, vector<16xf32>,
      tpu.vector_store %arg15[%swap3A_752, %swap3A_753, %swap3A_754], %gather3A_749 {strides = array<i32>} : memref<8x1x128xf32, #tpu.memory_space<vmem>>, vector<16xf32>,
      %gather3A_756 = tpu.vector_load_idx %arg9[%get3A_741] : memref<3976xf32, #tpu.memory_space<vmem>>[vector<16xi32>], vector<16xf32>,
      %swap3A_757 = arith.constant 2 : i32
      %swap3A_758 = arith.constant 0 : i32
      %swap3A_759 = arith.index_cast %swap3A_757 : i32 to index
      %swap3A_760 = arith.index_cast %swap3A_758 : i32 to index
      %swap3A_761 = arith.constant 16 : index
      %swap3A_762 = tpu.vector_load %arg15[%swap3A_759, %swap3A_760, %swap3A_761] {strides = array<i32>} : memref<8x1x128xf32, #tpu.memory_space<vmem>>, vector<16xf32>,
      tpu.vector_store %arg15[%swap3A_759, %swap3A_760, %swap3A_761], %gather3A_756 {strides = array<i32>} : memref<8x1x128xf32, #tpu.memory_space<vmem>>, vector<16xf32>,
      %gather3A_763 = tpu.vector_load_idx %arg10[%get3A_741] : memref<3976xf32, #tpu.memory_space<vmem>>[vector<16xi32>], vector<16xf32>,
      %swap3A_764 = arith.constant 3 : i32
      %swap3A_765 = arith.constant 0 : i32
      %swap3A_766 = arith.index_cast %swap3A_764 : i32 to index
      %swap3A_767 = arith.index_cast %swap3A_765 : i32 to index
      %swap3A_768 = arith.constant 16 : index
      %swap3A_769 = tpu.vector_load %arg15[%swap3A_766, %swap3A_767, %swap3A_768] {strides = array<i32>} : memref<8x1x128xf32, #tpu.memory_space<vmem>>, vector<16xf32>,
      tpu.vector_store %arg15[%swap3A_766, %swap3A_767, %swap3A_768], %gather3A_763 {strides = array<i32>} : memref<8x1x128xf32, #tpu.memory_space<vmem>>, vector<16xf32>,
      %gather3A_770 = tpu.vector_load_idx %arg11[%get3A_741] : memref<3976xf32, #tpu.memory_space<vmem>>[vector<16xi32>], vector<16xf32>,
      %swap3A_771 = arith.constant 4 : i32
      %swap3A_772 = arith.constant 0 : i32
      %swap3A_773 = arith.index_cast %swap3A_771 : i32 to index
      %swap3A_774 = arith.index_cast %swap3A_772 : i32 to index
      %swap3A_775 = arith.constant 16 : index
      %swap3A_776 = tpu.vector_load %arg15[%swap3A_773, %swap3A_774, %swap3A_775] {strides = array<i32>} : memref<8x1x128xf32, #tpu.memory_space<vmem>>, vector<16xf32>,
      tpu.vector_store %arg15[%swap3A_773, %swap3A_774, %swap3A_775], %gather3A_770 {strides = array<i32>} : memref<8x1x128xf32, #tpu.memory_space<vmem>>, vector<16xf32>,
      %gather3A_777 = tpu.vector_load_idx %arg12[%get3A_741] : memref<3976xf32, #tpu.memory_space<vmem>>[vector<16xi32>], vector<16xf32>,
      %swap3A_778 = arith.constant 5 : i32
      %swap3A_779 = arith.constant 0 : i32
      %swap3A_780 = arith.index_cast %swap3A_778 : i32 to index
      %swap3A_781 = arith.index_cast %swap3A_779 : i32 to index
      %swap3A_782 = arith.constant 16 : index
      %swap3A_783 = tpu.vector_load %arg15[%swap3A_780, %swap3A_781, %swap3A_782] {strides = array<i32>} : memref<8x1x128xf32, #tpu.memory_space<vmem>>, vector<16xf32>,
      tpu.vector_store %arg15[%swap3A_780, %swap3A_781, %swap3A_782], %gather3A_777 {strides = array<i32>} : memref<8x1x128xf32, #tpu.memory_space<vmem>>, vector<16xf32>,
      %gather3A_784 = tpu.vector_load_idx %arg13[%get3A_741] : memref<3976xf32, #tpu.memory_space<vmem>>[vector<16xi32>], vector<16xf32>,
      %swap3A_785 = arith.constant 6 : i32
      %swap3A_786 = arith.constant 0 : i32
      %swap3A_787 = arith.index_cast %swap3A_785 : i32 to index
      %swap3A_788 = arith.index_cast %swap3A_786 : i32 to index
      %swap3A_789 = arith.constant 16 : index
      %swap3A_790 = tpu.vector_load %arg15[%swap3A_787, %swap3A_788, %swap3A_789] {strides = array<i32>} : memref<8x1x128xf32, #tpu.memory_space<vmem>>, vector<16xf32>,
      tpu.vector_store %arg15[%swap3A_787, %swap3A_788, %swap3A_789], %gather3A_784 {strides = array<i32>} : memref<8x1x128xf32, #tpu.memory_space<vmem>>, vector<16xf32>,
      %gather3A_791 = tpu.vector_load_idx %arg14[%get3A_741] : memref<3976xf32, #tpu.memory_space<vmem>>[vector<16xi32>], vector<16xf32>,
      %swap3A_792 = arith.constant 7 : i32
      %swap3A_793 = arith.constant 0 : i32
      %swap3A_794 = arith.index_cast %swap3A_792 : i32 to index
      %swap3A_795 = arith.index_cast %swap3A_793 : i32 to index
      %swap3A_796 = arith.constant 16 : index
      %swap3A_797 = tpu.vector_load %arg15[%swap3A_794, %swap3A_795, %swap3A_796] {strides = array<i32>} : memref<8x1x128xf32, #tpu.memory_space<vmem>>, vector<16xf32>,
      tpu.vector_store %arg15[%swap3A_794, %swap3A_795, %swap3A_796], %gather3A_791 {strides = array<i32>} : memref<8x1x128xf32, #tpu.memory_space<vmem>>, vector<16xf32>,
      %mul3A_798 = arith.constant 128 : i32
      %mul3A_799 = arith.muli %arg1, %mul3A_798 : i32
      %add3A_800 = arith.constant 32 : i32
      %add3A_801 = arith.addi %mul3A_799, %add3A_800 : i32
      %get3A_802 = arith.index_cast %add3A_801 : i32 to index
      %get3A_803 = tpu.vector_load %arg19[%get3A_802] {strides = array<i32>} : memref<1032xi32, #tpu.memory_space<vmem>>, vector<16xi32>,
      %gather3A_804 = tpu.vector_load_idx %arg7[%get3A_803] : memref<3976xf32, #tpu.memory_space<vmem>>[vector<16xi32>], vector<16xf32>,
      %swap3A_805 = arith.constant 0 : i32
      %swap3A_806 = arith.constant 0 : i32
      %swap3A_807 = arith.index_cast %swap3A_805 : i32 to index
      %swap3A_808 = arith.index_cast %swap3A_806 : i32 to index
      %swap3A_809 = arith.constant 32 : index
      %swap3A_810 = tpu.vector_load %arg15[%swap3A_807, %swap3A_808, %swap3A_809] {strides = array<i32>} : memref<8x1x128xf32, #tpu.memory_space<vmem>>, vector<16xf32>,
      tpu.vector_store %arg15[%swap3A_807, %swap3A_808, %swap3A_809], %gather3A_804 {strides = array<i32>} : memref<8x1x128xf32, #tpu.memory_space<vmem>>, vector<16xf32>,
      %gather3A_811 = tpu.vector_load_idx %arg8[%get3A_803] : memref<3976xf32, #tpu.memory_space<vmem>>[vector<16xi32>], vector<16xf32>,
      %swap3A_812 = arith.constant 1 : i32
      %swap3A_813 = arith.constant 0 : i32
      %swap3A_814 = arith.index_cast %swap3A_812 : i32 to index
      %swap3A_815 = arith.index_cast %swap3A_813 : i32 to index
      %swap3A_816 = arith.constant 32 : index
      %swap3A_817 = tpu.vector_load %arg15[%swap3A_814, %swap3A_815, %swap3A_816] {strides = array<i32>} : memref<8x1x128xf32, #tpu.memory_space<vmem>>, vector<16xf32>,
      tpu.vector_store %arg15[%swap3A_814, %swap3A_815, %swap3A_816], %gather3A_811 {strides = array<i32>} : memref<8x1x128xf32, #tpu.memory_space<vmem>>, vector<16xf32>,
      %gather3A_818 = tpu.vector_load_idx %arg9[%get3A_803] : memref<3976xf32, #tpu.memory_space<vmem>>[vector<16xi32>], vector<16xf32>,
      %swap3A_819 = arith.constant 2 : i32
      %swap3A_820 = arith.constant 0 : i32
      %swap3A_821 = arith.index_cast %swap3A_819 : i32 to index
      %swap3A_822 = arith.index_cast %swap3A_820 : i32 to index
      %swap3A_823 = arith.constant 32 : index
      %swap3A_824 = tpu.vector_load %arg15[%swap3A_821, %swap3A_822, %swap3A_823] {strides = array<i32>} : memref<8x1x128xf32, #tpu.memory_space<vmem>>, vector<16xf32>,
      tpu.vector_store %arg15[%swap3A_821, %swap3A_822, %swap3A_823], %gather3A_818 {strides = array<i32>} : memref<8x1x128xf32, #tpu.memory_space<vmem>>, vector<16xf32>,
      %gather3A_825 = tpu.vector_load_idx %arg10[%get3A_803] : memref<3976xf32, #tpu.memory_space<vmem>>[vector<16xi32>], vector<16xf32>,
      %swap3A_826 = arith.constant 3 : i32
      %swap3A_827 = arith.constant 0 : i32
      %swap3A_828 = arith.index_cast %swap3A_826 : i32 to index
      %swap3A_829 = arith.index_cast %swap3A_827 : i32 to index
      %swap3A_830 = arith.constant 32 : index
      %swap3A_831 = tpu.vector_load %arg15[%swap3A_828, %swap3A_829, %swap3A_830] {strides = array<i32>} : memref<8x1x128xf32, #tpu.memory_space<vmem>>, vector<16xf32>,
      tpu.vector_store %arg15[%swap3A_828, %swap3A_829, %swap3A_830], %gather3A_825 {strides = array<i32>} : memref<8x1x128xf32, #tpu.memory_space<vmem>>, vector<16xf32>,
      %gather3A_832 = tpu.vector_load_idx %arg11[%get3A_803] : memref<3976xf32, #tpu.memory_space<vmem>>[vector<16xi32>], vector<16xf32>,
      %swap3A_833 = arith.constant 4 : i32
      %swap3A_834 = arith.constant 0 : i32
      %swap3A_835 = arith.index_cast %swap3A_833 : i32 to index
      %swap3A_836 = arith.index_cast %swap3A_834 : i32 to index
      %swap3A_837 = arith.constant 32 : index
      %swap3A_838 = tpu.vector_load %arg15[%swap3A_835, %swap3A_836, %swap3A_837] {strides = array<i32>} : memref<8x1x128xf32, #tpu.memory_space<vmem>>, vector<16xf32>,
      tpu.vector_store %arg15[%swap3A_835, %swap3A_836, %swap3A_837], %gather3A_832 {strides = array<i32>} : memref<8x1x128xf32, #tpu.memory_space<vmem>>, vector<16xf32>,
      %gather3A_839 = tpu.vector_load_idx %arg12[%get3A_803] : memref<3976xf32, #tpu.memory_space<vmem>>[vector<16xi32>], vector<16xf32>,
      %swap3A_840 = arith.constant 5 : i32
      %swap3A_841 = arith.constant 0 : i32
      %swap3A_842 = arith.index_cast %swap3A_840 : i32 to index
      %swap3A_843 = arith.index_cast %swap3A_841 : i32 to index
      %swap3A_844 = arith.constant 32 : index
      %swap3A_845 = tpu.vector_load %arg15[%swap3A_842, %swap3A_843, %swap3A_844] {strides = array<i32>} : memref<8x1x128xf32, #tpu.memory_space<vmem>>, vector<16xf32>,
      tpu.vector_store %arg15[%swap3A_842, %swap3A_843, %swap3A_844], %gather3A_839 {strides = array<i32>} : memref<8x1x128xf32, #tpu.memory_space<vmem>>, vector<16xf32>,
      %gather3A_846 = tpu.vector_load_idx %arg13[%get3A_803] : memref<3976xf32, #tpu.memory_space<vmem>>[vector<16xi32>], vector<16xf32>,
      %swap3A_847 = arith.constant 6 : i32
      %swap3A_848 = arith.constant 0 : i32
      %swap3A_849 = arith.index_cast %swap3A_847 : i32 to index
      %swap3A_850 = arith.index_cast %swap3A_848 : i32 to index
      %swap3A_851 = arith.constant 32 : index
      %swap3A_852 = tpu.vector_load %arg15[%swap3A_849, %swap3A_850, %swap3A_851] {strides = array<i32>} : memref<8x1x128xf32, #tpu.memory_space<vmem>>, vector<16xf32>,
      tpu.vector_store %arg15[%swap3A_849, %swap3A_850, %swap3A_851], %gather3A_846 {strides = array<i32>} : memref<8x1x128xf32, #tpu.memory_space<vmem>>, vector<16xf32>,
      %gather3A_853 = tpu.vector_load_idx %arg14[%get3A_803] : memref<3976xf32, #tpu.memory_space<vmem>>[vector<16xi32>], vector<16xf32>,
      %swap3A_854 = arith.constant 7 : i32
      %swap3A_855 = arith.constant 0 : i32
      %swap3A_856 = arith.index_cast %swap3A_854 : i32 to index
      %swap3A_857 = arith.index_cast %swap3A_855 : i32 to index
      %swap3A_858 = arith.constant 32 : index
      %swap3A_859 = tpu.vector_load %arg15[%swap3A_856, %swap3A_857, %swap3A_858] {strides = array<i32>} : memref<8x1x128xf32, #tpu.memory_space<vmem>>, vector<16xf32>,
      tpu.vector_store %arg15[%swap3A_856, %swap3A_857, %swap3A_858], %gather3A_853 {strides = array<i32>} : memref<8x1x128xf32, #tpu.memory_space<vmem>>, vector<16xf32>,
      %mul3A_860 = arith.constant 128 : i32
      %mul3A_861 = arith.muli %arg1, %mul3A_860 : i32
      %add3A_862 = arith.constant 48 : i32
      %add3A_863 = arith.addi %mul3A_861, %add3A_862 : i32
      %get3A_864 = arith.index_cast %add3A_863 : i32 to index
      %get3A_865 = tpu.vector_load %arg19[%get3A_864] {strides = array<i32>} : memref<1032xi32, #tpu.memory_space<vmem>>, vector<16xi32>,
      %gather3A_866 = tpu.vector_load_idx %arg7[%get3A_865] : memref<3976xf32, #tpu.memory_space<vmem>>[vector<16xi32>], vector<16xf32>,
      %swap3A_867 = arith.constant 0 : i32
      %swap3A_868 = arith.constant 0 : i32
      %swap3A_869 = arith.index_cast %swap3A_867 : i32 to index
      %swap3A_870 = arith.index_cast %swap3A_868 : i32 to index
      %swap3A_871 = arith.constant 48 : index
      %swap3A_872 = tpu.vector_load %arg15[%swap3A_869, %swap3A_870, %swap3A_871] {strides = array<i32>} : memref<8x1x128xf32, #tpu.memory_space<vmem>>, vector<16xf32>,
      tpu.vector_store %arg15[%swap3A_869, %swap3A_870, %swap3A_871], %gather3A_866 {strides = array<i32>} : memref<8x1x128xf32, #tpu.memory_space<vmem>>, vector<16xf32>,
      %gather3A_873 = tpu.vector_load_idx %arg8[%get3A_865] : memref<3976xf32, #tpu.memory_space<vmem>>[vector<16xi32>], vector<16xf32>,
      %swap3A_874 = arith.constant 1 : i32
      %swap3A_875 = arith.constant 0 : i32
      %swap3A_876 = arith.index_cast %swap3A_874 : i32 to index
      %swap3A_877 = arith.index_cast %swap3A_875 : i32 to index
      %swap3A_878 = arith.constant 48 : index
      %swap3A_879 = tpu.vector_load %arg15[%swap3A_876, %swap3A_877, %swap3A_878] {strides = array<i32>} : memref<8x1x128xf32, #tpu.memory_space<vmem>>, vector<16xf32>,
      tpu.vector_store %arg15[%swap3A_876, %swap3A_877, %swap3A_878], %gather3A_873 {strides = array<i32>} : memref<8x1x128xf32, #tpu.memory_space<vmem>>, vector<16xf32>,
      %gather3A_880 = tpu.vector_load_idx %arg9[%get3A_865] : memref<3976xf32, #tpu.memory_space<vmem>>[vector<16xi32>], vector<16xf32>,
      %swap3A_881 = arith.constant 2 : i32
      %swap3A_882 = arith.constant 0 : i32
      %swap3A_883 = arith.index_cast %swap3A_881 : i32 to index
      %swap3A_884 = arith.index_cast %swap3A_882 : i32 to index
      %swap3A_885 = arith.constant 48 : index
      %swap3A_886 = tpu.vector_load %arg15[%swap3A_883, %swap3A_884, %swap3A_885] {strides = array<i32>} : memref<8x1x128xf32, #tpu.memory_space<vmem>>, vector<16xf32>,
      tpu.vector_store %arg15[%swap3A_883, %swap3A_884, %swap3A_885], %gather3A_880 {strides = array<i32>} : memref<8x1x128xf32, #tpu.memory_space<vmem>>, vector<16xf32>,
      %gather3A_887 = tpu.vector_load_idx %arg10[%get3A_865] : memref<3976xf32, #tpu.memory_space<vmem>>[vector<16xi32>], vector<16xf32>,
      %swap3A_888 = arith.constant 3 : i32
      %swap3A_889 = arith.constant 0 : i32
      %swap3A_890 = arith.index_cast %swap3A_888 : i32 to index
      %swap3A_891 = arith.index_cast %swap3A_889 : i32 to index
      %swap3A_892 = arith.constant 48 : index
      %swap3A_893 = tpu.vector_load %arg15[%swap3A_890, %swap3A_891, %swap3A_892] {strides = array<i32>} : memref<8x1x128xf32, #tpu.memory_space<vmem>>, vector<16xf32>,
      tpu.vector_store %arg15[%swap3A_890, %swap3A_891, %swap3A_892], %gather3A_887 {strides = array<i32>} : memref<8x1x128xf32, #tpu.memory_space<vmem>>, vector<16xf32>,
      %gather3A_894 = tpu.vector_load_idx %arg11[%get3A_865] : memref<3976xf32, #tpu.memory_space<vmem>>[vector<16xi32>], vector<16xf32>,
      %swap3A_895 = arith.constant 4 : i32
      %swap3A_896 = arith.constant 0 : i32
      %swap3A_897 = arith.index_cast %swap3A_895 : i32 to index
      %swap3A_898 = arith.index_cast %swap3A_896 : i32 to index
      %swap3A_899 = arith.constant 48 : index
      %swap3A_900 = tpu.vector_load %arg15[%swap3A_897, %swap3A_898, %swap3A_899] {strides = array<i32>} : memref<8x1x128xf32, #tpu.memory_space<vmem>>, vector<16xf32>,
      tpu.vector_store %arg15[%swap3A_897, %swap3A_898, %swap3A_899], %gather3A_894 {strides = array<i32>} : memref<8x1x128xf32, #tpu.memory_space<vmem>>, vector<16xf32>,
      %gather3A_901 = tpu.vector_load_idx %arg12[%get3A_865] : memref<3976xf32, #tpu.memory_space<vmem>>[vector<16xi32>], vector<16xf32>,
      %swap3A_902 = arith.constant 5 : i32
      %swap3A_903 = arith.constant 0 : i32
      %swap3A_904 = arith.index_cast %swap3A_902 : i32 to index
      %swap3A_905 = arith.index_cast %swap3A_903 : i32 to index
      %swap3A_906 = arith.constant 48 : index
      %swap3A_907 = tpu.vector_load %arg15[%swap3A_904, %swap3A_905, %swap3A_906] {strides = array<i32>} : memref<8x1x128xf32, #tpu.memory_space<vmem>>, vector<16xf32>,
      tpu.vector_store %arg15[%swap3A_904, %swap3A_905, %swap3A_906], %gather3A_901 {strides = array<i32>} : memref<8x1x128xf32, #tpu.memory_space<vmem>>, vector<16xf32>,
      %gather3A_908 = tpu.vector_load_idx %arg13[%get3A_865] : memref<3976xf32, #tpu.memory_space<vmem>>[vector<16xi32>], vector<16xf32>,
      %swap3A_909 = arith.constant 6 : i32
      %swap3A_910 = arith.constant 0 : i32
      %swap3A_911 = arith.index_cast %swap3A_909 : i32 to index
      %swap3A_912 = arith.index_cast %swap3A_910 : i32 to index
      %swap3A_913 = arith.constant 48 : index
      %swap3A_914 = tpu.vector_load %arg15[%swap3A_911, %swap3A_912, %swap3A_913] {strides = array<i32>} : memref<8x1x128xf32, #tpu.memory_space<vmem>>, vector<16xf32>,
      tpu.vector_store %arg15[%swap3A_911, %swap3A_912, %swap3A_913], %gather3A_908 {strides = array<i32>} : memref<8x1x128xf32, #tpu.memory_space<vmem>>, vector<16xf32>,
      %gather3A_915 = tpu.vector_load_idx %arg14[%get3A_865] : memref<3976xf32, #tpu.memory_space<vmem>>[vector<16xi32>], vector<16xf32>,
      %swap3A_916 = arith.constant 7 : i32
      %swap3A_917 = arith.constant 0 : i32
      %swap3A_918 = arith.index_cast %swap3A_916 : i32 to index
      %swap3A_919 = arith.index_cast %swap3A_917 : i32 to index
      %swap3A_920 = arith.constant 48 : index
      %swap3A_921 = tpu.vector_load %arg15[%swap3A_918, %swap3A_919, %swap3A_920] {strides = array<i32>} : memref<8x1x128xf32, #tpu.memory_space<vmem>>, vector<16xf32>,
      tpu.vector_store %arg15[%swap3A_918, %swap3A_919, %swap3A_920], %gather3A_915 {strides = array<i32>} : memref<8x1x128xf32, #tpu.memory_space<vmem>>, vector<16xf32>,
      %mul3A_922 = arith.constant 128 : i32
      %mul3A_923 = arith.muli %arg1, %mul3A_922 : i32
      %add3A_924 = arith.constant 64 : i32
      %add3A_925 = arith.addi %mul3A_923, %add3A_924 : i32
      %get3A_926 = arith.index_cast %add3A_925 : i32 to index
      %get3A_927 = tpu.vector_load %arg19[%get3A_926] {strides = array<i32>} : memref<1032xi32, #tpu.memory_space<vmem>>, vector<16xi32>,
      %gather3A_928 = tpu.vector_load_idx %arg7[%get3A_927] : memref<3976xf32, #tpu.memory_space<vmem>>[vector<16xi32>], vector<16xf32>,
      %swap3A_929 = arith.constant 0 : i32
      %swap3A_930 = arith.constant 0 : i32
      %swap3A_931 = arith.index_cast %swap3A_929 : i32 to index
      %swap3A_932 = arith.index_cast %swap3A_930 : i32 to index
      %swap3A_933 = arith.constant 64 : index
      %swap3A_934 = tpu.vector_load %arg15[%swap3A_931, %swap3A_932, %swap3A_933] {strides = array<i32>} : memref<8x1x128xf32, #tpu.memory_space<vmem>>, vector<16xf32>,
      tpu.vector_store %arg15[%swap3A_931, %swap3A_932, %swap3A_933], %gather3A_928 {strides = array<i32>} : memref<8x1x128xf32, #tpu.memory_space<vmem>>, vector<16xf32>,
      %gather3A_935 = tpu.vector_load_idx %arg8[%get3A_927] : memref<3976xf32, #tpu.memory_space<vmem>>[vector<16xi32>], vector<16xf32>,
      %swap3A_936 = arith.constant 1 : i32
      %swap3A_937 = arith.constant 0 : i32
      %swap3A_938 = arith.index_cast %swap3A_936 : i32 to index
      %swap3A_939 = arith.index_cast %swap3A_937 : i32 to index
      %swap3A_940 = arith.constant 64 : index
      %swap3A_941 = tpu.vector_load %arg15[%swap3A_938, %swap3A_939, %swap3A_940] {strides = array<i32>} : memref<8x1x128xf32, #tpu.memory_space<vmem>>, vector<16xf32>,
      tpu.vector_store %arg15[%swap3A_938, %swap3A_939, %swap3A_940], %gather3A_935 {strides = array<i32>} : memref<8x1x128xf32, #tpu.memory_space<vmem>>, vector<16xf32>,
      %gather3A_942 = tpu.vector_load_idx %arg9[%get3A_927] : memref<3976xf32, #tpu.memory_space<vmem>>[vector<16xi32>], vector<16xf32>,
      %swap3A_943 = arith.constant 2 : i32
      %swap3A_944 = arith.constant 0 : i32
      %swap3A_945 = arith.index_cast %swap3A_943 : i32 to index
      %swap3A_946 = arith.index_cast %swap3A_944 : i32 to index
      %swap3A_947 = arith.constant 64 : index
      %swap3A_948 = tpu.vector_load %arg15[%swap3A_945, %swap3A_946, %swap3A_947] {strides = array<i32>} : memref<8x1x128xf32, #tpu.memory_space<vmem>>, vector<16xf32>,
      tpu.vector_store %arg15[%swap3A_945, %swap3A_946, %swap3A_947], %gather3A_942 {strides = array<i32>} : memref<8x1x128xf32, #tpu.memory_space<vmem>>, vector<16xf32>,
      %gather3A_949 = tpu.vector_load_idx %arg10[%get3A_927] : memref<3976xf32, #tpu.memory_space<vmem>>[vector<16xi32>], vector<16xf32>,
      %swap3A_950 = arith.constant 3 : i32
      %swap3A_951 = arith.constant 0 : i32
      %swap3A_952 = arith.index_cast %swap3A_950 : i32 to index
      %swap3A_953 = arith.index_cast %swap3A_951 : i32 to index
      %swap3A_954 = arith.constant 64 : index
      %swap3A_955 = tpu.vector_load %arg15[%swap3A_952, %swap3A_953, %swap3A_954] {strides = array<i32>} : memref<8x1x128xf32, #tpu.memory_space<vmem>>, vector<16xf32>,
      tpu.vector_store %arg15[%swap3A_952, %swap3A_953, %swap3A_954], %gather3A_949 {strides = array<i32>} : memref<8x1x128xf32, #tpu.memory_space<vmem>>, vector<16xf32>,
      %gather3A_956 = tpu.vector_load_idx %arg11[%get3A_927] : memref<3976xf32, #tpu.memory_space<vmem>>[vector<16xi32>], vector<16xf32>,
      %swap3A_957 = arith.constant 4 : i32
      %swap3A_958 = arith.constant 0 : i32
      %swap3A_959 = arith.index_cast %swap3A_957 : i32 to index
      %swap3A_960 = arith.index_cast %swap3A_958 : i32 to index
      %swap3A_961 = arith.constant 64 : index
      %swap3A_962 = tpu.vector_load %arg15[%swap3A_959, %swap3A_960, %swap3A_961] {strides = array<i32>} : memref<8x1x128xf32, #tpu.memory_space<vmem>>, vector<16xf32>,
      tpu.vector_store %arg15[%swap3A_959, %swap3A_960, %swap3A_961], %gather3A_956 {strides = array<i32>} : memref<8x1x128xf32, #tpu.memory_space<vmem>>, vector<16xf32>,
      %gather3A_963 = tpu.vector_load_idx %arg12[%get3A_927] : memref<3976xf32, #tpu.memory_space<vmem>>[vector<16xi32>], vector<16xf32>,
      %swap3A_964 = arith.constant 5 : i32
      %swap3A_965 = arith.constant 0 : i32
      %swap3A_966 = arith.index_cast %swap3A_964 : i32 to index
      %swap3A_967 = arith.index_cast %swap3A_965 : i32 to index
      %swap3A_968 = arith.constant 64 : index
      %swap3A_969 = tpu.vector_load %arg15[%swap3A_966, %swap3A_967, %swap3A_968] {strides = array<i32>} : memref<8x1x128xf32, #tpu.memory_space<vmem>>, vector<16xf32>,
      tpu.vector_store %arg15[%swap3A_966, %swap3A_967, %swap3A_968], %gather3A_963 {strides = array<i32>} : memref<8x1x128xf32, #tpu.memory_space<vmem>>, vector<16xf32>,
      %gather3A_970 = tpu.vector_load_idx %arg13[%get3A_927] : memref<3976xf32, #tpu.memory_space<vmem>>[vector<16xi32>], vector<16xf32>,
      %swap3A_971 = arith.constant 6 : i32
      %swap3A_972 = arith.constant 0 : i32
      %swap3A_973 = arith.index_cast %swap3A_971 : i32 to index
      %swap3A_974 = arith.index_cast %swap3A_972 : i32 to index
      %swap3A_975 = arith.constant 64 : index
      %swap3A_976 = tpu.vector_load %arg15[%swap3A_973, %swap3A_974, %swap3A_975] {strides = array<i32>} : memref<8x1x128xf32, #tpu.memory_space<vmem>>, vector<16xf32>,
      tpu.vector_store %arg15[%swap3A_973, %swap3A_974, %swap3A_975], %gather3A_970 {strides = array<i32>} : memref<8x1x128xf32, #tpu.memory_space<vmem>>, vector<16xf32>,
      %gather3A_977 = tpu.vector_load_idx %arg14[%get3A_927] : memref<3976xf32, #tpu.memory_space<vmem>>[vector<16xi32>], vector<16xf32>,
      %swap3A_978 = arith.constant 7 : i32
      %swap3A_979 = arith.constant 0 : i32
      %swap3A_980 = arith.index_cast %swap3A_978 : i32 to index
      %swap3A_981 = arith.index_cast %swap3A_979 : i32 to index
      %swap3A_982 = arith.constant 64 : index
      %swap3A_983 = tpu.vector_load %arg15[%swap3A_980, %swap3A_981, %swap3A_982] {strides = array<i32>} : memref<8x1x128xf32, #tpu.memory_space<vmem>>, vector<16xf32>,
      tpu.vector_store %arg15[%swap3A_980, %swap3A_981, %swap3A_982], %gather3A_977 {strides = array<i32>} : memref<8x1x128xf32, #tpu.memory_space<vmem>>, vector<16xf32>,
      %mul3A_984 = arith.constant 128 : i32
      %mul3A_985 = arith.muli %arg1, %mul3A_984 : i32
      %add3A_986 = arith.constant 80 : i32
      %add3A_987 = arith.addi %mul3A_985, %add3A_986 : i32
      %get3A_988 = arith.index_cast %add3A_987 : i32 to index
      %get3A_989 = tpu.vector_load %arg19[%get3A_988] {strides = array<i32>} : memref<1032xi32, #tpu.memory_space<vmem>>, vector<16xi32>,
      %gather3A_990 = tpu.vector_load_idx %arg7[%get3A_989] : memref<3976xf32, #tpu.memory_space<vmem>>[vector<16xi32>], vector<16xf32>,
      %swap3A_991 = arith.constant 0 : i32
      %swap3A_992 = arith.constant 0 : i32
      %swap3A_993 = arith.index_cast %swap3A_991 : i32 to index
      %swap3A_994 = arith.index_cast %swap3A_992 : i32 to index
      %swap3A_995 = arith.constant 80 : index
      %swap3A_996 = tpu.vector_load %arg15[%swap3A_993, %swap3A_994, %swap3A_995] {strides = array<i32>} : memref<8x1x128xf32, #tpu.memory_space<vmem>>, vector<16xf32>,
      tpu.vector_store %arg15[%swap3A_993, %swap3A_994, %swap3A_995], %gather3A_990 {strides = array<i32>} : memref<8x1x128xf32, #tpu.memory_space<vmem>>, vector<16xf32>,
      %gather3A_997 = tpu.vector_load_idx %arg8[%get3A_989] : memref<3976xf32, #tpu.memory_space<vmem>>[vector<16xi32>], vector<16xf32>,
      %swap3A_998 = arith.constant 1 : i32
      %swap3A_999 = arith.constant 0 : i32
      %swap3A_1000 = arith.index_cast %swap3A_998 : i32 to index
      %swap3A_1001 = arith.index_cast %swap3A_999 : i32 to index
      %swap3A_1002 = arith.constant 80 : index
      %swap3A_1003 = tpu.vector_load %arg15[%swap3A_1000, %swap3A_1001, %swap3A_1002] {strides = array<i32>} : memref<8x1x128xf32, #tpu.memory_space<vmem>>, vector<16xf32>,
      tpu.vector_store %arg15[%swap3A_1000, %swap3A_1001, %swap3A_1002], %gather3A_997 {strides = array<i32>} : memref<8x1x128xf32, #tpu.memory_space<vmem>>, vector<16xf32>,
      %gather3A_1004 = tpu.vector_load_idx %arg9[%get3A_989] : memref<3976xf32, #tpu.memory_space<vmem>>[vector<16xi32>], vector<16xf32>,
      %swap3A_1005 = arith.constant 2 : i32
      %swap3A_1006 = arith.constant 0 : i32
      %swap3A_1007 = arith.index_cast %swap3A_1005 : i32 to index
      %swap3A_1008 = arith.index_cast %swap3A_1006 : i32 to index
      %swap3A_1009 = arith.constant 80 : index
      %swap3A_1010 = tpu.vector_load %arg15[%swap3A_1007, %swap3A_1008, %swap3A_1009] {strides = array<i32>} : memref<8x1x128xf32, #tpu.memory_space<vmem>>, vector<16xf32>,
      tpu.vector_store %arg15[%swap3A_1007, %swap3A_1008, %swap3A_1009], %gather3A_1004 {strides = array<i32>} : memref<8x1x128xf32, #tpu.memory_space<vmem>>, vector<16xf32>,
      %gather3A_1011 = tpu.vector_load_idx %arg10[%get3A_989] : memref<3976xf32, #tpu.memory_space<vmem>>[vector<16xi32>], vector<16xf32>,
      %swap3A_1012 = arith.constant 3 : i32
      %swap3A_1013 = arith.constant 0 : i32
      %swap3A_1014 = arith.index_cast %swap3A_1012 : i32 to index
      %swap3A_1015 = arith.index_cast %swap3A_1013 : i32 to index
      %swap3A_1016 = arith.constant 80 : index
      %swap3A_1017 = tpu.vector_load %arg15[%swap3A_1014, %swap3A_1015, %swap3A_1016] {strides = array<i32>} : memref<8x1x128xf32, #tpu.memory_space<vmem>>, vector<16xf32>,
      tpu.vector_store %arg15[%swap3A_1014, %swap3A_1015, %swap3A_1016], %gather3A_1011 {strides = array<i32>} : memref<8x1x128xf32, #tpu.memory_space<vmem>>, vector<16xf32>,
      %gather3A_1018 = tpu.vector_load_idx %arg11[%get3A_989] : memref<3976xf32, #tpu.memory_space<vmem>>[vector<16xi32>], vector<16xf32>,
      %swap3A_1019 = arith.constant 4 : i32
      %swap3A_1020 = arith.constant 0 : i32
      %swap3A_1021 = arith.index_cast %swap3A_1019 : i32 to index
      %swap3A_1022 = arith.index_cast %swap3A_1020 : i32 to index
      %swap3A_1023 = arith.constant 80 : index
      %swap3A_1024 = tpu.vector_load %arg15[%swap3A_1021, %swap3A_1022, %swap3A_1023] {strides = array<i32>} : memref<8x1x128xf32, #tpu.memory_space<vmem>>, vector<16xf32>,
      tpu.vector_store %arg15[%swap3A_1021, %swap3A_1022, %swap3A_1023], %gather3A_1018 {strides = array<i32>} : memref<8x1x128xf32, #tpu.memory_space<vmem>>, vector<16xf32>,
      %gather3A_1025 = tpu.vector_load_idx %arg12[%get3A_989] : memref<3976xf32, #tpu.memory_space<vmem>>[vector<16xi32>], vector<16xf32>,
      %swap3A_1026 = arith.constant 5 : i32
      %swap3A_1027 = arith.constant 0 : i32
      %swap3A_1028 = arith.index_cast %swap3A_1026 : i32 to index
      %swap3A_1029 = arith.index_cast %swap3A_1027 : i32 to index
      %swap3A_1030 = arith.constant 80 : index
      %swap3A_1031 = tpu.vector_load %arg15[%swap3A_1028, %swap3A_1029, %swap3A_1030] {strides = array<i32>} : memref<8x1x128xf32, #tpu.memory_space<vmem>>, vector<16xf32>,
      tpu.vector_store %arg15[%swap3A_1028, %swap3A_1029, %swap3A_1030], %gather3A_1025 {strides = array<i32>} : memref<8x1x128xf32, #tpu.memory_space<vmem>>, vector<16xf32>,
      %gather3A_1032 = tpu.vector_load_idx %arg13[%get3A_989] : memref<3976xf32, #tpu.memory_space<vmem>>[vector<16xi32>], vector<16xf32>,
      %swap3A_1033 = arith.constant 6 : i32
      %swap3A_1034 = arith.constant 0 : i32
      %swap3A_1035 = arith.index_cast %swap3A_1033 : i32 to index
      %swap3A_1036 = arith.index_cast %swap3A_1034 : i32 to index
      %swap3A_1037 = arith.constant 80 : index
      %swap3A_1038 = tpu.vector_load %arg15[%swap3A_1035, %swap3A_1036, %swap3A_1037] {strides = array<i32>} : memref<8x1x128xf32, #tpu.memory_space<vmem>>, vector<16xf32>,
      tpu.vector_store %arg15[%swap3A_1035, %swap3A_1036, %swap3A_1037], %gather3A_1032 {strides = array<i32>} : memref<8x1x128xf32, #tpu.memory_space<vmem>>, vector<16xf32>,
      %gather3A_1039 = tpu.vector_load_idx %arg14[%get3A_989] : memref<3976xf32, #tpu.memory_space<vmem>>[vector<16xi32>], vector<16xf32>,
      %swap3A_1040 = arith.constant 7 : i32
      %swap3A_1041 = arith.constant 0 : i32
      %swap3A_1042 = arith.index_cast %swap3A_1040 : i32 to index
      %swap3A_1043 = arith.index_cast %swap3A_1041 : i32 to index
      %swap3A_1044 = arith.constant 80 : index
      %swap3A_1045 = tpu.vector_load %arg15[%swap3A_1042, %swap3A_1043, %swap3A_1044] {strides = array<i32>} : memref<8x1x128xf32, #tpu.memory_space<vmem>>, vector<16xf32>,
      tpu.vector_store %arg15[%swap3A_1042, %swap3A_1043, %swap3A_1044], %gather3A_1039 {strides = array<i32>} : memref<8x1x128xf32, #tpu.memory_space<vmem>>, vector<16xf32>,
      %mul3A_1046 = arith.constant 128 : i32
      %mul3A_1047 = arith.muli %arg1, %mul3A_1046 : i32
      %add3A_1048 = arith.constant 96 : i32
      %add3A_1049 = arith.addi %mul3A_1047, %add3A_1048 : i32
      %get3A_1050 = arith.index_cast %add3A_1049 : i32 to index
      %get3A_1051 = tpu.vector_load %arg19[%get3A_1050] {strides = array<i32>} : memref<1032xi32, #tpu.memory_space<vmem>>, vector<16xi32>,
      %gather3A_1052 = tpu.vector_load_idx %arg7[%get3A_1051] : memref<3976xf32, #tpu.memory_space<vmem>>[vector<16xi32>], vector<16xf32>,
      %swap3A_1053 = arith.constant 0 : i32
      %swap3A_1054 = arith.constant 0 : i32
      %swap3A_1055 = arith.index_cast %swap3A_1053 : i32 to index
      %swap3A_1056 = arith.index_cast %swap3A_1054 : i32 to index
      %swap3A_1057 = arith.constant 96 : index
      %swap3A_1058 = tpu.vector_load %arg15[%swap3A_1055, %swap3A_1056, %swap3A_1057] {strides = array<i32>} : memref<8x1x128xf32, #tpu.memory_space<vmem>>, vector<16xf32>,
      tpu.vector_store %arg15[%swap3A_1055, %swap3A_1056, %swap3A_1057], %gather3A_1052 {strides = array<i32>} : memref<8x1x128xf32, #tpu.memory_space<vmem>>, vector<16xf32>,
      %gather3A_1059 = tpu.vector_load_idx %arg8[%get3A_1051] : memref<3976xf32, #tpu.memory_space<vmem>>[vector<16xi32>], vector<16xf32>,
      %swap3A_1060 = arith.constant 1 : i32
      %swap3A_1061 = arith.constant 0 : i32
      %swap3A_1062 = arith.index_cast %swap3A_1060 : i32 to index
      %swap3A_1063 = arith.index_cast %swap3A_1061 : i32 to index
      %swap3A_1064 = arith.constant 96 : index
      %swap3A_1065 = tpu.vector_load %arg15[%swap3A_1062, %swap3A_1063, %swap3A_1064] {strides = array<i32>} : memref<8x1x128xf32, #tpu.memory_space<vmem>>, vector<16xf32>,
      tpu.vector_store %arg15[%swap3A_1062, %swap3A_1063, %swap3A_1064], %gather3A_1059 {strides = array<i32>} : memref<8x1x128xf32, #tpu.memory_space<vmem>>, vector<16xf32>,
      %gather3A_1066 = tpu.vector_load_idx %arg9[%get3A_1051] : memref<3976xf32, #tpu.memory_space<vmem>>[vector<16xi32>], vector<16xf32>,
      %swap3A_1067 = arith.constant 2 : i32
      %swap3A_1068 = arith.constant 0 : i32
      %swap3A_1069 = arith.index_cast %swap3A_1067 : i32 to index
      %swap3A_1070 = arith.index_cast %swap3A_1068 : i32 to index
      %swap3A_1071 = arith.constant 96 : index
      %swap3A_1072 = tpu.vector_load %arg15[%swap3A_1069, %swap3A_1070, %swap3A_1071] {strides = array<i32>} : memref<8x1x128xf32, #tpu.memory_space<vmem>>, vector<16xf32>,
      tpu.vector_store %arg15[%swap3A_1069, %swap3A_1070, %swap3A_1071], %gather3A_1066 {strides = array<i32>} : memref<8x1x128xf32, #tpu.memory_space<vmem>>, vector<16xf32>,
      %gather3A_1073 = tpu.vector_load_idx %arg10[%get3A_1051] : memref<3976xf32, #tpu.memory_space<vmem>>[vector<16xi32>], vector<16xf32>,
      %swap3A_1074 = arith.constant 3 : i32
      %swap3A_1075 = arith.constant 0 : i32
      %swap3A_1076 = arith.index_cast %swap3A_1074 : i32 to index
      %swap3A_1077 = arith.index_cast %swap3A_1075 : i32 to index
      %swap3A_1078 = arith.constant 96 : index
      %swap3A_1079 = tpu.vector_load %arg15[%swap3A_1076, %swap3A_1077, %swap3A_1078] {strides = array<i32>} : memref<8x1x128xf32, #tpu.memory_space<vmem>>, vector<16xf32>,
      tpu.vector_store %arg15[%swap3A_1076, %swap3A_1077, %swap3A_1078], %gather3A_1073 {strides = array<i32>} : memref<8x1x128xf32, #tpu.memory_space<vmem>>, vector<16xf32>,
      %gather3A_1080 = tpu.vector_load_idx %arg11[%get3A_1051] : memref<3976xf32, #tpu.memory_space<vmem>>[vector<16xi32>], vector<16xf32>,
      %swap3A_1081 = arith.constant 4 : i32
      %swap3A_1082 = arith.constant 0 : i32
      %swap3A_1083 = arith.index_cast %swap3A_1081 : i32 to index
      %swap3A_1084 = arith.index_cast %swap3A_1082 : i32 to index
      %swap3A_1085 = arith.constant 96 : index
      %swap3A_1086 = tpu.vector_load %arg15[%swap3A_1083, %swap3A_1084, %swap3A_1085] {strides = array<i32>} : memref<8x1x128xf32, #tpu.memory_space<vmem>>, vector<16xf32>,
      tpu.vector_store %arg15[%swap3A_1083, %swap3A_1084, %swap3A_1085], %gather3A_1080 {strides = array<i32>} : memref<8x1x128xf32, #tpu.memory_space<vmem>>, vector<16xf32>,
      %gather3A_1087 = tpu.vector_load_idx %arg12[%get3A_1051] : memref<3976xf32, #tpu.memory_space<vmem>>[vector<16xi32>], vector<16xf32>,
      %swap3A_1088 = arith.constant 5 : i32
      %swap3A_1089 = arith.constant 0 : i32
      %swap3A_1090 = arith.index_cast %swap3A_1088 : i32 to index
      %swap3A_1091 = arith.index_cast %swap3A_1089 : i32 to index
      %swap3A_1092 = arith.constant 96 : index
      %swap3A_1093 = tpu.vector_load %arg15[%swap3A_1090, %swap3A_1091, %swap3A_1092] {strides = array<i32>} : memref<8x1x128xf32, #tpu.memory_space<vmem>>, vector<16xf32>,
      tpu.vector_store %arg15[%swap3A_1090, %swap3A_1091, %swap3A_1092], %gather3A_1087 {strides = array<i32>} : memref<8x1x128xf32, #tpu.memory_space<vmem>>, vector<16xf32>,
      %gather3A_1094 = tpu.vector_load_idx %arg13[%get3A_1051] : memref<3976xf32, #tpu.memory_space<vmem>>[vector<16xi32>], vector<16xf32>,
      %swap3A_1095 = arith.constant 6 : i32
      %swap3A_1096 = arith.constant 0 : i32
      %swap3A_1097 = arith.index_cast %swap3A_1095 : i32 to index
      %swap3A_1098 = arith.index_cast %swap3A_1096 : i32 to index
      %swap3A_1099 = arith.constant 96 : index
      %swap3A_1100 = tpu.vector_load %arg15[%swap3A_1097, %swap3A_1098, %swap3A_1099] {strides = array<i32>} : memref<8x1x128xf32, #tpu.memory_space<vmem>>, vector<16xf32>,
      tpu.vector_store %arg15[%swap3A_1097, %swap3A_1098, %swap3A_1099], %gather3A_1094 {strides = array<i32>} : memref<8x1x128xf32, #tpu.memory_space<vmem>>, vector<16xf32>,
      %gather3A_1101 = tpu.vector_load_idx %arg14[%get3A_1051] : memref<3976xf32, #tpu.memory_space<vmem>>[vector<16xi32>], vector<16xf32>,
      %swap3A_1102 = arith.constant 7 : i32
      %swap3A_1103 = arith.constant 0 : i32
      %swap3A_1104 = arith.index_cast %swap3A_1102 : i32 to index
      %swap3A_1105 = arith.index_cast %swap3A_1103 : i32 to index
      %swap3A_1106 = arith.constant 96 : index
      %swap3A_1107 = tpu.vector_load %arg15[%swap3A_1104, %swap3A_1105, %swap3A_1106] {strides = array<i32>} : memref<8x1x128xf32, #tpu.memory_space<vmem>>, vector<16xf32>,
      tpu.vector_store %arg15[%swap3A_1104, %swap3A_1105, %swap3A_1106], %gather3A_1101 {strides = array<i32>} : memref<8x1x128xf32, #tpu.memory_space<vmem>>, vector<16xf32>,
      %mul3A_1108 = arith.constant 128 : i32
      %mul3A_1109 = arith.muli %arg1, %mul3A_1108 : i32
      %add3A_1110 = arith.constant 112 : i32
      %add3A_1111 = arith.addi %mul3A_1109, %add3A_1110 : i32
      %get3A_1112 = arith.index_cast %add3A_1111 : i32 to index
      %get3A_1113 = tpu.vector_load %arg19[%get3A_1112] {strides = array<i32>} : memref<1032xi32, #tpu.memory_space<vmem>>, vector<16xi32>,
      %gather3A_1114 = tpu.vector_load_idx %arg7[%get3A_1113] : memref<3976xf32, #tpu.memory_space<vmem>>[vector<16xi32>], vector<16xf32>,
      %swap3A_1115 = arith.constant 0 : i32
      %swap3A_1116 = arith.constant 0 : i32
      %swap3A_1117 = arith.index_cast %swap3A_1115 : i32 to index
      %swap3A_1118 = arith.index_cast %swap3A_1116 : i32 to index
      %swap3A_1119 = arith.constant 112 : index
      %swap3A_1120 = tpu.vector_load %arg15[%swap3A_1117, %swap3A_1118, %swap3A_1119] {strides = array<i32>} : memref<8x1x128xf32, #tpu.memory_space<vmem>>, vector<16xf32>,
      tpu.vector_store %arg15[%swap3A_1117, %swap3A_1118, %swap3A_1119], %gather3A_1114 {strides = array<i32>} : memref<8x1x128xf32, #tpu.memory_space<vmem>>, vector<16xf32>,
      %gather3A_1121 = tpu.vector_load_idx %arg8[%get3A_1113] : memref<3976xf32, #tpu.memory_space<vmem>>[vector<16xi32>], vector<16xf32>,
      %swap3A_1122 = arith.constant 1 : i32
      %swap3A_1123 = arith.constant 0 : i32
      %swap3A_1124 = arith.index_cast %swap3A_1122 : i32 to index
      %swap3A_1125 = arith.index_cast %swap3A_1123 : i32 to index
      %swap3A_1126 = arith.constant 112 : index
      %swap3A_1127 = tpu.vector_load %arg15[%swap3A_1124, %swap3A_1125, %swap3A_1126] {strides = array<i32>} : memref<8x1x128xf32, #tpu.memory_space<vmem>>, vector<16xf32>,
      tpu.vector_store %arg15[%swap3A_1124, %swap3A_1125, %swap3A_1126], %gather3A_1121 {strides = array<i32>} : memref<8x1x128xf32, #tpu.memory_space<vmem>>, vector<16xf32>,
      %gather3A_1128 = tpu.vector_load_idx %arg9[%get3A_1113] : memref<3976xf32, #tpu.memory_space<vmem>>[vector<16xi32>], vector<16xf32>,
      %swap3A_1129 = arith.constant 2 : i32
      %swap3A_1130 = arith.constant 0 : i32
      %swap3A_1131 = arith.index_cast %swap3A_1129 : i32 to index
      %swap3A_1132 = arith.index_cast %swap3A_1130 : i32 to index
      %swap3A_1133 = arith.constant 112 : index
      %swap3A_1134 = tpu.vector_load %arg15[%swap3A_1131, %swap3A_1132, %swap3A_1133] {strides = array<i32>} : memref<8x1x128xf32, #tpu.memory_space<vmem>>, vector<16xf32>,
      tpu.vector_store %arg15[%swap3A_1131, %swap3A_1132, %swap3A_1133], %gather3A_1128 {strides = array<i32>} : memref<8x1x128xf32, #tpu.memory_space<vmem>>, vector<16xf32>,
      %gather3A_1135 = tpu.vector_load_idx %arg10[%get3A_1113] : memref<3976xf32, #tpu.memory_space<vmem>>[vector<16xi32>], vector<16xf32>,
      %swap3A_1136 = arith.constant 3 : i32
      %swap3A_1137 = arith.constant 0 : i32
      %swap3A_1138 = arith.index_cast %swap3A_1136 : i32 to index
      %swap3A_1139 = arith.index_cast %swap3A_1137 : i32 to index
      %swap3A_1140 = arith.constant 112 : index
      %swap3A_1141 = tpu.vector_load %arg15[%swap3A_1138, %swap3A_1139, %swap3A_1140] {strides = array<i32>} : memref<8x1x128xf32, #tpu.memory_space<vmem>>, vector<16xf32>,
      tpu.vector_store %arg15[%swap3A_1138, %swap3A_1139, %swap3A_1140], %gather3A_1135 {strides = array<i32>} : memref<8x1x128xf32, #tpu.memory_space<vmem>>, vector<16xf32>,
      %gather3A_1142 = tpu.vector_load_idx %arg11[%get3A_1113] : memref<3976xf32, #tpu.memory_space<vmem>>[vector<16xi32>], vector<16xf32>,
      %swap3A_1143 = arith.constant 4 : i32
      %swap3A_1144 = arith.constant 0 : i32
      %swap3A_1145 = arith.index_cast %swap3A_1143 : i32 to index
      %swap3A_1146 = arith.index_cast %swap3A_1144 : i32 to index
      %swap3A_1147 = arith.constant 112 : index
      %swap3A_1148 = tpu.vector_load %arg15[%swap3A_1145, %swap3A_1146, %swap3A_1147] {strides = array<i32>} : memref<8x1x128xf32, #tpu.memory_space<vmem>>, vector<16xf32>,
      tpu.vector_store %arg15[%swap3A_1145, %swap3A_1146, %swap3A_1147], %gather3A_1142 {strides = array<i32>} : memref<8x1x128xf32, #tpu.memory_space<vmem>>, vector<16xf32>,
      %gather3A_1149 = tpu.vector_load_idx %arg12[%get3A_1113] : memref<3976xf32, #tpu.memory_space<vmem>>[vector<16xi32>], vector<16xf32>,
      %swap3A_1150 = arith.constant 5 : i32
      %swap3A_1151 = arith.constant 0 : i32
      %swap3A_1152 = arith.index_cast %swap3A_1150 : i32 to index
      %swap3A_1153 = arith.index_cast %swap3A_1151 : i32 to index
      %swap3A_1154 = arith.constant 112 : index
      %swap3A_1155 = tpu.vector_load %arg15[%swap3A_1152, %swap3A_1153, %swap3A_1154] {strides = array<i32>} : memref<8x1x128xf32, #tpu.memory_space<vmem>>, vector<16xf32>,
      tpu.vector_store %arg15[%swap3A_1152, %swap3A_1153, %swap3A_1154], %gather3A_1149 {strides = array<i32>} : memref<8x1x128xf32, #tpu.memory_space<vmem>>, vector<16xf32>,
      %gather3A_1156 = tpu.vector_load_idx %arg13[%get3A_1113] : memref<3976xf32, #tpu.memory_space<vmem>>[vector<16xi32>], vector<16xf32>,
      %swap3A_1157 = arith.constant 6 : i32
      %swap3A_1158 = arith.constant 0 : i32
      %swap3A_1159 = arith.index_cast %swap3A_1157 : i32 to index
      %swap3A_1160 = arith.index_cast %swap3A_1158 : i32 to index
      %swap3A_1161 = arith.constant 112 : index
      %swap3A_1162 = tpu.vector_load %arg15[%swap3A_1159, %swap3A_1160, %swap3A_1161] {strides = array<i32>} : memref<8x1x128xf32, #tpu.memory_space<vmem>>, vector<16xf32>,
      tpu.vector_store %arg15[%swap3A_1159, %swap3A_1160, %swap3A_1161], %gather3A_1156 {strides = array<i32>} : memref<8x1x128xf32, #tpu.memory_space<vmem>>, vector<16xf32>,
      %gather3A_1163 = tpu.vector_load_idx %arg14[%get3A_1113] : memref<3976xf32, #tpu.memory_space<vmem>>[vector<16xi32>], vector<16xf32>,
      %swap3A_1164 = arith.constant 7 : i32
      %swap3A_1165 = arith.constant 0 : i32
      %swap3A_1166 = arith.index_cast %swap3A_1164 : i32 to index
      %swap3A_1167 = arith.index_cast %swap3A_1165 : i32 to index
      %swap3A_1168 = arith.constant 112 : index
      %swap3A_1169 = tpu.vector_load %arg15[%swap3A_1166, %swap3A_1167, %swap3A_1168] {strides = array<i32>} : memref<8x1x128xf32, #tpu.memory_space<vmem>>, vector<16xf32>,
      tpu.vector_store %arg15[%swap3A_1166, %swap3A_1167, %swap3A_1168], %gather3A_1163 {strides = array<i32>} : memref<8x1x128xf32, #tpu.memory_space<vmem>>, vector<16xf32>,
      "tpu.region"() ({
        %run_scoped3A = tpu.sem_alloc : memref<!tpu.dma_semaphore, #tpu.memory_space<semaphore_mem>>
        %dma_start3A = arith.constant 0 : i32
        %dma_start3A_1170 = arith.constant 0 : i32
        %dma_start3A_1171 = tpu.memref_slice %arg6[%mul3A_0, %dma_start3A, %dma_start3A_1170] : memref<16x1025x1025xf32, #tpu.memory_space<hbm>> -> memref<8x1025x1025xf32, #tpu.memory_space<hbm>>
        %dma_start3A_1172 = arith.constant 0 : i32
        %dma_start3A_1173 = arith.constant 1024 : i32
        %dma_start3A_1174 = tpu.memref_slice %dma_start3A_1171[%dma_start3A_1172, %dma_start3A_1173, %multiple_of3A_674] : memref<8x1025x1025xf32, #tpu.memory_space<hbm>> -> memref<8x1x128xf32, #tpu.memory_space<hbm>>
        %dma_start3A_1175 = arith.constant 0 : i32
        %dma_start3A_1176 = arith.constant 0 : i32
        %dma_start3A_1177 = tpu.memref_slice %arg6[%mul3A_0, %dma_start3A_1175, %dma_start3A_1176] : memref<16x1025x1025xf32, #tpu.memory_space<hbm>> -> memref<8x1025x1025xf32, #tpu.memory_space<hbm>>
        %dma_start3A_1178 = arith.constant 0 : i32
        %dma_start3A_1179 = arith.constant 1024 : i32
        %dma_start3A_1180 = tpu.memref_slice %dma_start3A_1177[%dma_start3A_1178, %dma_start3A_1179, %multiple_of3A_674] : memref<8x1025x1025xf32, #tpu.memory_space<hbm>> -> memref<8x1x128xf32, #tpu.memory_space<hbm>>
        tpu.enqueue_dma source(%arg15 : memref<8x1x128xf32, #tpu.memory_space<vmem>>) target(%dma_start3A_1180 : memref<8x1x128xf32, #tpu.memory_space<hbm>>) target_semaphore(%run_scoped3A : memref<!tpu.dma_semaphore, #tpu.memory_space<semaphore_mem>>)
        %dma_wait3A = arith.constant 0 : i32
        %dma_wait3A_1181 = arith.constant 0 : i32
        %dma_wait3A_1182 = tpu.memref_slice %arg6[%mul3A_0, %dma_wait3A, %dma_wait3A_1181] : memref<16x1025x1025xf32, #tpu.memory_space<hbm>> -> memref<8x1025x1025xf32, #tpu.memory_space<hbm>>
        %dma_wait3A_1183 = arith.constant 0 : i32
        %dma_wait3A_1184 = arith.constant 1024 : i32
        %dma_wait3A_1185 = tpu.memref_slice %dma_wait3A_1182[%dma_wait3A_1183, %dma_wait3A_1184, %multiple_of3A_674] : memref<8x1025x1025xf32, #tpu.memory_space<hbm>> -> memref<8x1x128xf32, #tpu.memory_space<hbm>>
        %dma_wait3A_1186 = arith.constant 0 : i32
        %dma_wait3A_1187 = arith.constant 0 : i32
        %dma_wait3A_1188 = tpu.memref_slice %arg6[%mul3A_0, %dma_wait3A_1186, %dma_wait3A_1187] : memref<16x1025x1025xf32, #tpu.memory_space<hbm>> -> memref<8x1025x1025xf32, #tpu.memory_space<hbm>>
        %dma_wait3A_1189 = arith.constant 0 : i32
        %dma_wait3A_1190 = arith.constant 1024 : i32
        %dma_wait3A_1191 = tpu.memref_slice %dma_wait3A_1188[%dma_wait3A_1189, %dma_wait3A_1190, %multiple_of3A_674] : memref<8x1025x1025xf32, #tpu.memory_space<hbm>> -> memref<8x1x128xf32, #tpu.memory_space<hbm>>
        tpu.wait_dma2 semaphore(%run_scoped3A : memref<!tpu.dma_semaphore, #tpu.memory_space<semaphore_mem>>) src(%arg15 : memref<8x1x128xf32, #tpu.memory_space<vmem>>) dst(%dma_wait3A_1191 : memref<8x1x128xf32, #tpu.memory_space<hbm>>)
        tpu.yield
      }) : () -> ()
    } else {
    }
    %mul3A_40 = arith.constant 8 : i32
    %mul3A_41 = arith.muli %arg1, %mul3A_40 : i32
    %add3A_42 = arith.constant 0 : i32
    %add3A_43 = arith.addi %mul3A_41, %add3A_42 : i32
    %mul3A_44 = arith.constant 8 : i32
    %mul3A_45 = arith.muli %add3A_43, %mul3A_44 : i32
    %multiple_of3A = tpu.assume_multiple %mul3A_45, 8 : i32
    %mul3A_46 = arith.constant 8 : i32
    %mul3A_47 = arith.muli %arg1, %mul3A_46 : i32
    %add3A_48 = arith.constant 0 : i32
    %add3A_49 = arith.addi %mul3A_47, %add3A_48 : i32
    %mul3A_50 = arith.constant 8 : i32
    %mul3A_51 = arith.muli %add3A_49, %mul3A_50 : i32
    %get3A = arith.index_cast %mul3A_51 : i32 to index
    %get3A_52 = tpu.vector_load %arg18[%get3A] {strides = array<i32>} : memref<1032xi32, #tpu.memory_space<vmem>>, vector<16xi32>,
    %gather3A = tpu.vector_load_idx %arg7[%get3A_52] : memref<3976xf32, #tpu.memory_space<vmem>>[vector<16xi32>], vector<16xf32>,
    %broadcast_in_dim3A = arith.constant 0 : i32
    %broadcast_in_dim3A_53 = vector.broadcast %broadcast_in_dim3A : i32 to vector<16xi32>
    %broadcast_in_dim3A_54 = arith.constant 0 : i32
    %broadcast_in_dim3A_55 = vector.broadcast %broadcast_in_dim3A_54 : i32 to vector<16xi32>
    %lt3A_56 = arith.constant 8 : i32
    %lt3A_57 = vector.broadcast %lt3A_56 : i32 to vector<16xi32>
    %lt3A_58 = arith.cmpi slt, %iota3A, %lt3A_57 : vector<16xi32>
    tpu.vector_store_idx %arg16[%broadcast_in_dim3A_53, %iota3A, %broadcast_in_dim3A_55], %gather3A masked %lt3A_58 : memref<8x8x1xf32, #tpu.memory_space<vmem>>[vector<16xi32>, vector<16xi32>, vector<16xi32>], vector<16xf32>, vector<16xi1>
    %gather3A_59 = tpu.vector_load_idx %arg8[%get3A_52] : memref<3976xf32, #tpu.memory_space<vmem>>[vector<16xi32>], vector<16xf32>,
    %broadcast_in_dim3A_60 = arith.constant 1 : i32
    %broadcast_in_dim3A_61 = vector.broadcast %broadcast_in_dim3A_60 : i32 to vector<16xi32>
    %broadcast_in_dim3A_62 = arith.constant 0 : i32
    %broadcast_in_dim3A_63 = vector.broadcast %broadcast_in_dim3A_62 : i32 to vector<16xi32>
    %lt3A_64 = arith.constant 8 : i32
    %lt3A_65 = vector.broadcast %lt3A_64 : i32 to vector<16xi32>
    %lt3A_66 = arith.cmpi slt, %iota3A, %lt3A_65 : vector<16xi32>
    tpu.vector_store_idx %arg16[%broadcast_in_dim3A_61, %iota3A, %broadcast_in_dim3A_63], %gather3A_59 masked %lt3A_66 : memref<8x8x1xf32, #tpu.memory_space<vmem>>[vector<16xi32>, vector<16xi32>, vector<16xi32>], vector<16xf32>, vector<16xi1>
    %gather3A_67 = tpu.vector_load_idx %arg9[%get3A_52] : memref<3976xf32, #tpu.memory_space<vmem>>[vector<16xi32>], vector<16xf32>,
    %broadcast_in_dim3A_68 = arith.constant 2 : i32
    %broadcast_in_dim3A_69 = vector.broadcast %broadcast_in_dim3A_68 : i32 to vector<16xi32>
    %broadcast_in_dim3A_70 = arith.constant 0 : i32
    %broadcast_in_dim3A_71 = vector.broadcast %broadcast_in_dim3A_70 : i32 to vector<16xi32>
    %lt3A_72 = arith.constant 8 : i32
    %lt3A_73 = vector.broadcast %lt3A_72 : i32 to vector<16xi32>
    %lt3A_74 = arith.cmpi slt, %iota3A, %lt3A_73 : vector<16xi32>
    tpu.vector_store_idx %arg16[%broadcast_in_dim3A_69, %iota3A, %broadcast_in_dim3A_71], %gather3A_67 masked %lt3A_74 : memref<8x8x1xf32, #tpu.memory_space<vmem>>[vector<16xi32>, vector<16xi32>, vector<16xi32>], vector<16xf32>, vector<16xi1>
    %gather3A_75 = tpu.vector_load_idx %arg10[%get3A_52] : memref<3976xf32, #tpu.memory_space<vmem>>[vector<16xi32>], vector<16xf32>,
    %broadcast_in_dim3A_76 = arith.constant 3 : i32
    %broadcast_in_dim3A_77 = vector.broadcast %broadcast_in_dim3A_76 : i32 to vector<16xi32>
    %broadcast_in_dim3A_78 = arith.constant 0 : i32
    %broadcast_in_dim3A_79 = vector.broadcast %broadcast_in_dim3A_78 : i32 to vector<16xi32>
    %lt3A_80 = arith.constant 8 : i32
    %lt3A_81 = vector.broadcast %lt3A_80 : i32 to vector<16xi32>
    %lt3A_82 = arith.cmpi slt, %iota3A, %lt3A_81 : vector<16xi32>
    tpu.vector_store_idx %arg16[%broadcast_in_dim3A_77, %iota3A, %broadcast_in_dim3A_79], %gather3A_75 masked %lt3A_82 : memref<8x8x1xf32, #tpu.memory_space<vmem>>[vector<16xi32>, vector<16xi32>, vector<16xi32>], vector<16xf32>, vector<16xi1>
    %gather3A_83 = tpu.vector_load_idx %arg11[%get3A_52] : memref<3976xf32, #tpu.memory_space<vmem>>[vector<16xi32>], vector<16xf32>,
    %broadcast_in_dim3A_84 = arith.constant 4 : i32
    %broadcast_in_dim3A_85 = vector.broadcast %broadcast_in_dim3A_84 : i32 to vector<16xi32>
    %broadcast_in_dim3A_86 = arith.constant 0 : i32
    %broadcast_in_dim3A_87 = vector.broadcast %broadcast_in_dim3A_86 : i32 to vector<16xi32>
    %lt3A_88 = arith.constant 8 : i32
    %lt3A_89 = vector.broadcast %lt3A_88 : i32 to vector<16xi32>
    %lt3A_90 = arith.cmpi slt, %iota3A, %lt3A_89 : vector<16xi32>
    tpu.vector_store_idx %arg16[%broadcast_in_dim3A_85, %iota3A, %broadcast_in_dim3A_87], %gather3A_83 masked %lt3A_90 : memref<8x8x1xf32, #tpu.memory_space<vmem>>[vector<16xi32>, vector<16xi32>, vector<16xi32>], vector<16xf32>, vector<16xi1>
    %gather3A_91 = tpu.vector_load_idx %arg12[%get3A_52] : memref<3976xf32, #tpu.memory_space<vmem>>[vector<16xi32>], vector<16xf32>,
    %broadcast_in_dim3A_92 = arith.constant 5 : i32
    %broadcast_in_dim3A_93 = vector.broadcast %broadcast_in_dim3A_92 : i32 to vector<16xi32>
    %broadcast_in_dim3A_94 = arith.constant 0 : i32
    %broadcast_in_dim3A_95 = vector.broadcast %broadcast_in_dim3A_94 : i32 to vector<16xi32>
    %lt3A_96 = arith.constant 8 : i32
    %lt3A_97 = vector.broadcast %lt3A_96 : i32 to vector<16xi32>
    %lt3A_98 = arith.cmpi slt, %iota3A, %lt3A_97 : vector<16xi32>
    tpu.vector_store_idx %arg16[%broadcast_in_dim3A_93, %iota3A, %broadcast_in_dim3A_95], %gather3A_91 masked %lt3A_98 : memref<8x8x1xf32, #tpu.memory_space<vmem>>[vector<16xi32>, vector<16xi32>, vector<16xi32>], vector<16xf32>, vector<16xi1>
    %gather3A_99 = tpu.vector_load_idx %arg13[%get3A_52] : memref<3976xf32, #tpu.memory_space<vmem>>[vector<16xi32>], vector<16xf32>,
    %broadcast_in_dim3A_100 = arith.constant 6 : i32
    %broadcast_in_dim3A_101 = vector.broadcast %broadcast_in_dim3A_100 : i32 to vector<16xi32>
    %broadcast_in_dim3A_102 = arith.constant 0 : i32
    %broadcast_in_dim3A_103 = vector.broadcast %broadcast_in_dim3A_102 : i32 to vector<16xi32>
    %lt3A_104 = arith.constant 8 : i32
    %lt3A_105 = vector.broadcast %lt3A_104 : i32 to vector<16xi32>
    %lt3A_106 = arith.cmpi slt, %iota3A, %lt3A_105 : vector<16xi32>
    tpu.vector_store_idx %arg16[%broadcast_in_dim3A_101, %iota3A, %broadcast_in_dim3A_103], %gather3A_99 masked %lt3A_106 : memref<8x8x1xf32, #tpu.memory_space<vmem>>[vector<16xi32>, vector<16xi32>, vector<16xi32>], vector<16xf32>, vector<16xi1>
    %gather3A_107 = tpu.vector_load_idx %arg14[%get3A_52] : memref<3976xf32, #tpu.memory_space<vmem>>[vector<16xi32>], vector<16xf32>,
    %broadcast_in_dim3A_108 = arith.constant 7 : i32
    %broadcast_in_dim3A_109 = vector.broadcast %broadcast_in_dim3A_108 : i32 to vector<16xi32>
    %broadcast_in_dim3A_110 = arith.constant 0 : i32
    %broadcast_in_dim3A_111 = vector.broadcast %broadcast_in_dim3A_110 : i32 to vector<16xi32>
    %lt3A_112 = arith.constant 8 : i32
    %lt3A_113 = vector.broadcast %lt3A_112 : i32 to vector<16xi32>
    %lt3A_114 = arith.cmpi slt, %iota3A, %lt3A_113 : vector<16xi32>
    tpu.vector_store_idx %arg16[%broadcast_in_dim3A_109, %iota3A, %broadcast_in_dim3A_111], %gather3A_107 masked %lt3A_114 : memref<8x8x1xf32, #tpu.memory_space<vmem>>[vector<16xi32>, vector<16xi32>, vector<16xi32>], vector<16xf32>, vector<16xi1>
    "tpu.region"() ({
      %run_scoped3A = tpu.sem_alloc : memref<!tpu.dma_semaphore, #tpu.memory_space<semaphore_mem>>
      %dma_start3A = arith.constant 0 : i32
      %dma_start3A_672 = arith.constant 0 : i32
      %dma_start3A_673 = tpu.memref_slice %arg6[%mul3A_0, %dma_start3A, %dma_start3A_672] : memref<16x1025x1025xf32, #tpu.memory_space<hbm>> -> memref<8x1025x1025xf32, #tpu.memory_space<hbm>>
      %dma_start3A_674 = arith.constant 0 : i32
      %dma_start3A_675 = arith.constant 1024 : i32
      %dma_start3A_676 = tpu.memref_slice %dma_start3A_673[%dma_start3A_674, %multiple_of3A, %dma_start3A_675] : memref<8x1025x1025xf32, #tpu.memory_space<hbm>> -> memref<8x8x1xf32, #tpu.memory_space<hbm>>
      %dma_start3A_677 = arith.constant 0 : i32
      %dma_start3A_678 = arith.constant 0 : i32
      %dma_start3A_679 = tpu.memref_slice %arg6[%mul3A_0, %dma_start3A_677, %dma_start3A_678] : memref<16x1025x1025xf32, #tpu.memory_space<hbm>> -> memref<8x1025x1025xf32, #tpu.memory_space<hbm>>
      %dma_start3A_680 = arith.constant 0 : i32
      %dma_start3A_681 = arith.constant 1024 : i32
      %dma_start3A_682 = tpu.memref_slice %dma_start3A_679[%dma_start3A_680, %multiple_of3A, %dma_start3A_681] : memref<8x1025x1025xf32, #tpu.memory_space<hbm>> -> memref<8x8x1xf32, #tpu.memory_space<hbm>>
      tpu.enqueue_dma source(%arg16 : memref<8x8x1xf32, #tpu.memory_space<vmem>>) target(%dma_start3A_682 : memref<8x8x1xf32, #tpu.memory_space<hbm>>) target_semaphore(%run_scoped3A : memref<!tpu.dma_semaphore, #tpu.memory_space<semaphore_mem>>)
      %dma_wait3A = arith.constant 0 : i32
      %dma_wait3A_683 = arith.constant 0 : i32
      %dma_wait3A_684 = tpu.memref_slice %arg6[%mul3A_0, %dma_wait3A, %dma_wait3A_683] : memref<16x1025x1025xf32, #tpu.memory_space<hbm>> -> memref<8x1025x1025xf32, #tpu.memory_space<hbm>>
      %dma_wait3A_685 = arith.constant 0 : i32
      %dma_wait3A_686 = arith.constant 1024 : i32
      %dma_wait3A_687 = tpu.memref_slice %dma_wait3A_684[%dma_wait3A_685, %multiple_of3A, %dma_wait3A_686] : memref<8x1025x1025xf32, #tpu.memory_space<hbm>> -> memref<8x8x1xf32, #tpu.memory_space<hbm>>
      %dma_wait3A_688 = arith.constant 0 : i32
      %dma_wait3A_689 = arith.constant 0 : i32
      %dma_wait3A_690 = tpu.memref_slice %arg6[%mul3A_0, %dma_wait3A_688, %dma_wait3A_689] : memref<16x1025x1025xf32, #tpu.memory_space<hbm>> -> memref<8x1025x1025xf32, #tpu.memory_space<hbm>>
      %dma_wait3A_691 = arith.constant 0 : i32
      %dma_wait3A_692 = arith.constant 1024 : i32
      %dma_wait3A_693 = tpu.memref_slice %dma_wait3A_690[%dma_wait3A_691, %multiple_of3A, %dma_wait3A_692] : memref<8x1025x1025xf32, #tpu.memory_space<hbm>> -> memref<8x8x1xf32, #tpu.memory_space<hbm>>
      tpu.wait_dma2 semaphore(%run_scoped3A : memref<!tpu.dma_semaphore, #tpu.memory_space<semaphore_mem>>) src(%arg16 : memref<8x8x1xf32, #tpu.memory_space<vmem>>) dst(%dma_wait3A_693 : memref<8x8x1xf32, #tpu.memory_space<hbm>>)
      tpu.yield
    }) : () -> ()
    %mul3A_115 = arith.constant 8 : i32
    %mul3A_116 = arith.muli %arg1, %mul3A_115 : i32
    %add3A_117 = arith.constant 1 : i32
    %add3A_118 = arith.addi %mul3A_116, %add3A_117 : i32
    %mul3A_119 = arith.constant 8 : i32
    %mul3A_120 = arith.muli %add3A_118, %mul3A_119 : i32
    %multiple_of3A_121 = tpu.assume_multiple %mul3A_120, 8 : i32
    %mul3A_122 = arith.constant 8 : i32
    %mul3A_123 = arith.muli %arg1, %mul3A_122 : i32
    %add3A_124 = arith.constant 1 : i32
    %add3A_125 = arith.addi %mul3A_123, %add3A_124 : i32
    %mul3A_126 = arith.constant 8 : i32
    %mul3A_127 = arith.muli %add3A_125, %mul3A_126 : i32
    %get3A_128 = arith.index_cast %mul3A_127 : i32 to index
    %get3A_129 = tpu.vector_load %arg18[%get3A_128] {strides = array<i32>} : memref<1032xi32, #tpu.memory_space<vmem>>, vector<16xi32>,
    %gather3A_130 = tpu.vector_load_idx %arg7[%get3A_129] : memref<3976xf32, #tpu.memory_space<vmem>>[vector<16xi32>], vector<16xf32>,
    %broadcast_in_dim3A_131 = arith.constant 0 : i32
    %broadcast_in_dim3A_132 = vector.broadcast %broadcast_in_dim3A_131 : i32 to vector<16xi32>
    %broadcast_in_dim3A_133 = arith.constant 0 : i32
    %broadcast_in_dim3A_134 = vector.broadcast %broadcast_in_dim3A_133 : i32 to vector<16xi32>
    %lt3A_135 = arith.constant 8 : i32
    %lt3A_136 = vector.broadcast %lt3A_135 : i32 to vector<16xi32>
    %lt3A_137 = arith.cmpi slt, %iota3A, %lt3A_136 : vector<16xi32>
    tpu.vector_store_idx %arg16[%broadcast_in_dim3A_132, %iota3A, %broadcast_in_dim3A_134], %gather3A_130 masked %lt3A_137 : memref<8x8x1xf32, #tpu.memory_space<vmem>>[vector<16xi32>, vector<16xi32>, vector<16xi32>], vector<16xf32>, vector<16xi1>
    %gather3A_138 = tpu.vector_load_idx %arg8[%get3A_129] : memref<3976xf32, #tpu.memory_space<vmem>>[vector<16xi32>], vector<16xf32>,
    %broadcast_in_dim3A_139 = arith.constant 1 : i32
    %broadcast_in_dim3A_140 = vector.broadcast %broadcast_in_dim3A_139 : i32 to vector<16xi32>
    %broadcast_in_dim3A_141 = arith.constant 0 : i32
    %broadcast_in_dim3A_142 = vector.broadcast %broadcast_in_dim3A_141 : i32 to vector<16xi32>
    %lt3A_143 = arith.constant 8 : i32
    %lt3A_144 = vector.broadcast %lt3A_143 : i32 to vector<16xi32>
    %lt3A_145 = arith.cmpi slt, %iota3A, %lt3A_144 : vector<16xi32>
    tpu.vector_store_idx %arg16[%broadcast_in_dim3A_140, %iota3A, %broadcast_in_dim3A_142], %gather3A_138 masked %lt3A_145 : memref<8x8x1xf32, #tpu.memory_space<vmem>>[vector<16xi32>, vector<16xi32>, vector<16xi32>], vector<16xf32>, vector<16xi1>
    %gather3A_146 = tpu.vector_load_idx %arg9[%get3A_129] : memref<3976xf32, #tpu.memory_space<vmem>>[vector<16xi32>], vector<16xf32>,
    %broadcast_in_dim3A_147 = arith.constant 2 : i32
    %broadcast_in_dim3A_148 = vector.broadcast %broadcast_in_dim3A_147 : i32 to vector<16xi32>
    %broadcast_in_dim3A_149 = arith.constant 0 : i32
    %broadcast_in_dim3A_150 = vector.broadcast %broadcast_in_dim3A_149 : i32 to vector<16xi32>
    %lt3A_151 = arith.constant 8 : i32
    %lt3A_152 = vector.broadcast %lt3A_151 : i32 to vector<16xi32>
    %lt3A_153 = arith.cmpi slt, %iota3A, %lt3A_152 : vector<16xi32>
    tpu.vector_store_idx %arg16[%broadcast_in_dim3A_148, %iota3A, %broadcast_in_dim3A_150], %gather3A_146 masked %lt3A_153 : memref<8x8x1xf32, #tpu.memory_space<vmem>>[vector<16xi32>, vector<16xi32>, vector<16xi32>], vector<16xf32>, vector<16xi1>
    %gather3A_154 = tpu.vector_load_idx %arg10[%get3A_129] : memref<3976xf32, #tpu.memory_space<vmem>>[vector<16xi32>], vector<16xf32>,
    %broadcast_in_dim3A_155 = arith.constant 3 : i32
    %broadcast_in_dim3A_156 = vector.broadcast %broadcast_in_dim3A_155 : i32 to vector<16xi32>
    %broadcast_in_dim3A_157 = arith.constant 0 : i32
    %broadcast_in_dim3A_158 = vector.broadcast %broadcast_in_dim3A_157 : i32 to vector<16xi32>
    %lt3A_159 = arith.constant 8 : i32
    %lt3A_160 = vector.broadcast %lt3A_159 : i32 to vector<16xi32>
    %lt3A_161 = arith.cmpi slt, %iota3A, %lt3A_160 : vector<16xi32>
    tpu.vector_store_idx %arg16[%broadcast_in_dim3A_156, %iota3A, %broadcast_in_dim3A_158], %gather3A_154 masked %lt3A_161 : memref<8x8x1xf32, #tpu.memory_space<vmem>>[vector<16xi32>, vector<16xi32>, vector<16xi32>], vector<16xf32>, vector<16xi1>
    %gather3A_162 = tpu.vector_load_idx %arg11[%get3A_129] : memref<3976xf32, #tpu.memory_space<vmem>>[vector<16xi32>], vector<16xf32>,
    %broadcast_in_dim3A_163 = arith.constant 4 : i32
    %broadcast_in_dim3A_164 = vector.broadcast %broadcast_in_dim3A_163 : i32 to vector<16xi32>
    %broadcast_in_dim3A_165 = arith.constant 0 : i32
    %broadcast_in_dim3A_166 = vector.broadcast %broadcast_in_dim3A_165 : i32 to vector<16xi32>
    %lt3A_167 = arith.constant 8 : i32
    %lt3A_168 = vector.broadcast %lt3A_167 : i32 to vector<16xi32>
    %lt3A_169 = arith.cmpi slt, %iota3A, %lt3A_168 : vector<16xi32>
    tpu.vector_store_idx %arg16[%broadcast_in_dim3A_164, %iota3A, %broadcast_in_dim3A_166], %gather3A_162 masked %lt3A_169 : memref<8x8x1xf32, #tpu.memory_space<vmem>>[vector<16xi32>, vector<16xi32>, vector<16xi32>], vector<16xf32>, vector<16xi1>
    %gather3A_170 = tpu.vector_load_idx %arg12[%get3A_129] : memref<3976xf32, #tpu.memory_space<vmem>>[vector<16xi32>], vector<16xf32>,
    %broadcast_in_dim3A_171 = arith.constant 5 : i32
    %broadcast_in_dim3A_172 = vector.broadcast %broadcast_in_dim3A_171 : i32 to vector<16xi32>
    %broadcast_in_dim3A_173 = arith.constant 0 : i32
    %broadcast_in_dim3A_174 = vector.broadcast %broadcast_in_dim3A_173 : i32 to vector<16xi32>
    %lt3A_175 = arith.constant 8 : i32
    %lt3A_176 = vector.broadcast %lt3A_175 : i32 to vector<16xi32>
    %lt3A_177 = arith.cmpi slt, %iota3A, %lt3A_176 : vector<16xi32>
    tpu.vector_store_idx %arg16[%broadcast_in_dim3A_172, %iota3A, %broadcast_in_dim3A_174], %gather3A_170 masked %lt3A_177 : memref<8x8x1xf32, #tpu.memory_space<vmem>>[vector<16xi32>, vector<16xi32>, vector<16xi32>], vector<16xf32>, vector<16xi1>
    %gather3A_178 = tpu.vector_load_idx %arg13[%get3A_129] : memref<3976xf32, #tpu.memory_space<vmem>>[vector<16xi32>], vector<16xf32>,
    %broadcast_in_dim3A_179 = arith.constant 6 : i32
    %broadcast_in_dim3A_180 = vector.broadcast %broadcast_in_dim3A_179 : i32 to vector<16xi32>
    %broadcast_in_dim3A_181 = arith.constant 0 : i32
    %broadcast_in_dim3A_182 = vector.broadcast %broadcast_in_dim3A_181 : i32 to vector<16xi32>
    %lt3A_183 = arith.constant 8 : i32
    %lt3A_184 = vector.broadcast %lt3A_183 : i32 to vector<16xi32>
    %lt3A_185 = arith.cmpi slt, %iota3A, %lt3A_184 : vector<16xi32>
    tpu.vector_store_idx %arg16[%broadcast_in_dim3A_180, %iota3A, %broadcast_in_dim3A_182], %gather3A_178 masked %lt3A_185 : memref<8x8x1xf32, #tpu.memory_space<vmem>>[vector<16xi32>, vector<16xi32>, vector<16xi32>], vector<16xf32>, vector<16xi1>
    %gather3A_186 = tpu.vector_load_idx %arg14[%get3A_129] : memref<3976xf32, #tpu.memory_space<vmem>>[vector<16xi32>], vector<16xf32>,
    %broadcast_in_dim3A_187 = arith.constant 7 : i32
    %broadcast_in_dim3A_188 = vector.broadcast %broadcast_in_dim3A_187 : i32 to vector<16xi32>
    %broadcast_in_dim3A_189 = arith.constant 0 : i32
    %broadcast_in_dim3A_190 = vector.broadcast %broadcast_in_dim3A_189 : i32 to vector<16xi32>
    %lt3A_191 = arith.constant 8 : i32
    %lt3A_192 = vector.broadcast %lt3A_191 : i32 to vector<16xi32>
    %lt3A_193 = arith.cmpi slt, %iota3A, %lt3A_192 : vector<16xi32>
    tpu.vector_store_idx %arg16[%broadcast_in_dim3A_188, %iota3A, %broadcast_in_dim3A_190], %gather3A_186 masked %lt3A_193 : memref<8x8x1xf32, #tpu.memory_space<vmem>>[vector<16xi32>, vector<16xi32>, vector<16xi32>], vector<16xf32>, vector<16xi1>
    "tpu.region"() ({
      %run_scoped3A = tpu.sem_alloc : memref<!tpu.dma_semaphore, #tpu.memory_space<semaphore_mem>>
      %dma_start3A = arith.constant 0 : i32
      %dma_start3A_672 = arith.constant 0 : i32
      %dma_start3A_673 = tpu.memref_slice %arg6[%mul3A_0, %dma_start3A, %dma_start3A_672] : memref<16x1025x1025xf32, #tpu.memory_space<hbm>> -> memref<8x1025x1025xf32, #tpu.memory_space<hbm>>
      %dma_start3A_674 = arith.constant 0 : i32
      %dma_start3A_675 = arith.constant 1024 : i32
      %dma_start3A_676 = tpu.memref_slice %dma_start3A_673[%dma_start3A_674, %multiple_of3A_121, %dma_start3A_675] : memref<8x1025x1025xf32, #tpu.memory_space<hbm>> -> memref<8x8x1xf32, #tpu.memory_space<hbm>>
      %dma_start3A_677 = arith.constant 0 : i32
      %dma_start3A_678 = arith.constant 0 : i32
      %dma_start3A_679 = tpu.memref_slice %arg6[%mul3A_0, %dma_start3A_677, %dma_start3A_678] : memref<16x1025x1025xf32, #tpu.memory_space<hbm>> -> memref<8x1025x1025xf32, #tpu.memory_space<hbm>>
      %dma_start3A_680 = arith.constant 0 : i32
      %dma_start3A_681 = arith.constant 1024 : i32
      %dma_start3A_682 = tpu.memref_slice %dma_start3A_679[%dma_start3A_680, %multiple_of3A_121, %dma_start3A_681] : memref<8x1025x1025xf32, #tpu.memory_space<hbm>> -> memref<8x8x1xf32, #tpu.memory_space<hbm>>
      tpu.enqueue_dma source(%arg16 : memref<8x8x1xf32, #tpu.memory_space<vmem>>) target(%dma_start3A_682 : memref<8x8x1xf32, #tpu.memory_space<hbm>>) target_semaphore(%run_scoped3A : memref<!tpu.dma_semaphore, #tpu.memory_space<semaphore_mem>>)
      %dma_wait3A = arith.constant 0 : i32
      %dma_wait3A_683 = arith.constant 0 : i32
      %dma_wait3A_684 = tpu.memref_slice %arg6[%mul3A_0, %dma_wait3A, %dma_wait3A_683] : memref<16x1025x1025xf32, #tpu.memory_space<hbm>> -> memref<8x1025x1025xf32, #tpu.memory_space<hbm>>
      %dma_wait3A_685 = arith.constant 0 : i32
      %dma_wait3A_686 = arith.constant 1024 : i32
      %dma_wait3A_687 = tpu.memref_slice %dma_wait3A_684[%dma_wait3A_685, %multiple_of3A_121, %dma_wait3A_686] : memref<8x1025x1025xf32, #tpu.memory_space<hbm>> -> memref<8x8x1xf32, #tpu.memory_space<hbm>>
      %dma_wait3A_688 = arith.constant 0 : i32
      %dma_wait3A_689 = arith.constant 0 : i32
      %dma_wait3A_690 = tpu.memref_slice %arg6[%mul3A_0, %dma_wait3A_688, %dma_wait3A_689] : memref<16x1025x1025xf32, #tpu.memory_space<hbm>> -> memref<8x1025x1025xf32, #tpu.memory_space<hbm>>
      %dma_wait3A_691 = arith.constant 0 : i32
      %dma_wait3A_692 = arith.constant 1024 : i32
      %dma_wait3A_693 = tpu.memref_slice %dma_wait3A_690[%dma_wait3A_691, %multiple_of3A_121, %dma_wait3A_692] : memref<8x1025x1025xf32, #tpu.memory_space<hbm>> -> memref<8x8x1xf32, #tpu.memory_space<hbm>>
      tpu.wait_dma2 semaphore(%run_scoped3A : memref<!tpu.dma_semaphore, #tpu.memory_space<semaphore_mem>>) src(%arg16 : memref<8x8x1xf32, #tpu.memory_space<vmem>>) dst(%dma_wait3A_693 : memref<8x8x1xf32, #tpu.memory_space<hbm>>)
      tpu.yield
    }) : () -> ()
    %mul3A_194 = arith.constant 8 : i32
    %mul3A_195 = arith.muli %arg1, %mul3A_194 : i32
    %add3A_196 = arith.constant 2 : i32
    %add3A_197 = arith.addi %mul3A_195, %add3A_196 : i32
    %mul3A_198 = arith.constant 8 : i32
    %mul3A_199 = arith.muli %add3A_197, %mul3A_198 : i32
    %multiple_of3A_200 = tpu.assume_multiple %mul3A_199, 8 : i32
    %mul3A_201 = arith.constant 8 : i32
    %mul3A_202 = arith.muli %arg1, %mul3A_201 : i32
    %add3A_203 = arith.constant 2 : i32
    %add3A_204 = arith.addi %mul3A_202, %add3A_203 : i32
    %mul3A_205 = arith.constant 8 : i32
    %mul3A_206 = arith.muli %add3A_204, %mul3A_205 : i32
    %get3A_207 = arith.index_cast %mul3A_206 : i32 to index
    %get3A_208 = tpu.vector_load %arg18[%get3A_207] {strides = array<i32>} : memref<1032xi32, #tpu.memory_space<vmem>>, vector<16xi32>,
    %gather3A_209 = tpu.vector_load_idx %arg7[%get3A_208] : memref<3976xf32, #tpu.memory_space<vmem>>[vector<16xi32>], vector<16xf32>,
    %broadcast_in_dim3A_210 = arith.constant 0 : i32
    %broadcast_in_dim3A_211 = vector.broadcast %broadcast_in_dim3A_210 : i32 to vector<16xi32>
    %broadcast_in_dim3A_212 = arith.constant 0 : i32
    %broadcast_in_dim3A_213 = vector.broadcast %broadcast_in_dim3A_212 : i32 to vector<16xi32>
    %lt3A_214 = arith.constant 8 : i32
    %lt3A_215 = vector.broadcast %lt3A_214 : i32 to vector<16xi32>
    %lt3A_216 = arith.cmpi slt, %iota3A, %lt3A_215 : vector<16xi32>
    tpu.vector_store_idx %arg16[%broadcast_in_dim3A_211, %iota3A, %broadcast_in_dim3A_213], %gather3A_209 masked %lt3A_216 : memref<8x8x1xf32, #tpu.memory_space<vmem>>[vector<16xi32>, vector<16xi32>, vector<16xi32>], vector<16xf32>, vector<16xi1>
    %gather3A_217 = tpu.vector_load_idx %arg8[%get3A_208] : memref<3976xf32, #tpu.memory_space<vmem>>[vector<16xi32>], vector<16xf32>,
    %broadcast_in_dim3A_218 = arith.constant 1 : i32
    %broadcast_in_dim3A_219 = vector.broadcast %broadcast_in_dim3A_218 : i32 to vector<16xi32>
    %broadcast_in_dim3A_220 = arith.constant 0 : i32
    %broadcast_in_dim3A_221 = vector.broadcast %broadcast_in_dim3A_220 : i32 to vector<16xi32>
    %lt3A_222 = arith.constant 8 : i32
    %lt3A_223 = vector.broadcast %lt3A_222 : i32 to vector<16xi32>
    %lt3A_224 = arith.cmpi slt, %iota3A, %lt3A_223 : vector<16xi32>
    tpu.vector_store_idx %arg16[%broadcast_in_dim3A_219, %iota3A, %broadcast_in_dim3A_221], %gather3A_217 masked %lt3A_224 : memref<8x8x1xf32, #tpu.memory_space<vmem>>[vector<16xi32>, vector<16xi32>, vector<16xi32>], vector<16xf32>, vector<16xi1>
    %gather3A_225 = tpu.vector_load_idx %arg9[%get3A_208] : memref<3976xf32, #tpu.memory_space<vmem>>[vector<16xi32>], vector<16xf32>,
    %broadcast_in_dim3A_226 = arith.constant 2 : i32
    %broadcast_in_dim3A_227 = vector.broadcast %broadcast_in_dim3A_226 : i32 to vector<16xi32>
    %broadcast_in_dim3A_228 = arith.constant 0 : i32
    %broadcast_in_dim3A_229 = vector.broadcast %broadcast_in_dim3A_228 : i32 to vector<16xi32>
    %lt3A_230 = arith.constant 8 : i32
    %lt3A_231 = vector.broadcast %lt3A_230 : i32 to vector<16xi32>
    %lt3A_232 = arith.cmpi slt, %iota3A, %lt3A_231 : vector<16xi32>
    tpu.vector_store_idx %arg16[%broadcast_in_dim3A_227, %iota3A, %broadcast_in_dim3A_229], %gather3A_225 masked %lt3A_232 : memref<8x8x1xf32, #tpu.memory_space<vmem>>[vector<16xi32>, vector<16xi32>, vector<16xi32>], vector<16xf32>, vector<16xi1>
    %gather3A_233 = tpu.vector_load_idx %arg10[%get3A_208] : memref<3976xf32, #tpu.memory_space<vmem>>[vector<16xi32>], vector<16xf32>,
    %broadcast_in_dim3A_234 = arith.constant 3 : i32
    %broadcast_in_dim3A_235 = vector.broadcast %broadcast_in_dim3A_234 : i32 to vector<16xi32>
    %broadcast_in_dim3A_236 = arith.constant 0 : i32
    %broadcast_in_dim3A_237 = vector.broadcast %broadcast_in_dim3A_236 : i32 to vector<16xi32>
    %lt3A_238 = arith.constant 8 : i32
    %lt3A_239 = vector.broadcast %lt3A_238 : i32 to vector<16xi32>
    %lt3A_240 = arith.cmpi slt, %iota3A, %lt3A_239 : vector<16xi32>
    tpu.vector_store_idx %arg16[%broadcast_in_dim3A_235, %iota3A, %broadcast_in_dim3A_237], %gather3A_233 masked %lt3A_240 : memref<8x8x1xf32, #tpu.memory_space<vmem>>[vector<16xi32>, vector<16xi32>, vector<16xi32>], vector<16xf32>, vector<16xi1>
    %gather3A_241 = tpu.vector_load_idx %arg11[%get3A_208] : memref<3976xf32, #tpu.memory_space<vmem>>[vector<16xi32>], vector<16xf32>,
    %broadcast_in_dim3A_242 = arith.constant 4 : i32
    %broadcast_in_dim3A_243 = vector.broadcast %broadcast_in_dim3A_242 : i32 to vector<16xi32>
    %broadcast_in_dim3A_244 = arith.constant 0 : i32
    %broadcast_in_dim3A_245 = vector.broadcast %broadcast_in_dim3A_244 : i32 to vector<16xi32>
    %lt3A_246 = arith.constant 8 : i32
    %lt3A_247 = vector.broadcast %lt3A_246 : i32 to vector<16xi32>
    %lt3A_248 = arith.cmpi slt, %iota3A, %lt3A_247 : vector<16xi32>
    tpu.vector_store_idx %arg16[%broadcast_in_dim3A_243, %iota3A, %broadcast_in_dim3A_245], %gather3A_241 masked %lt3A_248 : memref<8x8x1xf32, #tpu.memory_space<vmem>>[vector<16xi32>, vector<16xi32>, vector<16xi32>], vector<16xf32>, vector<16xi1>
    %gather3A_249 = tpu.vector_load_idx %arg12[%get3A_208] : memref<3976xf32, #tpu.memory_space<vmem>>[vector<16xi32>], vector<16xf32>,
    %broadcast_in_dim3A_250 = arith.constant 5 : i32
    %broadcast_in_dim3A_251 = vector.broadcast %broadcast_in_dim3A_250 : i32 to vector<16xi32>
    %broadcast_in_dim3A_252 = arith.constant 0 : i32
    %broadcast_in_dim3A_253 = vector.broadcast %broadcast_in_dim3A_252 : i32 to vector<16xi32>
    %lt3A_254 = arith.constant 8 : i32
    %lt3A_255 = vector.broadcast %lt3A_254 : i32 to vector<16xi32>
    %lt3A_256 = arith.cmpi slt, %iota3A, %lt3A_255 : vector<16xi32>
    tpu.vector_store_idx %arg16[%broadcast_in_dim3A_251, %iota3A, %broadcast_in_dim3A_253], %gather3A_249 masked %lt3A_256 : memref<8x8x1xf32, #tpu.memory_space<vmem>>[vector<16xi32>, vector<16xi32>, vector<16xi32>], vector<16xf32>, vector<16xi1>
    %gather3A_257 = tpu.vector_load_idx %arg13[%get3A_208] : memref<3976xf32, #tpu.memory_space<vmem>>[vector<16xi32>], vector<16xf32>,
    %broadcast_in_dim3A_258 = arith.constant 6 : i32
    %broadcast_in_dim3A_259 = vector.broadcast %broadcast_in_dim3A_258 : i32 to vector<16xi32>
    %broadcast_in_dim3A_260 = arith.constant 0 : i32
    %broadcast_in_dim3A_261 = vector.broadcast %broadcast_in_dim3A_260 : i32 to vector<16xi32>
    %lt3A_262 = arith.constant 8 : i32
    %lt3A_263 = vector.broadcast %lt3A_262 : i32 to vector<16xi32>
    %lt3A_264 = arith.cmpi slt, %iota3A, %lt3A_263 : vector<16xi32>
    tpu.vector_store_idx %arg16[%broadcast_in_dim3A_259, %iota3A, %broadcast_in_dim3A_261], %gather3A_257 masked %lt3A_264 : memref<8x8x1xf32, #tpu.memory_space<vmem>>[vector<16xi32>, vector<16xi32>, vector<16xi32>], vector<16xf32>, vector<16xi1>
    %gather3A_265 = tpu.vector_load_idx %arg14[%get3A_208] : memref<3976xf32, #tpu.memory_space<vmem>>[vector<16xi32>], vector<16xf32>,
    %broadcast_in_dim3A_266 = arith.constant 7 : i32
    %broadcast_in_dim3A_267 = vector.broadcast %broadcast_in_dim3A_266 : i32 to vector<16xi32>
    %broadcast_in_dim3A_268 = arith.constant 0 : i32
    %broadcast_in_dim3A_269 = vector.broadcast %broadcast_in_dim3A_268 : i32 to vector<16xi32>
    %lt3A_270 = arith.constant 8 : i32
    %lt3A_271 = vector.broadcast %lt3A_270 : i32 to vector<16xi32>
    %lt3A_272 = arith.cmpi slt, %iota3A, %lt3A_271 : vector<16xi32>
    tpu.vector_store_idx %arg16[%broadcast_in_dim3A_267, %iota3A, %broadcast_in_dim3A_269], %gather3A_265 masked %lt3A_272 : memref<8x8x1xf32, #tpu.memory_space<vmem>>[vector<16xi32>, vector<16xi32>, vector<16xi32>], vector<16xf32>, vector<16xi1>
    "tpu.region"() ({
      %run_scoped3A = tpu.sem_alloc : memref<!tpu.dma_semaphore, #tpu.memory_space<semaphore_mem>>
      %dma_start3A = arith.constant 0 : i32
      %dma_start3A_672 = arith.constant 0 : i32
      %dma_start3A_673 = tpu.memref_slice %arg6[%mul3A_0, %dma_start3A, %dma_start3A_672] : memref<16x1025x1025xf32, #tpu.memory_space<hbm>> -> memref<8x1025x1025xf32, #tpu.memory_space<hbm>>
      %dma_start3A_674 = arith.constant 0 : i32
      %dma_start3A_675 = arith.constant 1024 : i32
      %dma_start3A_676 = tpu.memref_slice %dma_start3A_673[%dma_start3A_674, %multiple_of3A_200, %dma_start3A_675] : memref<8x1025x1025xf32, #tpu.memory_space<hbm>> -> memref<8x8x1xf32, #tpu.memory_space<hbm>>
      %dma_start3A_677 = arith.constant 0 : i32
      %dma_start3A_678 = arith.constant 0 : i32
      %dma_start3A_679 = tpu.memref_slice %arg6[%mul3A_0, %dma_start3A_677, %dma_start3A_678] : memref<16x1025x1025xf32, #tpu.memory_space<hbm>> -> memref<8x1025x1025xf32, #tpu.memory_space<hbm>>
      %dma_start3A_680 = arith.constant 0 : i32
      %dma_start3A_681 = arith.constant 1024 : i32
      %dma_start3A_682 = tpu.memref_slice %dma_start3A_679[%dma_start3A_680, %multiple_of3A_200, %dma_start3A_681] : memref<8x1025x1025xf32, #tpu.memory_space<hbm>> -> memref<8x8x1xf32, #tpu.memory_space<hbm>>
      tpu.enqueue_dma source(%arg16 : memref<8x8x1xf32, #tpu.memory_space<vmem>>) target(%dma_start3A_682 : memref<8x8x1xf32, #tpu.memory_space<hbm>>) target_semaphore(%run_scoped3A : memref<!tpu.dma_semaphore, #tpu.memory_space<semaphore_mem>>)
      %dma_wait3A = arith.constant 0 : i32
      %dma_wait3A_683 = arith.constant 0 : i32
      %dma_wait3A_684 = tpu.memref_slice %arg6[%mul3A_0, %dma_wait3A, %dma_wait3A_683] : memref<16x1025x1025xf32, #tpu.memory_space<hbm>> -> memref<8x1025x1025xf32, #tpu.memory_space<hbm>>
      %dma_wait3A_685 = arith.constant 0 : i32
      %dma_wait3A_686 = arith.constant 1024 : i32
      %dma_wait3A_687 = tpu.memref_slice %dma_wait3A_684[%dma_wait3A_685, %multiple_of3A_200, %dma_wait3A_686] : memref<8x1025x1025xf32, #tpu.memory_space<hbm>> -> memref<8x8x1xf32, #tpu.memory_space<hbm>>
      %dma_wait3A_688 = arith.constant 0 : i32
      %dma_wait3A_689 = arith.constant 0 : i32
      %dma_wait3A_690 = tpu.memref_slice %arg6[%mul3A_0, %dma_wait3A_688, %dma_wait3A_689] : memref<16x1025x1025xf32, #tpu.memory_space<hbm>> -> memref<8x1025x1025xf32, #tpu.memory_space<hbm>>
      %dma_wait3A_691 = arith.constant 0 : i32
      %dma_wait3A_692 = arith.constant 1024 : i32
      %dma_wait3A_693 = tpu.memref_slice %dma_wait3A_690[%dma_wait3A_691, %multiple_of3A_200, %dma_wait3A_692] : memref<8x1025x1025xf32, #tpu.memory_space<hbm>> -> memref<8x8x1xf32, #tpu.memory_space<hbm>>
      tpu.wait_dma2 semaphore(%run_scoped3A : memref<!tpu.dma_semaphore, #tpu.memory_space<semaphore_mem>>) src(%arg16 : memref<8x8x1xf32, #tpu.memory_space<vmem>>) dst(%dma_wait3A_693 : memref<8x8x1xf32, #tpu.memory_space<hbm>>)
      tpu.yield
    }) : () -> ()
    %mul3A_273 = arith.constant 8 : i32
    %mul3A_274 = arith.muli %arg1, %mul3A_273 : i32
    %add3A_275 = arith.constant 3 : i32
    %add3A_276 = arith.addi %mul3A_274, %add3A_275 : i32
    %mul3A_277 = arith.constant 8 : i32
    %mul3A_278 = arith.muli %add3A_276, %mul3A_277 : i32
    %multiple_of3A_279 = tpu.assume_multiple %mul3A_278, 8 : i32
    %mul3A_280 = arith.constant 8 : i32
    %mul3A_281 = arith.muli %arg1, %mul3A_280 : i32
    %add3A_282 = arith.constant 3 : i32
    %add3A_283 = arith.addi %mul3A_281, %add3A_282 : i32
    %mul3A_284 = arith.constant 8 : i32
    %mul3A_285 = arith.muli %add3A_283, %mul3A_284 : i32
    %get3A_286 = arith.index_cast %mul3A_285 : i32 to index
    %get3A_287 = tpu.vector_load %arg18[%get3A_286] {strides = array<i32>} : memref<1032xi32, #tpu.memory_space<vmem>>, vector<16xi32>,
    %gather3A_288 = tpu.vector_load_idx %arg7[%get3A_287] : memref<3976xf32, #tpu.memory_space<vmem>>[vector<16xi32>], vector<16xf32>,
    %broadcast_in_dim3A_289 = arith.constant 0 : i32
    %broadcast_in_dim3A_290 = vector.broadcast %broadcast_in_dim3A_289 : i32 to vector<16xi32>
    %broadcast_in_dim3A_291 = arith.constant 0 : i32
    %broadcast_in_dim3A_292 = vector.broadcast %broadcast_in_dim3A_291 : i32 to vector<16xi32>
    %lt3A_293 = arith.constant 8 : i32
    %lt3A_294 = vector.broadcast %lt3A_293 : i32 to vector<16xi32>
    %lt3A_295 = arith.cmpi slt, %iota3A, %lt3A_294 : vector<16xi32>
    tpu.vector_store_idx %arg16[%broadcast_in_dim3A_290, %iota3A, %broadcast_in_dim3A_292], %gather3A_288 masked %lt3A_295 : memref<8x8x1xf32, #tpu.memory_space<vmem>>[vector<16xi32>, vector<16xi32>, vector<16xi32>], vector<16xf32>, vector<16xi1>
    %gather3A_296 = tpu.vector_load_idx %arg8[%get3A_287] : memref<3976xf32, #tpu.memory_space<vmem>>[vector<16xi32>], vector<16xf32>,
    %broadcast_in_dim3A_297 = arith.constant 1 : i32
    %broadcast_in_dim3A_298 = vector.broadcast %broadcast_in_dim3A_297 : i32 to vector<16xi32>
    %broadcast_in_dim3A_299 = arith.constant 0 : i32
    %broadcast_in_dim3A_300 = vector.broadcast %broadcast_in_dim3A_299 : i32 to vector<16xi32>
    %lt3A_301 = arith.constant 8 : i32
    %lt3A_302 = vector.broadcast %lt3A_301 : i32 to vector<16xi32>
    %lt3A_303 = arith.cmpi slt, %iota3A, %lt3A_302 : vector<16xi32>
    tpu.vector_store_idx %arg16[%broadcast_in_dim3A_298, %iota3A, %broadcast_in_dim3A_300], %gather3A_296 masked %lt3A_303 : memref<8x8x1xf32, #tpu.memory_space<vmem>>[vector<16xi32>, vector<16xi32>, vector<16xi32>], vector<16xf32>, vector<16xi1>
    %gather3A_304 = tpu.vector_load_idx %arg9[%get3A_287] : memref<3976xf32, #tpu.memory_space<vmem>>[vector<16xi32>], vector<16xf32>,
    %broadcast_in_dim3A_305 = arith.constant 2 : i32
    %broadcast_in_dim3A_306 = vector.broadcast %broadcast_in_dim3A_305 : i32 to vector<16xi32>
    %broadcast_in_dim3A_307 = arith.constant 0 : i32
    %broadcast_in_dim3A_308 = vector.broadcast %broadcast_in_dim3A_307 : i32 to vector<16xi32>
    %lt3A_309 = arith.constant 8 : i32
    %lt3A_310 = vector.broadcast %lt3A_309 : i32 to vector<16xi32>
    %lt3A_311 = arith.cmpi slt, %iota3A, %lt3A_310 : vector<16xi32>
    tpu.vector_store_idx %arg16[%broadcast_in_dim3A_306, %iota3A, %broadcast_in_dim3A_308], %gather3A_304 masked %lt3A_311 : memref<8x8x1xf32, #tpu.memory_space<vmem>>[vector<16xi32>, vector<16xi32>, vector<16xi32>], vector<16xf32>, vector<16xi1>
    %gather3A_312 = tpu.vector_load_idx %arg10[%get3A_287] : memref<3976xf32, #tpu.memory_space<vmem>>[vector<16xi32>], vector<16xf32>,
    %broadcast_in_dim3A_313 = arith.constant 3 : i32
    %broadcast_in_dim3A_314 = vector.broadcast %broadcast_in_dim3A_313 : i32 to vector<16xi32>
    %broadcast_in_dim3A_315 = arith.constant 0 : i32
    %broadcast_in_dim3A_316 = vector.broadcast %broadcast_in_dim3A_315 : i32 to vector<16xi32>
    %lt3A_317 = arith.constant 8 : i32
    %lt3A_318 = vector.broadcast %lt3A_317 : i32 to vector<16xi32>
    %lt3A_319 = arith.cmpi slt, %iota3A, %lt3A_318 : vector<16xi32>
    tpu.vector_store_idx %arg16[%broadcast_in_dim3A_314, %iota3A, %broadcast_in_dim3A_316], %gather3A_312 masked %lt3A_319 : memref<8x8x1xf32, #tpu.memory_space<vmem>>[vector<16xi32>, vector<16xi32>, vector<16xi32>], vector<16xf32>, vector<16xi1>
    %gather3A_320 = tpu.vector_load_idx %arg11[%get3A_287] : memref<3976xf32, #tpu.memory_space<vmem>>[vector<16xi32>], vector<16xf32>,
    %broadcast_in_dim3A_321 = arith.constant 4 : i32
    %broadcast_in_dim3A_322 = vector.broadcast %broadcast_in_dim3A_321 : i32 to vector<16xi32>
    %broadcast_in_dim3A_323 = arith.constant 0 : i32
    %broadcast_in_dim3A_324 = vector.broadcast %broadcast_in_dim3A_323 : i32 to vector<16xi32>
    %lt3A_325 = arith.constant 8 : i32
    %lt3A_326 = vector.broadcast %lt3A_325 : i32 to vector<16xi32>
    %lt3A_327 = arith.cmpi slt, %iota3A, %lt3A_326 : vector<16xi32>
    tpu.vector_store_idx %arg16[%broadcast_in_dim3A_322, %iota3A, %broadcast_in_dim3A_324], %gather3A_320 masked %lt3A_327 : memref<8x8x1xf32, #tpu.memory_space<vmem>>[vector<16xi32>, vector<16xi32>, vector<16xi32>], vector<16xf32>, vector<16xi1>
    %gather3A_328 = tpu.vector_load_idx %arg12[%get3A_287] : memref<3976xf32, #tpu.memory_space<vmem>>[vector<16xi32>], vector<16xf32>,
    %broadcast_in_dim3A_329 = arith.constant 5 : i32
    %broadcast_in_dim3A_330 = vector.broadcast %broadcast_in_dim3A_329 : i32 to vector<16xi32>
    %broadcast_in_dim3A_331 = arith.constant 0 : i32
    %broadcast_in_dim3A_332 = vector.broadcast %broadcast_in_dim3A_331 : i32 to vector<16xi32>
    %lt3A_333 = arith.constant 8 : i32
    %lt3A_334 = vector.broadcast %lt3A_333 : i32 to vector<16xi32>
    %lt3A_335 = arith.cmpi slt, %iota3A, %lt3A_334 : vector<16xi32>
    tpu.vector_store_idx %arg16[%broadcast_in_dim3A_330, %iota3A, %broadcast_in_dim3A_332], %gather3A_328 masked %lt3A_335 : memref<8x8x1xf32, #tpu.memory_space<vmem>>[vector<16xi32>, vector<16xi32>, vector<16xi32>], vector<16xf32>, vector<16xi1>
    %gather3A_336 = tpu.vector_load_idx %arg13[%get3A_287] : memref<3976xf32, #tpu.memory_space<vmem>>[vector<16xi32>], vector<16xf32>,
    %broadcast_in_dim3A_337 = arith.constant 6 : i32
    %broadcast_in_dim3A_338 = vector.broadcast %broadcast_in_dim3A_337 : i32 to vector<16xi32>
    %broadcast_in_dim3A_339 = arith.constant 0 : i32
    %broadcast_in_dim3A_340 = vector.broadcast %broadcast_in_dim3A_339 : i32 to vector<16xi32>
    %lt3A_341 = arith.constant 8 : i32
    %lt3A_342 = vector.broadcast %lt3A_341 : i32 to vector<16xi32>
    %lt3A_343 = arith.cmpi slt, %iota3A, %lt3A_342 : vector<16xi32>
    tpu.vector_store_idx %arg16[%broadcast_in_dim3A_338, %iota3A, %broadcast_in_dim3A_340], %gather3A_336 masked %lt3A_343 : memref<8x8x1xf32, #tpu.memory_space<vmem>>[vector<16xi32>, vector<16xi32>, vector<16xi32>], vector<16xf32>, vector<16xi1>
    %gather3A_344 = tpu.vector_load_idx %arg14[%get3A_287] : memref<3976xf32, #tpu.memory_space<vmem>>[vector<16xi32>], vector<16xf32>,
    %broadcast_in_dim3A_345 = arith.constant 7 : i32
    %broadcast_in_dim3A_346 = vector.broadcast %broadcast_in_dim3A_345 : i32 to vector<16xi32>
    %broadcast_in_dim3A_347 = arith.constant 0 : i32
    %broadcast_in_dim3A_348 = vector.broadcast %broadcast_in_dim3A_347 : i32 to vector<16xi32>
    %lt3A_349 = arith.constant 8 : i32
    %lt3A_350 = vector.broadcast %lt3A_349 : i32 to vector<16xi32>
    %lt3A_351 = arith.cmpi slt, %iota3A, %lt3A_350 : vector<16xi32>
    tpu.vector_store_idx %arg16[%broadcast_in_dim3A_346, %iota3A, %broadcast_in_dim3A_348], %gather3A_344 masked %lt3A_351 : memref<8x8x1xf32, #tpu.memory_space<vmem>>[vector<16xi32>, vector<16xi32>, vector<16xi32>], vector<16xf32>, vector<16xi1>
    "tpu.region"() ({
      %run_scoped3A = tpu.sem_alloc : memref<!tpu.dma_semaphore, #tpu.memory_space<semaphore_mem>>
      %dma_start3A = arith.constant 0 : i32
      %dma_start3A_672 = arith.constant 0 : i32
      %dma_start3A_673 = tpu.memref_slice %arg6[%mul3A_0, %dma_start3A, %dma_start3A_672] : memref<16x1025x1025xf32, #tpu.memory_space<hbm>> -> memref<8x1025x1025xf32, #tpu.memory_space<hbm>>
      %dma_start3A_674 = arith.constant 0 : i32
      %dma_start3A_675 = arith.constant 1024 : i32
      %dma_start3A_676 = tpu.memref_slice %dma_start3A_673[%dma_start3A_674, %multiple_of3A_279, %dma_start3A_675] : memref<8x1025x1025xf32, #tpu.memory_space<hbm>> -> memref<8x8x1xf32, #tpu.memory_space<hbm>>
      %dma_start3A_677 = arith.constant 0 : i32
      %dma_start3A_678 = arith.constant 0 : i32
      %dma_start3A_679 = tpu.memref_slice %arg6[%mul3A_0, %dma_start3A_677, %dma_start3A_678] : memref<16x1025x1025xf32, #tpu.memory_space<hbm>> -> memref<8x1025x1025xf32, #tpu.memory_space<hbm>>
      %dma_start3A_680 = arith.constant 0 : i32
      %dma_start3A_681 = arith.constant 1024 : i32
      %dma_start3A_682 = tpu.memref_slice %dma_start3A_679[%dma_start3A_680, %multiple_of3A_279, %dma_start3A_681] : memref<8x1025x1025xf32, #tpu.memory_space<hbm>> -> memref<8x8x1xf32, #tpu.memory_space<hbm>>
      tpu.enqueue_dma source(%arg16 : memref<8x8x1xf32, #tpu.memory_space<vmem>>) target(%dma_start3A_682 : memref<8x8x1xf32, #tpu.memory_space<hbm>>) target_semaphore(%run_scoped3A : memref<!tpu.dma_semaphore, #tpu.memory_space<semaphore_mem>>)
      %dma_wait3A = arith.constant 0 : i32
      %dma_wait3A_683 = arith.constant 0 : i32
      %dma_wait3A_684 = tpu.memref_slice %arg6[%mul3A_0, %dma_wait3A, %dma_wait3A_683] : memref<16x1025x1025xf32, #tpu.memory_space<hbm>> -> memref<8x1025x1025xf32, #tpu.memory_space<hbm>>
      %dma_wait3A_685 = arith.constant 0 : i32
      %dma_wait3A_686 = arith.constant 1024 : i32
      %dma_wait3A_687 = tpu.memref_slice %dma_wait3A_684[%dma_wait3A_685, %multiple_of3A_279, %dma_wait3A_686] : memref<8x1025x1025xf32, #tpu.memory_space<hbm>> -> memref<8x8x1xf32, #tpu.memory_space<hbm>>
      %dma_wait3A_688 = arith.constant 0 : i32
      %dma_wait3A_689 = arith.constant 0 : i32
      %dma_wait3A_690 = tpu.memref_slice %arg6[%mul3A_0, %dma_wait3A_688, %dma_wait3A_689] : memref<16x1025x1025xf32, #tpu.memory_space<hbm>> -> memref<8x1025x1025xf32, #tpu.memory_space<hbm>>
      %dma_wait3A_691 = arith.constant 0 : i32
      %dma_wait3A_692 = arith.constant 1024 : i32
      %dma_wait3A_693 = tpu.memref_slice %dma_wait3A_690[%dma_wait3A_691, %multiple_of3A_279, %dma_wait3A_692] : memref<8x1025x1025xf32, #tpu.memory_space<hbm>> -> memref<8x8x1xf32, #tpu.memory_space<hbm>>
      tpu.wait_dma2 semaphore(%run_scoped3A : memref<!tpu.dma_semaphore, #tpu.memory_space<semaphore_mem>>) src(%arg16 : memref<8x8x1xf32, #tpu.memory_space<vmem>>) dst(%dma_wait3A_693 : memref<8x8x1xf32, #tpu.memory_space<hbm>>)
      tpu.yield
    }) : () -> ()
    %mul3A_352 = arith.constant 8 : i32
    %mul3A_353 = arith.muli %arg1, %mul3A_352 : i32
    %add3A_354 = arith.constant 4 : i32
    %add3A_355 = arith.addi %mul3A_353, %add3A_354 : i32
    %mul3A_356 = arith.constant 8 : i32
    %mul3A_357 = arith.muli %add3A_355, %mul3A_356 : i32
    %multiple_of3A_358 = tpu.assume_multiple %mul3A_357, 8 : i32
    %mul3A_359 = arith.constant 8 : i32
    %mul3A_360 = arith.muli %arg1, %mul3A_359 : i32
    %add3A_361 = arith.constant 4 : i32
    %add3A_362 = arith.addi %mul3A_360, %add3A_361 : i32
    %mul3A_363 = arith.constant 8 : i32
    %mul3A_364 = arith.muli %add3A_362, %mul3A_363 : i32
    %get3A_365 = arith.index_cast %mul3A_364 : i32 to index
    %get3A_366 = tpu.vector_load %arg18[%get3A_365] {strides = array<i32>} : memref<1032xi32, #tpu.memory_space<vmem>>, vector<16xi32>,
    %gather3A_367 = tpu.vector_load_idx %arg7[%get3A_366] : memref<3976xf32, #tpu.memory_space<vmem>>[vector<16xi32>], vector<16xf32>,
    %broadcast_in_dim3A_368 = arith.constant 0 : i32
    %broadcast_in_dim3A_369 = vector.broadcast %broadcast_in_dim3A_368 : i32 to vector<16xi32>
    %broadcast_in_dim3A_370 = arith.constant 0 : i32
    %broadcast_in_dim3A_371 = vector.broadcast %broadcast_in_dim3A_370 : i32 to vector<16xi32>
    %lt3A_372 = arith.constant 8 : i32
    %lt3A_373 = vector.broadcast %lt3A_372 : i32 to vector<16xi32>
    %lt3A_374 = arith.cmpi slt, %iota3A, %lt3A_373 : vector<16xi32>
    tpu.vector_store_idx %arg16[%broadcast_in_dim3A_369, %iota3A, %broadcast_in_dim3A_371], %gather3A_367 masked %lt3A_374 : memref<8x8x1xf32, #tpu.memory_space<vmem>>[vector<16xi32>, vector<16xi32>, vector<16xi32>], vector<16xf32>, vector<16xi1>
    %gather3A_375 = tpu.vector_load_idx %arg8[%get3A_366] : memref<3976xf32, #tpu.memory_space<vmem>>[vector<16xi32>], vector<16xf32>,
    %broadcast_in_dim3A_376 = arith.constant 1 : i32
    %broadcast_in_dim3A_377 = vector.broadcast %broadcast_in_dim3A_376 : i32 to vector<16xi32>
    %broadcast_in_dim3A_378 = arith.constant 0 : i32
    %broadcast_in_dim3A_379 = vector.broadcast %broadcast_in_dim3A_378 : i32 to vector<16xi32>
    %lt3A_380 = arith.constant 8 : i32
    %lt3A_381 = vector.broadcast %lt3A_380 : i32 to vector<16xi32>
    %lt3A_382 = arith.cmpi slt, %iota3A, %lt3A_381 : vector<16xi32>
    tpu.vector_store_idx %arg16[%broadcast_in_dim3A_377, %iota3A, %broadcast_in_dim3A_379], %gather3A_375 masked %lt3A_382 : memref<8x8x1xf32, #tpu.memory_space<vmem>>[vector<16xi32>, vector<16xi32>, vector<16xi32>], vector<16xf32>, vector<16xi1>
    %gather3A_383 = tpu.vector_load_idx %arg9[%get3A_366] : memref<3976xf32, #tpu.memory_space<vmem>>[vector<16xi32>], vector<16xf32>,
    %broadcast_in_dim3A_384 = arith.constant 2 : i32
    %broadcast_in_dim3A_385 = vector.broadcast %broadcast_in_dim3A_384 : i32 to vector<16xi32>
    %broadcast_in_dim3A_386 = arith.constant 0 : i32
    %broadcast_in_dim3A_387 = vector.broadcast %broadcast_in_dim3A_386 : i32 to vector<16xi32>
    %lt3A_388 = arith.constant 8 : i32
    %lt3A_389 = vector.broadcast %lt3A_388 : i32 to vector<16xi32>
    %lt3A_390 = arith.cmpi slt, %iota3A, %lt3A_389 : vector<16xi32>
    tpu.vector_store_idx %arg16[%broadcast_in_dim3A_385, %iota3A, %broadcast_in_dim3A_387], %gather3A_383 masked %lt3A_390 : memref<8x8x1xf32, #tpu.memory_space<vmem>>[vector<16xi32>, vector<16xi32>, vector<16xi32>], vector<16xf32>, vector<16xi1>
    %gather3A_391 = tpu.vector_load_idx %arg10[%get3A_366] : memref<3976xf32, #tpu.memory_space<vmem>>[vector<16xi32>], vector<16xf32>,
    %broadcast_in_dim3A_392 = arith.constant 3 : i32
    %broadcast_in_dim3A_393 = vector.broadcast %broadcast_in_dim3A_392 : i32 to vector<16xi32>
    %broadcast_in_dim3A_394 = arith.constant 0 : i32
    %broadcast_in_dim3A_395 = vector.broadcast %broadcast_in_dim3A_394 : i32 to vector<16xi32>
    %lt3A_396 = arith.constant 8 : i32
    %lt3A_397 = vector.broadcast %lt3A_396 : i32 to vector<16xi32>
    %lt3A_398 = arith.cmpi slt, %iota3A, %lt3A_397 : vector<16xi32>
    tpu.vector_store_idx %arg16[%broadcast_in_dim3A_393, %iota3A, %broadcast_in_dim3A_395], %gather3A_391 masked %lt3A_398 : memref<8x8x1xf32, #tpu.memory_space<vmem>>[vector<16xi32>, vector<16xi32>, vector<16xi32>], vector<16xf32>, vector<16xi1>
    %gather3A_399 = tpu.vector_load_idx %arg11[%get3A_366] : memref<3976xf32, #tpu.memory_space<vmem>>[vector<16xi32>], vector<16xf32>,
    %broadcast_in_dim3A_400 = arith.constant 4 : i32
    %broadcast_in_dim3A_401 = vector.broadcast %broadcast_in_dim3A_400 : i32 to vector<16xi32>
    %broadcast_in_dim3A_402 = arith.constant 0 : i32
    %broadcast_in_dim3A_403 = vector.broadcast %broadcast_in_dim3A_402 : i32 to vector<16xi32>
    %lt3A_404 = arith.constant 8 : i32
    %lt3A_405 = vector.broadcast %lt3A_404 : i32 to vector<16xi32>
    %lt3A_406 = arith.cmpi slt, %iota3A, %lt3A_405 : vector<16xi32>
    tpu.vector_store_idx %arg16[%broadcast_in_dim3A_401, %iota3A, %broadcast_in_dim3A_403], %gather3A_399 masked %lt3A_406 : memref<8x8x1xf32, #tpu.memory_space<vmem>>[vector<16xi32>, vector<16xi32>, vector<16xi32>], vector<16xf32>, vector<16xi1>
    %gather3A_407 = tpu.vector_load_idx %arg12[%get3A_366] : memref<3976xf32, #tpu.memory_space<vmem>>[vector<16xi32>], vector<16xf32>,
    %broadcast_in_dim3A_408 = arith.constant 5 : i32
    %broadcast_in_dim3A_409 = vector.broadcast %broadcast_in_dim3A_408 : i32 to vector<16xi32>
    %broadcast_in_dim3A_410 = arith.constant 0 : i32
    %broadcast_in_dim3A_411 = vector.broadcast %broadcast_in_dim3A_410 : i32 to vector<16xi32>
    %lt3A_412 = arith.constant 8 : i32
    %lt3A_413 = vector.broadcast %lt3A_412 : i32 to vector<16xi32>
    %lt3A_414 = arith.cmpi slt, %iota3A, %lt3A_413 : vector<16xi32>
    tpu.vector_store_idx %arg16[%broadcast_in_dim3A_409, %iota3A, %broadcast_in_dim3A_411], %gather3A_407 masked %lt3A_414 : memref<8x8x1xf32, #tpu.memory_space<vmem>>[vector<16xi32>, vector<16xi32>, vector<16xi32>], vector<16xf32>, vector<16xi1>
    %gather3A_415 = tpu.vector_load_idx %arg13[%get3A_366] : memref<3976xf32, #tpu.memory_space<vmem>>[vector<16xi32>], vector<16xf32>,
    %broadcast_in_dim3A_416 = arith.constant 6 : i32
    %broadcast_in_dim3A_417 = vector.broadcast %broadcast_in_dim3A_416 : i32 to vector<16xi32>
    %broadcast_in_dim3A_418 = arith.constant 0 : i32
    %broadcast_in_dim3A_419 = vector.broadcast %broadcast_in_dim3A_418 : i32 to vector<16xi32>
    %lt3A_420 = arith.constant 8 : i32
    %lt3A_421 = vector.broadcast %lt3A_420 : i32 to vector<16xi32>
    %lt3A_422 = arith.cmpi slt, %iota3A, %lt3A_421 : vector<16xi32>
    tpu.vector_store_idx %arg16[%broadcast_in_dim3A_417, %iota3A, %broadcast_in_dim3A_419], %gather3A_415 masked %lt3A_422 : memref<8x8x1xf32, #tpu.memory_space<vmem>>[vector<16xi32>, vector<16xi32>, vector<16xi32>], vector<16xf32>, vector<16xi1>
    %gather3A_423 = tpu.vector_load_idx %arg14[%get3A_366] : memref<3976xf32, #tpu.memory_space<vmem>>[vector<16xi32>], vector<16xf32>,
    %broadcast_in_dim3A_424 = arith.constant 7 : i32
    %broadcast_in_dim3A_425 = vector.broadcast %broadcast_in_dim3A_424 : i32 to vector<16xi32>
    %broadcast_in_dim3A_426 = arith.constant 0 : i32
    %broadcast_in_dim3A_427 = vector.broadcast %broadcast_in_dim3A_426 : i32 to vector<16xi32>
    %lt3A_428 = arith.constant 8 : i32
    %lt3A_429 = vector.broadcast %lt3A_428 : i32 to vector<16xi32>
    %lt3A_430 = arith.cmpi slt, %iota3A, %lt3A_429 : vector<16xi32>
    tpu.vector_store_idx %arg16[%broadcast_in_dim3A_425, %iota3A, %broadcast_in_dim3A_427], %gather3A_423 masked %lt3A_430 : memref<8x8x1xf32, #tpu.memory_space<vmem>>[vector<16xi32>, vector<16xi32>, vector<16xi32>], vector<16xf32>, vector<16xi1>
    "tpu.region"() ({
      %run_scoped3A = tpu.sem_alloc : memref<!tpu.dma_semaphore, #tpu.memory_space<semaphore_mem>>
      %dma_start3A = arith.constant 0 : i32
      %dma_start3A_672 = arith.constant 0 : i32
      %dma_start3A_673 = tpu.memref_slice %arg6[%mul3A_0, %dma_start3A, %dma_start3A_672] : memref<16x1025x1025xf32, #tpu.memory_space<hbm>> -> memref<8x1025x1025xf32, #tpu.memory_space<hbm>>
      %dma_start3A_674 = arith.constant 0 : i32
      %dma_start3A_675 = arith.constant 1024 : i32
      %dma_start3A_676 = tpu.memref_slice %dma_start3A_673[%dma_start3A_674, %multiple_of3A_358, %dma_start3A_675] : memref<8x1025x1025xf32, #tpu.memory_space<hbm>> -> memref<8x8x1xf32, #tpu.memory_space<hbm>>
      %dma_start3A_677 = arith.constant 0 : i32
      %dma_start3A_678 = arith.constant 0 : i32
      %dma_start3A_679 = tpu.memref_slice %arg6[%mul3A_0, %dma_start3A_677, %dma_start3A_678] : memref<16x1025x1025xf32, #tpu.memory_space<hbm>> -> memref<8x1025x1025xf32, #tpu.memory_space<hbm>>
      %dma_start3A_680 = arith.constant 0 : i32
      %dma_start3A_681 = arith.constant 1024 : i32
      %dma_start3A_682 = tpu.memref_slice %dma_start3A_679[%dma_start3A_680, %multiple_of3A_358, %dma_start3A_681] : memref<8x1025x1025xf32, #tpu.memory_space<hbm>> -> memref<8x8x1xf32, #tpu.memory_space<hbm>>
      tpu.enqueue_dma source(%arg16 : memref<8x8x1xf32, #tpu.memory_space<vmem>>) target(%dma_start3A_682 : memref<8x8x1xf32, #tpu.memory_space<hbm>>) target_semaphore(%run_scoped3A : memref<!tpu.dma_semaphore, #tpu.memory_space<semaphore_mem>>)
      %dma_wait3A = arith.constant 0 : i32
      %dma_wait3A_683 = arith.constant 0 : i32
      %dma_wait3A_684 = tpu.memref_slice %arg6[%mul3A_0, %dma_wait3A, %dma_wait3A_683] : memref<16x1025x1025xf32, #tpu.memory_space<hbm>> -> memref<8x1025x1025xf32, #tpu.memory_space<hbm>>
      %dma_wait3A_685 = arith.constant 0 : i32
      %dma_wait3A_686 = arith.constant 1024 : i32
      %dma_wait3A_687 = tpu.memref_slice %dma_wait3A_684[%dma_wait3A_685, %multiple_of3A_358, %dma_wait3A_686] : memref<8x1025x1025xf32, #tpu.memory_space<hbm>> -> memref<8x8x1xf32, #tpu.memory_space<hbm>>
      %dma_wait3A_688 = arith.constant 0 : i32
      %dma_wait3A_689 = arith.constant 0 : i32
      %dma_wait3A_690 = tpu.memref_slice %arg6[%mul3A_0, %dma_wait3A_688, %dma_wait3A_689] : memref<16x1025x1025xf32, #tpu.memory_space<hbm>> -> memref<8x1025x1025xf32, #tpu.memory_space<hbm>>
      %dma_wait3A_691 = arith.constant 0 : i32
      %dma_wait3A_692 = arith.constant 1024 : i32
      %dma_wait3A_693 = tpu.memref_slice %dma_wait3A_690[%dma_wait3A_691, %multiple_of3A_358, %dma_wait3A_692] : memref<8x1025x1025xf32, #tpu.memory_space<hbm>> -> memref<8x8x1xf32, #tpu.memory_space<hbm>>
      tpu.wait_dma2 semaphore(%run_scoped3A : memref<!tpu.dma_semaphore, #tpu.memory_space<semaphore_mem>>) src(%arg16 : memref<8x8x1xf32, #tpu.memory_space<vmem>>) dst(%dma_wait3A_693 : memref<8x8x1xf32, #tpu.memory_space<hbm>>)
      tpu.yield
    }) : () -> ()
    %mul3A_431 = arith.constant 8 : i32
    %mul3A_432 = arith.muli %arg1, %mul3A_431 : i32
    %add3A_433 = arith.constant 5 : i32
    %add3A_434 = arith.addi %mul3A_432, %add3A_433 : i32
    %mul3A_435 = arith.constant 8 : i32
    %mul3A_436 = arith.muli %add3A_434, %mul3A_435 : i32
    %multiple_of3A_437 = tpu.assume_multiple %mul3A_436, 8 : i32
    %mul3A_438 = arith.constant 8 : i32
    %mul3A_439 = arith.muli %arg1, %mul3A_438 : i32
    %add3A_440 = arith.constant 5 : i32
    %add3A_441 = arith.addi %mul3A_439, %add3A_440 : i32
    %mul3A_442 = arith.constant 8 : i32
    %mul3A_443 = arith.muli %add3A_441, %mul3A_442 : i32
    %get3A_444 = arith.index_cast %mul3A_443 : i32 to index
    %get3A_445 = tpu.vector_load %arg18[%get3A_444] {strides = array<i32>} : memref<1032xi32, #tpu.memory_space<vmem>>, vector<16xi32>,
    %gather3A_446 = tpu.vector_load_idx %arg7[%get3A_445] : memref<3976xf32, #tpu.memory_space<vmem>>[vector<16xi32>], vector<16xf32>,
    %broadcast_in_dim3A_447 = arith.constant 0 : i32
    %broadcast_in_dim3A_448 = vector.broadcast %broadcast_in_dim3A_447 : i32 to vector<16xi32>
    %broadcast_in_dim3A_449 = arith.constant 0 : i32
    %broadcast_in_dim3A_450 = vector.broadcast %broadcast_in_dim3A_449 : i32 to vector<16xi32>
    %lt3A_451 = arith.constant 8 : i32
    %lt3A_452 = vector.broadcast %lt3A_451 : i32 to vector<16xi32>
    %lt3A_453 = arith.cmpi slt, %iota3A, %lt3A_452 : vector<16xi32>
    tpu.vector_store_idx %arg16[%broadcast_in_dim3A_448, %iota3A, %broadcast_in_dim3A_450], %gather3A_446 masked %lt3A_453 : memref<8x8x1xf32, #tpu.memory_space<vmem>>[vector<16xi32>, vector<16xi32>, vector<16xi32>], vector<16xf32>, vector<16xi1>
    %gather3A_454 = tpu.vector_load_idx %arg8[%get3A_445] : memref<3976xf32, #tpu.memory_space<vmem>>[vector<16xi32>], vector<16xf32>,
    %broadcast_in_dim3A_455 = arith.constant 1 : i32
    %broadcast_in_dim3A_456 = vector.broadcast %broadcast_in_dim3A_455 : i32 to vector<16xi32>
    %broadcast_in_dim3A_457 = arith.constant 0 : i32
    %broadcast_in_dim3A_458 = vector.broadcast %broadcast_in_dim3A_457 : i32 to vector<16xi32>
    %lt3A_459 = arith.constant 8 : i32
    %lt3A_460 = vector.broadcast %lt3A_459 : i32 to vector<16xi32>
    %lt3A_461 = arith.cmpi slt, %iota3A, %lt3A_460 : vector<16xi32>
    tpu.vector_store_idx %arg16[%broadcast_in_dim3A_456, %iota3A, %broadcast_in_dim3A_458], %gather3A_454 masked %lt3A_461 : memref<8x8x1xf32, #tpu.memory_space<vmem>>[vector<16xi32>, vector<16xi32>, vector<16xi32>], vector<16xf32>, vector<16xi1>
    %gather3A_462 = tpu.vector_load_idx %arg9[%get3A_445] : memref<3976xf32, #tpu.memory_space<vmem>>[vector<16xi32>], vector<16xf32>,
    %broadcast_in_dim3A_463 = arith.constant 2 : i32
    %broadcast_in_dim3A_464 = vector.broadcast %broadcast_in_dim3A_463 : i32 to vector<16xi32>
    %broadcast_in_dim3A_465 = arith.constant 0 : i32
    %broadcast_in_dim3A_466 = vector.broadcast %broadcast_in_dim3A_465 : i32 to vector<16xi32>
    %lt3A_467 = arith.constant 8 : i32
    %lt3A_468 = vector.broadcast %lt3A_467 : i32 to vector<16xi32>
    %lt3A_469 = arith.cmpi slt, %iota3A, %lt3A_468 : vector<16xi32>
    tpu.vector_store_idx %arg16[%broadcast_in_dim3A_464, %iota3A, %broadcast_in_dim3A_466], %gather3A_462 masked %lt3A_469 : memref<8x8x1xf32, #tpu.memory_space<vmem>>[vector<16xi32>, vector<16xi32>, vector<16xi32>], vector<16xf32>, vector<16xi1>
    %gather3A_470 = tpu.vector_load_idx %arg10[%get3A_445] : memref<3976xf32, #tpu.memory_space<vmem>>[vector<16xi32>], vector<16xf32>,
    %broadcast_in_dim3A_471 = arith.constant 3 : i32
    %broadcast_in_dim3A_472 = vector.broadcast %broadcast_in_dim3A_471 : i32 to vector<16xi32>
    %broadcast_in_dim3A_473 = arith.constant 0 : i32
    %broadcast_in_dim3A_474 = vector.broadcast %broadcast_in_dim3A_473 : i32 to vector<16xi32>
    %lt3A_475 = arith.constant 8 : i32
    %lt3A_476 = vector.broadcast %lt3A_475 : i32 to vector<16xi32>
    %lt3A_477 = arith.cmpi slt, %iota3A, %lt3A_476 : vector<16xi32>
    tpu.vector_store_idx %arg16[%broadcast_in_dim3A_472, %iota3A, %broadcast_in_dim3A_474], %gather3A_470 masked %lt3A_477 : memref<8x8x1xf32, #tpu.memory_space<vmem>>[vector<16xi32>, vector<16xi32>, vector<16xi32>], vector<16xf32>, vector<16xi1>
    %gather3A_478 = tpu.vector_load_idx %arg11[%get3A_445] : memref<3976xf32, #tpu.memory_space<vmem>>[vector<16xi32>], vector<16xf32>,
    %broadcast_in_dim3A_479 = arith.constant 4 : i32
    %broadcast_in_dim3A_480 = vector.broadcast %broadcast_in_dim3A_479 : i32 to vector<16xi32>
    %broadcast_in_dim3A_481 = arith.constant 0 : i32
    %broadcast_in_dim3A_482 = vector.broadcast %broadcast_in_dim3A_481 : i32 to vector<16xi32>
    %lt3A_483 = arith.constant 8 : i32
    %lt3A_484 = vector.broadcast %lt3A_483 : i32 to vector<16xi32>
    %lt3A_485 = arith.cmpi slt, %iota3A, %lt3A_484 : vector<16xi32>
    tpu.vector_store_idx %arg16[%broadcast_in_dim3A_480, %iota3A, %broadcast_in_dim3A_482], %gather3A_478 masked %lt3A_485 : memref<8x8x1xf32, #tpu.memory_space<vmem>>[vector<16xi32>, vector<16xi32>, vector<16xi32>], vector<16xf32>, vector<16xi1>
    %gather3A_486 = tpu.vector_load_idx %arg12[%get3A_445] : memref<3976xf32, #tpu.memory_space<vmem>>[vector<16xi32>], vector<16xf32>,
    %broadcast_in_dim3A_487 = arith.constant 5 : i32
    %broadcast_in_dim3A_488 = vector.broadcast %broadcast_in_dim3A_487 : i32 to vector<16xi32>
    %broadcast_in_dim3A_489 = arith.constant 0 : i32
    %broadcast_in_dim3A_490 = vector.broadcast %broadcast_in_dim3A_489 : i32 to vector<16xi32>
    %lt3A_491 = arith.constant 8 : i32
    %lt3A_492 = vector.broadcast %lt3A_491 : i32 to vector<16xi32>
    %lt3A_493 = arith.cmpi slt, %iota3A, %lt3A_492 : vector<16xi32>
    tpu.vector_store_idx %arg16[%broadcast_in_dim3A_488, %iota3A, %broadcast_in_dim3A_490], %gather3A_486 masked %lt3A_493 : memref<8x8x1xf32, #tpu.memory_space<vmem>>[vector<16xi32>, vector<16xi32>, vector<16xi32>], vector<16xf32>, vector<16xi1>
    %gather3A_494 = tpu.vector_load_idx %arg13[%get3A_445] : memref<3976xf32, #tpu.memory_space<vmem>>[vector<16xi32>], vector<16xf32>,
    %broadcast_in_dim3A_495 = arith.constant 6 : i32
    %broadcast_in_dim3A_496 = vector.broadcast %broadcast_in_dim3A_495 : i32 to vector<16xi32>
    %broadcast_in_dim3A_497 = arith.constant 0 : i32
    %broadcast_in_dim3A_498 = vector.broadcast %broadcast_in_dim3A_497 : i32 to vector<16xi32>
    %lt3A_499 = arith.constant 8 : i32
    %lt3A_500 = vector.broadcast %lt3A_499 : i32 to vector<16xi32>
    %lt3A_501 = arith.cmpi slt, %iota3A, %lt3A_500 : vector<16xi32>
    tpu.vector_store_idx %arg16[%broadcast_in_dim3A_496, %iota3A, %broadcast_in_dim3A_498], %gather3A_494 masked %lt3A_501 : memref<8x8x1xf32, #tpu.memory_space<vmem>>[vector<16xi32>, vector<16xi32>, vector<16xi32>], vector<16xf32>, vector<16xi1>
    %gather3A_502 = tpu.vector_load_idx %arg14[%get3A_445] : memref<3976xf32, #tpu.memory_space<vmem>>[vector<16xi32>], vector<16xf32>,
    %broadcast_in_dim3A_503 = arith.constant 7 : i32
    %broadcast_in_dim3A_504 = vector.broadcast %broadcast_in_dim3A_503 : i32 to vector<16xi32>
    %broadcast_in_dim3A_505 = arith.constant 0 : i32
    %broadcast_in_dim3A_506 = vector.broadcast %broadcast_in_dim3A_505 : i32 to vector<16xi32>
    %lt3A_507 = arith.constant 8 : i32
    %lt3A_508 = vector.broadcast %lt3A_507 : i32 to vector<16xi32>
    %lt3A_509 = arith.cmpi slt, %iota3A, %lt3A_508 : vector<16xi32>
    tpu.vector_store_idx %arg16[%broadcast_in_dim3A_504, %iota3A, %broadcast_in_dim3A_506], %gather3A_502 masked %lt3A_509 : memref<8x8x1xf32, #tpu.memory_space<vmem>>[vector<16xi32>, vector<16xi32>, vector<16xi32>], vector<16xf32>, vector<16xi1>
    "tpu.region"() ({
      %run_scoped3A = tpu.sem_alloc : memref<!tpu.dma_semaphore, #tpu.memory_space<semaphore_mem>>
      %dma_start3A = arith.constant 0 : i32
      %dma_start3A_672 = arith.constant 0 : i32
      %dma_start3A_673 = tpu.memref_slice %arg6[%mul3A_0, %dma_start3A, %dma_start3A_672] : memref<16x1025x1025xf32, #tpu.memory_space<hbm>> -> memref<8x1025x1025xf32, #tpu.memory_space<hbm>>
      %dma_start3A_674 = arith.constant 0 : i32
      %dma_start3A_675 = arith.constant 1024 : i32
      %dma_start3A_676 = tpu.memref_slice %dma_start3A_673[%dma_start3A_674, %multiple_of3A_437, %dma_start3A_675] : memref<8x1025x1025xf32, #tpu.memory_space<hbm>> -> memref<8x8x1xf32, #tpu.memory_space<hbm>>
      %dma_start3A_677 = arith.constant 0 : i32
      %dma_start3A_678 = arith.constant 0 : i32
      %dma_start3A_679 = tpu.memref_slice %arg6[%mul3A_0, %dma_start3A_677, %dma_start3A_678] : memref<16x1025x1025xf32, #tpu.memory_space<hbm>> -> memref<8x1025x1025xf32, #tpu.memory_space<hbm>>
      %dma_start3A_680 = arith.constant 0 : i32
      %dma_start3A_681 = arith.constant 1024 : i32
      %dma_start3A_682 = tpu.memref_slice %dma_start3A_679[%dma_start3A_680, %multiple_of3A_437, %dma_start3A_681] : memref<8x1025x1025xf32, #tpu.memory_space<hbm>> -> memref<8x8x1xf32, #tpu.memory_space<hbm>>
      tpu.enqueue_dma source(%arg16 : memref<8x8x1xf32, #tpu.memory_space<vmem>>) target(%dma_start3A_682 : memref<8x8x1xf32, #tpu.memory_space<hbm>>) target_semaphore(%run_scoped3A : memref<!tpu.dma_semaphore, #tpu.memory_space<semaphore_mem>>)
      %dma_wait3A = arith.constant 0 : i32
      %dma_wait3A_683 = arith.constant 0 : i32
      %dma_wait3A_684 = tpu.memref_slice %arg6[%mul3A_0, %dma_wait3A, %dma_wait3A_683] : memref<16x1025x1025xf32, #tpu.memory_space<hbm>> -> memref<8x1025x1025xf32, #tpu.memory_space<hbm>>
      %dma_wait3A_685 = arith.constant 0 : i32
      %dma_wait3A_686 = arith.constant 1024 : i32
      %dma_wait3A_687 = tpu.memref_slice %dma_wait3A_684[%dma_wait3A_685, %multiple_of3A_437, %dma_wait3A_686] : memref<8x1025x1025xf32, #tpu.memory_space<hbm>> -> memref<8x8x1xf32, #tpu.memory_space<hbm>>
      %dma_wait3A_688 = arith.constant 0 : i32
      %dma_wait3A_689 = arith.constant 0 : i32
      %dma_wait3A_690 = tpu.memref_slice %arg6[%mul3A_0, %dma_wait3A_688, %dma_wait3A_689] : memref<16x1025x1025xf32, #tpu.memory_space<hbm>> -> memref<8x1025x1025xf32, #tpu.memory_space<hbm>>
      %dma_wait3A_691 = arith.constant 0 : i32
      %dma_wait3A_692 = arith.constant 1024 : i32
      %dma_wait3A_693 = tpu.memref_slice %dma_wait3A_690[%dma_wait3A_691, %multiple_of3A_437, %dma_wait3A_692] : memref<8x1025x1025xf32, #tpu.memory_space<hbm>> -> memref<8x8x1xf32, #tpu.memory_space<hbm>>
      tpu.wait_dma2 semaphore(%run_scoped3A : memref<!tpu.dma_semaphore, #tpu.memory_space<semaphore_mem>>) src(%arg16 : memref<8x8x1xf32, #tpu.memory_space<vmem>>) dst(%dma_wait3A_693 : memref<8x8x1xf32, #tpu.memory_space<hbm>>)
      tpu.yield
    }) : () -> ()
    %mul3A_510 = arith.constant 8 : i32
    %mul3A_511 = arith.muli %arg1, %mul3A_510 : i32
    %add3A_512 = arith.constant 6 : i32
    %add3A_513 = arith.addi %mul3A_511, %add3A_512 : i32
    %mul3A_514 = arith.constant 8 : i32
    %mul3A_515 = arith.muli %add3A_513, %mul3A_514 : i32
    %multiple_of3A_516 = tpu.assume_multiple %mul3A_515, 8 : i32
    %mul3A_517 = arith.constant 8 : i32
    %mul3A_518 = arith.muli %arg1, %mul3A_517 : i32
    %add3A_519 = arith.constant 6 : i32
    %add3A_520 = arith.addi %mul3A_518, %add3A_519 : i32
    %mul3A_521 = arith.constant 8 : i32
    %mul3A_522 = arith.muli %add3A_520, %mul3A_521 : i32
    %get3A_523 = arith.index_cast %mul3A_522 : i32 to index
    %get3A_524 = tpu.vector_load %arg18[%get3A_523] {strides = array<i32>} : memref<1032xi32, #tpu.memory_space<vmem>>, vector<16xi32>,
    %gather3A_525 = tpu.vector_load_idx %arg7[%get3A_524] : memref<3976xf32, #tpu.memory_space<vmem>>[vector<16xi32>], vector<16xf32>,
    %broadcast_in_dim3A_526 = arith.constant 0 : i32
    %broadcast_in_dim3A_527 = vector.broadcast %broadcast_in_dim3A_526 : i32 to vector<16xi32>
    %broadcast_in_dim3A_528 = arith.constant 0 : i32
    %broadcast_in_dim3A_529 = vector.broadcast %broadcast_in_dim3A_528 : i32 to vector<16xi32>
    %lt3A_530 = arith.constant 8 : i32
    %lt3A_531 = vector.broadcast %lt3A_530 : i32 to vector<16xi32>
    %lt3A_532 = arith.cmpi slt, %iota3A, %lt3A_531 : vector<16xi32>
    tpu.vector_store_idx %arg16[%broadcast_in_dim3A_527, %iota3A, %broadcast_in_dim3A_529], %gather3A_525 masked %lt3A_532 : memref<8x8x1xf32, #tpu.memory_space<vmem>>[vector<16xi32>, vector<16xi32>, vector<16xi32>], vector<16xf32>, vector<16xi1>
    %gather3A_533 = tpu.vector_load_idx %arg8[%get3A_524] : memref<3976xf32, #tpu.memory_space<vmem>>[vector<16xi32>], vector<16xf32>,
    %broadcast_in_dim3A_534 = arith.constant 1 : i32
    %broadcast_in_dim3A_535 = vector.broadcast %broadcast_in_dim3A_534 : i32 to vector<16xi32>
    %broadcast_in_dim3A_536 = arith.constant 0 : i32
    %broadcast_in_dim3A_537 = vector.broadcast %broadcast_in_dim3A_536 : i32 to vector<16xi32>
    %lt3A_538 = arith.constant 8 : i32
    %lt3A_539 = vector.broadcast %lt3A_538 : i32 to vector<16xi32>
    %lt3A_540 = arith.cmpi slt, %iota3A, %lt3A_539 : vector<16xi32>
    tpu.vector_store_idx %arg16[%broadcast_in_dim3A_535, %iota3A, %broadcast_in_dim3A_537], %gather3A_533 masked %lt3A_540 : memref<8x8x1xf32, #tpu.memory_space<vmem>>[vector<16xi32>, vector<16xi32>, vector<16xi32>], vector<16xf32>, vector<16xi1>
    %gather3A_541 = tpu.vector_load_idx %arg9[%get3A_524] : memref<3976xf32, #tpu.memory_space<vmem>>[vector<16xi32>], vector<16xf32>,
    %broadcast_in_dim3A_542 = arith.constant 2 : i32
    %broadcast_in_dim3A_543 = vector.broadcast %broadcast_in_dim3A_542 : i32 to vector<16xi32>
    %broadcast_in_dim3A_544 = arith.constant 0 : i32
    %broadcast_in_dim3A_545 = vector.broadcast %broadcast_in_dim3A_544 : i32 to vector<16xi32>
    %lt3A_546 = arith.constant 8 : i32
    %lt3A_547 = vector.broadcast %lt3A_546 : i32 to vector<16xi32>
    %lt3A_548 = arith.cmpi slt, %iota3A, %lt3A_547 : vector<16xi32>
    tpu.vector_store_idx %arg16[%broadcast_in_dim3A_543, %iota3A, %broadcast_in_dim3A_545], %gather3A_541 masked %lt3A_548 : memref<8x8x1xf32, #tpu.memory_space<vmem>>[vector<16xi32>, vector<16xi32>, vector<16xi32>], vector<16xf32>, vector<16xi1>
    %gather3A_549 = tpu.vector_load_idx %arg10[%get3A_524] : memref<3976xf32, #tpu.memory_space<vmem>>[vector<16xi32>], vector<16xf32>,
    %broadcast_in_dim3A_550 = arith.constant 3 : i32
    %broadcast_in_dim3A_551 = vector.broadcast %broadcast_in_dim3A_550 : i32 to vector<16xi32>
    %broadcast_in_dim3A_552 = arith.constant 0 : i32
    %broadcast_in_dim3A_553 = vector.broadcast %broadcast_in_dim3A_552 : i32 to vector<16xi32>
    %lt3A_554 = arith.constant 8 : i32
    %lt3A_555 = vector.broadcast %lt3A_554 : i32 to vector<16xi32>
    %lt3A_556 = arith.cmpi slt, %iota3A, %lt3A_555 : vector<16xi32>
    tpu.vector_store_idx %arg16[%broadcast_in_dim3A_551, %iota3A, %broadcast_in_dim3A_553], %gather3A_549 masked %lt3A_556 : memref<8x8x1xf32, #tpu.memory_space<vmem>>[vector<16xi32>, vector<16xi32>, vector<16xi32>], vector<16xf32>, vector<16xi1>
    %gather3A_557 = tpu.vector_load_idx %arg11[%get3A_524] : memref<3976xf32, #tpu.memory_space<vmem>>[vector<16xi32>], vector<16xf32>,
    %broadcast_in_dim3A_558 = arith.constant 4 : i32
    %broadcast_in_dim3A_559 = vector.broadcast %broadcast_in_dim3A_558 : i32 to vector<16xi32>
    %broadcast_in_dim3A_560 = arith.constant 0 : i32
    %broadcast_in_dim3A_561 = vector.broadcast %broadcast_in_dim3A_560 : i32 to vector<16xi32>
    %lt3A_562 = arith.constant 8 : i32
    %lt3A_563 = vector.broadcast %lt3A_562 : i32 to vector<16xi32>
    %lt3A_564 = arith.cmpi slt, %iota3A, %lt3A_563 : vector<16xi32>
    tpu.vector_store_idx %arg16[%broadcast_in_dim3A_559, %iota3A, %broadcast_in_dim3A_561], %gather3A_557 masked %lt3A_564 : memref<8x8x1xf32, #tpu.memory_space<vmem>>[vector<16xi32>, vector<16xi32>, vector<16xi32>], vector<16xf32>, vector<16xi1>
    %gather3A_565 = tpu.vector_load_idx %arg12[%get3A_524] : memref<3976xf32, #tpu.memory_space<vmem>>[vector<16xi32>], vector<16xf32>,
    %broadcast_in_dim3A_566 = arith.constant 5 : i32
    %broadcast_in_dim3A_567 = vector.broadcast %broadcast_in_dim3A_566 : i32 to vector<16xi32>
    %broadcast_in_dim3A_568 = arith.constant 0 : i32
    %broadcast_in_dim3A_569 = vector.broadcast %broadcast_in_dim3A_568 : i32 to vector<16xi32>
    %lt3A_570 = arith.constant 8 : i32
    %lt3A_571 = vector.broadcast %lt3A_570 : i32 to vector<16xi32>
    %lt3A_572 = arith.cmpi slt, %iota3A, %lt3A_571 : vector<16xi32>
    tpu.vector_store_idx %arg16[%broadcast_in_dim3A_567, %iota3A, %broadcast_in_dim3A_569], %gather3A_565 masked %lt3A_572 : memref<8x8x1xf32, #tpu.memory_space<vmem>>[vector<16xi32>, vector<16xi32>, vector<16xi32>], vector<16xf32>, vector<16xi1>
    %gather3A_573 = tpu.vector_load_idx %arg13[%get3A_524] : memref<3976xf32, #tpu.memory_space<vmem>>[vector<16xi32>], vector<16xf32>,
    %broadcast_in_dim3A_574 = arith.constant 6 : i32
    %broadcast_in_dim3A_575 = vector.broadcast %broadcast_in_dim3A_574 : i32 to vector<16xi32>
    %broadcast_in_dim3A_576 = arith.constant 0 : i32
    %broadcast_in_dim3A_577 = vector.broadcast %broadcast_in_dim3A_576 : i32 to vector<16xi32>
    %lt3A_578 = arith.constant 8 : i32
    %lt3A_579 = vector.broadcast %lt3A_578 : i32 to vector<16xi32>
    %lt3A_580 = arith.cmpi slt, %iota3A, %lt3A_579 : vector<16xi32>
    tpu.vector_store_idx %arg16[%broadcast_in_dim3A_575, %iota3A, %broadcast_in_dim3A_577], %gather3A_573 masked %lt3A_580 : memref<8x8x1xf32, #tpu.memory_space<vmem>>[vector<16xi32>, vector<16xi32>, vector<16xi32>], vector<16xf32>, vector<16xi1>
    %gather3A_581 = tpu.vector_load_idx %arg14[%get3A_524] : memref<3976xf32, #tpu.memory_space<vmem>>[vector<16xi32>], vector<16xf32>,
    %broadcast_in_dim3A_582 = arith.constant 7 : i32
    %broadcast_in_dim3A_583 = vector.broadcast %broadcast_in_dim3A_582 : i32 to vector<16xi32>
    %broadcast_in_dim3A_584 = arith.constant 0 : i32
    %broadcast_in_dim3A_585 = vector.broadcast %broadcast_in_dim3A_584 : i32 to vector<16xi32>
    %lt3A_586 = arith.constant 8 : i32
    %lt3A_587 = vector.broadcast %lt3A_586 : i32 to vector<16xi32>
    %lt3A_588 = arith.cmpi slt, %iota3A, %lt3A_587 : vector<16xi32>
    tpu.vector_store_idx %arg16[%broadcast_in_dim3A_583, %iota3A, %broadcast_in_dim3A_585], %gather3A_581 masked %lt3A_588 : memref<8x8x1xf32, #tpu.memory_space<vmem>>[vector<16xi32>, vector<16xi32>, vector<16xi32>], vector<16xf32>, vector<16xi1>
    "tpu.region"() ({
      %run_scoped3A = tpu.sem_alloc : memref<!tpu.dma_semaphore, #tpu.memory_space<semaphore_mem>>
      %dma_start3A = arith.constant 0 : i32
      %dma_start3A_672 = arith.constant 0 : i32
      %dma_start3A_673 = tpu.memref_slice %arg6[%mul3A_0, %dma_start3A, %dma_start3A_672] : memref<16x1025x1025xf32, #tpu.memory_space<hbm>> -> memref<8x1025x1025xf32, #tpu.memory_space<hbm>>
      %dma_start3A_674 = arith.constant 0 : i32
      %dma_start3A_675 = arith.constant 1024 : i32
      %dma_start3A_676 = tpu.memref_slice %dma_start3A_673[%dma_start3A_674, %multiple_of3A_516, %dma_start3A_675] : memref<8x1025x1025xf32, #tpu.memory_space<hbm>> -> memref<8x8x1xf32, #tpu.memory_space<hbm>>
      %dma_start3A_677 = arith.constant 0 : i32
      %dma_start3A_678 = arith.constant 0 : i32
      %dma_start3A_679 = tpu.memref_slice %arg6[%mul3A_0, %dma_start3A_677, %dma_start3A_678] : memref<16x1025x1025xf32, #tpu.memory_space<hbm>> -> memref<8x1025x1025xf32, #tpu.memory_space<hbm>>
      %dma_start3A_680 = arith.constant 0 : i32
      %dma_start3A_681 = arith.constant 1024 : i32
      %dma_start3A_682 = tpu.memref_slice %dma_start3A_679[%dma_start3A_680, %multiple_of3A_516, %dma_start3A_681] : memref<8x1025x1025xf32, #tpu.memory_space<hbm>> -> memref<8x8x1xf32, #tpu.memory_space<hbm>>
      tpu.enqueue_dma source(%arg16 : memref<8x8x1xf32, #tpu.memory_space<vmem>>) target(%dma_start3A_682 : memref<8x8x1xf32, #tpu.memory_space<hbm>>) target_semaphore(%run_scoped3A : memref<!tpu.dma_semaphore, #tpu.memory_space<semaphore_mem>>)
      %dma_wait3A = arith.constant 0 : i32
      %dma_wait3A_683 = arith.constant 0 : i32
      %dma_wait3A_684 = tpu.memref_slice %arg6[%mul3A_0, %dma_wait3A, %dma_wait3A_683] : memref<16x1025x1025xf32, #tpu.memory_space<hbm>> -> memref<8x1025x1025xf32, #tpu.memory_space<hbm>>
      %dma_wait3A_685 = arith.constant 0 : i32
      %dma_wait3A_686 = arith.constant 1024 : i32
      %dma_wait3A_687 = tpu.memref_slice %dma_wait3A_684[%dma_wait3A_685, %multiple_of3A_516, %dma_wait3A_686] : memref<8x1025x1025xf32, #tpu.memory_space<hbm>> -> memref<8x8x1xf32, #tpu.memory_space<hbm>>
      %dma_wait3A_688 = arith.constant 0 : i32
      %dma_wait3A_689 = arith.constant 0 : i32
      %dma_wait3A_690 = tpu.memref_slice %arg6[%mul3A_0, %dma_wait3A_688, %dma_wait3A_689] : memref<16x1025x1025xf32, #tpu.memory_space<hbm>> -> memref<8x1025x1025xf32, #tpu.memory_space<hbm>>
      %dma_wait3A_691 = arith.constant 0 : i32
      %dma_wait3A_692 = arith.constant 1024 : i32
      %dma_wait3A_693 = tpu.memref_slice %dma_wait3A_690[%dma_wait3A_691, %multiple_of3A_516, %dma_wait3A_692] : memref<8x1025x1025xf32, #tpu.memory_space<hbm>> -> memref<8x8x1xf32, #tpu.memory_space<hbm>>
      tpu.wait_dma2 semaphore(%run_scoped3A : memref<!tpu.dma_semaphore, #tpu.memory_space<semaphore_mem>>) src(%arg16 : memref<8x8x1xf32, #tpu.memory_space<vmem>>) dst(%dma_wait3A_693 : memref<8x8x1xf32, #tpu.memory_space<hbm>>)
      tpu.yield
    }) : () -> ()
    %mul3A_589 = arith.constant 8 : i32
    %mul3A_590 = arith.muli %arg1, %mul3A_589 : i32
    %add3A_591 = arith.constant 7 : i32
    %add3A_592 = arith.addi %mul3A_590, %add3A_591 : i32
    %mul3A_593 = arith.constant 8 : i32
    %mul3A_594 = arith.muli %add3A_592, %mul3A_593 : i32
    %multiple_of3A_595 = tpu.assume_multiple %mul3A_594, 8 : i32
    %mul3A_596 = arith.constant 8 : i32
    %mul3A_597 = arith.muli %arg1, %mul3A_596 : i32
    %add3A_598 = arith.constant 7 : i32
    %add3A_599 = arith.addi %mul3A_597, %add3A_598 : i32
    %mul3A_600 = arith.constant 8 : i32
    %mul3A_601 = arith.muli %add3A_599, %mul3A_600 : i32
    %get3A_602 = arith.index_cast %mul3A_601 : i32 to index
    %get3A_603 = tpu.vector_load %arg18[%get3A_602] {strides = array<i32>} : memref<1032xi32, #tpu.memory_space<vmem>>, vector<16xi32>,
    %gather3A_604 = tpu.vector_load_idx %arg7[%get3A_603] : memref<3976xf32, #tpu.memory_space<vmem>>[vector<16xi32>], vector<16xf32>,
    %broadcast_in_dim3A_605 = arith.constant 0 : i32
    %broadcast_in_dim3A_606 = vector.broadcast %broadcast_in_dim3A_605 : i32 to vector<16xi32>
    %broadcast_in_dim3A_607 = arith.constant 0 : i32
    %broadcast_in_dim3A_608 = vector.broadcast %broadcast_in_dim3A_607 : i32 to vector<16xi32>
    %lt3A_609 = arith.constant 8 : i32
    %lt3A_610 = vector.broadcast %lt3A_609 : i32 to vector<16xi32>
    %lt3A_611 = arith.cmpi slt, %iota3A, %lt3A_610 : vector<16xi32>
    tpu.vector_store_idx %arg16[%broadcast_in_dim3A_606, %iota3A, %broadcast_in_dim3A_608], %gather3A_604 masked %lt3A_611 : memref<8x8x1xf32, #tpu.memory_space<vmem>>[vector<16xi32>, vector<16xi32>, vector<16xi32>], vector<16xf32>, vector<16xi1>
    %gather3A_612 = tpu.vector_load_idx %arg8[%get3A_603] : memref<3976xf32, #tpu.memory_space<vmem>>[vector<16xi32>], vector<16xf32>,
    %broadcast_in_dim3A_613 = arith.constant 1 : i32
    %broadcast_in_dim3A_614 = vector.broadcast %broadcast_in_dim3A_613 : i32 to vector<16xi32>
    %broadcast_in_dim3A_615 = arith.constant 0 : i32
    %broadcast_in_dim3A_616 = vector.broadcast %broadcast_in_dim3A_615 : i32 to vector<16xi32>
    %lt3A_617 = arith.constant 8 : i32
    %lt3A_618 = vector.broadcast %lt3A_617 : i32 to vector<16xi32>
    %lt3A_619 = arith.cmpi slt, %iota3A, %lt3A_618 : vector<16xi32>
    tpu.vector_store_idx %arg16[%broadcast_in_dim3A_614, %iota3A, %broadcast_in_dim3A_616], %gather3A_612 masked %lt3A_619 : memref<8x8x1xf32, #tpu.memory_space<vmem>>[vector<16xi32>, vector<16xi32>, vector<16xi32>], vector<16xf32>, vector<16xi1>
    %gather3A_620 = tpu.vector_load_idx %arg9[%get3A_603] : memref<3976xf32, #tpu.memory_space<vmem>>[vector<16xi32>], vector<16xf32>,
    %broadcast_in_dim3A_621 = arith.constant 2 : i32
    %broadcast_in_dim3A_622 = vector.broadcast %broadcast_in_dim3A_621 : i32 to vector<16xi32>
    %broadcast_in_dim3A_623 = arith.constant 0 : i32
    %broadcast_in_dim3A_624 = vector.broadcast %broadcast_in_dim3A_623 : i32 to vector<16xi32>
    %lt3A_625 = arith.constant 8 : i32
    %lt3A_626 = vector.broadcast %lt3A_625 : i32 to vector<16xi32>
    %lt3A_627 = arith.cmpi slt, %iota3A, %lt3A_626 : vector<16xi32>
    tpu.vector_store_idx %arg16[%broadcast_in_dim3A_622, %iota3A, %broadcast_in_dim3A_624], %gather3A_620 masked %lt3A_627 : memref<8x8x1xf32, #tpu.memory_space<vmem>>[vector<16xi32>, vector<16xi32>, vector<16xi32>], vector<16xf32>, vector<16xi1>
    %gather3A_628 = tpu.vector_load_idx %arg10[%get3A_603] : memref<3976xf32, #tpu.memory_space<vmem>>[vector<16xi32>], vector<16xf32>,
    %broadcast_in_dim3A_629 = arith.constant 3 : i32
    %broadcast_in_dim3A_630 = vector.broadcast %broadcast_in_dim3A_629 : i32 to vector<16xi32>
    %broadcast_in_dim3A_631 = arith.constant 0 : i32
    %broadcast_in_dim3A_632 = vector.broadcast %broadcast_in_dim3A_631 : i32 to vector<16xi32>
    %lt3A_633 = arith.constant 8 : i32
    %lt3A_634 = vector.broadcast %lt3A_633 : i32 to vector<16xi32>
    %lt3A_635 = arith.cmpi slt, %iota3A, %lt3A_634 : vector<16xi32>
    tpu.vector_store_idx %arg16[%broadcast_in_dim3A_630, %iota3A, %broadcast_in_dim3A_632], %gather3A_628 masked %lt3A_635 : memref<8x8x1xf32, #tpu.memory_space<vmem>>[vector<16xi32>, vector<16xi32>, vector<16xi32>], vector<16xf32>, vector<16xi1>
    %gather3A_636 = tpu.vector_load_idx %arg11[%get3A_603] : memref<3976xf32, #tpu.memory_space<vmem>>[vector<16xi32>], vector<16xf32>,
    %broadcast_in_dim3A_637 = arith.constant 4 : i32
    %broadcast_in_dim3A_638 = vector.broadcast %broadcast_in_dim3A_637 : i32 to vector<16xi32>
    %broadcast_in_dim3A_639 = arith.constant 0 : i32
    %broadcast_in_dim3A_640 = vector.broadcast %broadcast_in_dim3A_639 : i32 to vector<16xi32>
    %lt3A_641 = arith.constant 8 : i32
    %lt3A_642 = vector.broadcast %lt3A_641 : i32 to vector<16xi32>
    %lt3A_643 = arith.cmpi slt, %iota3A, %lt3A_642 : vector<16xi32>
    tpu.vector_store_idx %arg16[%broadcast_in_dim3A_638, %iota3A, %broadcast_in_dim3A_640], %gather3A_636 masked %lt3A_643 : memref<8x8x1xf32, #tpu.memory_space<vmem>>[vector<16xi32>, vector<16xi32>, vector<16xi32>], vector<16xf32>, vector<16xi1>
    %gather3A_644 = tpu.vector_load_idx %arg12[%get3A_603] : memref<3976xf32, #tpu.memory_space<vmem>>[vector<16xi32>], vector<16xf32>,
    %broadcast_in_dim3A_645 = arith.constant 5 : i32
    %broadcast_in_dim3A_646 = vector.broadcast %broadcast_in_dim3A_645 : i32 to vector<16xi32>
    %broadcast_in_dim3A_647 = arith.constant 0 : i32
    %broadcast_in_dim3A_648 = vector.broadcast %broadcast_in_dim3A_647 : i32 to vector<16xi32>
    %lt3A_649 = arith.constant 8 : i32
    %lt3A_650 = vector.broadcast %lt3A_649 : i32 to vector<16xi32>
    %lt3A_651 = arith.cmpi slt, %iota3A, %lt3A_650 : vector<16xi32>
    tpu.vector_store_idx %arg16[%broadcast_in_dim3A_646, %iota3A, %broadcast_in_dim3A_648], %gather3A_644 masked %lt3A_651 : memref<8x8x1xf32, #tpu.memory_space<vmem>>[vector<16xi32>, vector<16xi32>, vector<16xi32>], vector<16xf32>, vector<16xi1>
    %gather3A_652 = tpu.vector_load_idx %arg13[%get3A_603] : memref<3976xf32, #tpu.memory_space<vmem>>[vector<16xi32>], vector<16xf32>,
    %broadcast_in_dim3A_653 = arith.constant 6 : i32
    %broadcast_in_dim3A_654 = vector.broadcast %broadcast_in_dim3A_653 : i32 to vector<16xi32>
    %broadcast_in_dim3A_655 = arith.constant 0 : i32
    %broadcast_in_dim3A_656 = vector.broadcast %broadcast_in_dim3A_655 : i32 to vector<16xi32>
    %lt3A_657 = arith.constant 8 : i32
    %lt3A_658 = vector.broadcast %lt3A_657 : i32 to vector<16xi32>
    %lt3A_659 = arith.cmpi slt, %iota3A, %lt3A_658 : vector<16xi32>
    tpu.vector_store_idx %arg16[%broadcast_in_dim3A_654, %iota3A, %broadcast_in_dim3A_656], %gather3A_652 masked %lt3A_659 : memref<8x8x1xf32, #tpu.memory_space<vmem>>[vector<16xi32>, vector<16xi32>, vector<16xi32>], vector<16xf32>, vector<16xi1>
    %gather3A_660 = tpu.vector_load_idx %arg14[%get3A_603] : memref<3976xf32, #tpu.memory_space<vmem>>[vector<16xi32>], vector<16xf32>,
    %broadcast_in_dim3A_661 = arith.constant 7 : i32
    %broadcast_in_dim3A_662 = vector.broadcast %broadcast_in_dim3A_661 : i32 to vector<16xi32>
    %broadcast_in_dim3A_663 = arith.constant 0 : i32
    %broadcast_in_dim3A_664 = vector.broadcast %broadcast_in_dim3A_663 : i32 to vector<16xi32>
    %lt3A_665 = arith.constant 8 : i32
    %lt3A_666 = vector.broadcast %lt3A_665 : i32 to vector<16xi32>
    %lt3A_667 = arith.cmpi slt, %iota3A, %lt3A_666 : vector<16xi32>
    tpu.vector_store_idx %arg16[%broadcast_in_dim3A_662, %iota3A, %broadcast_in_dim3A_664], %gather3A_660 masked %lt3A_667 : memref<8x8x1xf32, #tpu.memory_space<vmem>>[vector<16xi32>, vector<16xi32>, vector<16xi32>], vector<16xf32>, vector<16xi1>
    "tpu.region"() ({
      %run_scoped3A = tpu.sem_alloc : memref<!tpu.dma_semaphore, #tpu.memory_space<semaphore_mem>>
      %dma_start3A = arith.constant 0 : i32
      %dma_start3A_672 = arith.constant 0 : i32
      %dma_start3A_673 = tpu.memref_slice %arg6[%mul3A_0, %dma_start3A, %dma_start3A_672] : memref<16x1025x1025xf32, #tpu.memory_space<hbm>> -> memref<8x1025x1025xf32, #tpu.memory_space<hbm>>
      %dma_start3A_674 = arith.constant 0 : i32
      %dma_start3A_675 = arith.constant 1024 : i32
      %dma_start3A_676 = tpu.memref_slice %dma_start3A_673[%dma_start3A_674, %multiple_of3A_595, %dma_start3A_675] : memref<8x1025x1025xf32, #tpu.memory_space<hbm>> -> memref<8x8x1xf32, #tpu.memory_space<hbm>>
      %dma_start3A_677 = arith.constant 0 : i32
      %dma_start3A_678 = arith.constant 0 : i32
      %dma_start3A_679 = tpu.memref_slice %arg6[%mul3A_0, %dma_start3A_677, %dma_start3A_678] : memref<16x1025x1025xf32, #tpu.memory_space<hbm>> -> memref<8x1025x1025xf32, #tpu.memory_space<hbm>>
      %dma_start3A_680 = arith.constant 0 : i32
      %dma_start3A_681 = arith.constant 1024 : i32
      %dma_start3A_682 = tpu.memref_slice %dma_start3A_679[%dma_start3A_680, %multiple_of3A_595, %dma_start3A_681] : memref<8x1025x1025xf32, #tpu.memory_space<hbm>> -> memref<8x8x1xf32, #tpu.memory_space<hbm>>
      tpu.enqueue_dma source(%arg16 : memref<8x8x1xf32, #tpu.memory_space<vmem>>) target(%dma_start3A_682 : memref<8x8x1xf32, #tpu.memory_space<hbm>>) target_semaphore(%run_scoped3A : memref<!tpu.dma_semaphore, #tpu.memory_space<semaphore_mem>>)
      %dma_wait3A = arith.constant 0 : i32
      %dma_wait3A_683 = arith.constant 0 : i32
      %dma_wait3A_684 = tpu.memref_slice %arg6[%mul3A_0, %dma_wait3A, %dma_wait3A_683] : memref<16x1025x1025xf32, #tpu.memory_space<hbm>> -> memref<8x1025x1025xf32, #tpu.memory_space<hbm>>
      %dma_wait3A_685 = arith.constant 0 : i32
      %dma_wait3A_686 = arith.constant 1024 : i32
      %dma_wait3A_687 = tpu.memref_slice %dma_wait3A_684[%dma_wait3A_685, %multiple_of3A_595, %dma_wait3A_686] : memref<8x1025x1025xf32, #tpu.memory_space<hbm>> -> memref<8x8x1xf32, #tpu.memory_space<hbm>>
      %dma_wait3A_688 = arith.constant 0 : i32
      %dma_wait3A_689 = arith.constant 0 : i32
      %dma_wait3A_690 = tpu.memref_slice %arg6[%mul3A_0, %dma_wait3A_688, %dma_wait3A_689] : memref<16x1025x1025xf32, #tpu.memory_space<hbm>> -> memref<8x1025x1025xf32, #tpu.memory_space<hbm>>
      %dma_wait3A_691 = arith.constant 0 : i32
      %dma_wait3A_692 = arith.constant 1024 : i32
      %dma_wait3A_693 = tpu.memref_slice %dma_wait3A_690[%dma_wait3A_691, %multiple_of3A_595, %dma_wait3A_692] : memref<8x1025x1025xf32, #tpu.memory_space<hbm>> -> memref<8x8x1xf32, #tpu.memory_space<hbm>>
      tpu.wait_dma2 semaphore(%run_scoped3A : memref<!tpu.dma_semaphore, #tpu.memory_space<semaphore_mem>>) src(%arg16 : memref<8x8x1xf32, #tpu.memory_space<vmem>>) dst(%dma_wait3A_693 : memref<8x8x1xf32, #tpu.memory_space<hbm>>)
      tpu.yield
    }) : () -> ()
    %eq3A = arith.constant 8 : i32
    %eq3A_668 = arith.cmpi eq, %arg1, %eq3A : i32
    %convert_element_type3A_669 = arith.extui %eq3A_668 : i1 to i32
    %cond3A_670 = arith.constant 0 : i32
    %cond3A_671 = arith.cmpi ne, %convert_element_type3A_669, %cond3A_670 : i32
    scf.if %cond3A_671 {
      %get3A_672 = arith.constant 1016 : index
      %get3A_673 = tpu.vector_load %arg18[%get3A_672] {strides = array<i32>} : memref<1032xi32, #tpu.memory_space<vmem>>, vector<16xi32>,
      %gather3A_674 = tpu.vector_load_idx %arg7[%get3A_673] : memref<3976xf32, #tpu.memory_space<vmem>>[vector<16xi32>], vector<16xf32>,
      %broadcast_in_dim3A_675 = arith.constant 0 : i32
      %broadcast_in_dim3A_676 = vector.broadcast %broadcast_in_dim3A_675 : i32 to vector<16xi32>
      %sub3A = arith.constant 8 : i32
      %sub3A_677 = vector.broadcast %sub3A : i32 to vector<16xi32>
      %sub3A_678 = arith.subi %iota3A, %sub3A_677 : vector<16xi32>
      %sub3A_679 = arith.constant 8 : i32
      %sub3A_680 = vector.broadcast %sub3A_679 : i32 to vector<16xi32>
      %sub3A_681 = arith.subi %iota3A, %sub3A_680 : vector<16xi32>
      %eq3A_682 = arith.constant 8 : i32
      %eq3A_683 = vector.broadcast %eq3A_682 : i32 to vector<16xi32>
      %eq3A_684 = arith.cmpi eq, %iota3A, %eq3A_683 : vector<16xi32>
      tpu.vector_store_idx %arg17[%broadcast_in_dim3A_676, %sub3A_678, %sub3A_681], %gather3A_674 masked %eq3A_684 : memref<8x1x1xf32, #tpu.memory_space<vmem>>[vector<16xi32>, vector<16xi32>, vector<16xi32>], vector<16xf32>, vector<16xi1>
      %gather3A_685 = tpu.vector_load_idx %arg8[%get3A_673] : memref<3976xf32, #tpu.memory_space<vmem>>[vector<16xi32>], vector<16xf32>,
      %broadcast_in_dim3A_686 = arith.constant 1 : i32
      %broadcast_in_dim3A_687 = vector.broadcast %broadcast_in_dim3A_686 : i32 to vector<16xi32>
      %sub3A_688 = arith.constant 8 : i32
      %sub3A_689 = vector.broadcast %sub3A_688 : i32 to vector<16xi32>
      %sub3A_690 = arith.subi %iota3A, %sub3A_689 : vector<16xi32>
      %sub3A_691 = arith.constant 8 : i32
      %sub3A_692 = vector.broadcast %sub3A_691 : i32 to vector<16xi32>
      %sub3A_693 = arith.subi %iota3A, %sub3A_692 : vector<16xi32>
      %eq3A_694 = arith.constant 8 : i32
      %eq3A_695 = vector.broadcast %eq3A_694 : i32 to vector<16xi32>
      %eq3A_696 = arith.cmpi eq, %iota3A, %eq3A_695 : vector<16xi32>
      tpu.vector_store_idx %arg17[%broadcast_in_dim3A_687, %sub3A_690, %sub3A_693], %gather3A_685 masked %eq3A_696 : memref<8x1x1xf32, #tpu.memory_space<vmem>>[vector<16xi32>, vector<16xi32>, vector<16xi32>], vector<16xf32>, vector<16xi1>
      %gather3A_697 = tpu.vector_load_idx %arg9[%get3A_673] : memref<3976xf32, #tpu.memory_space<vmem>>[vector<16xi32>], vector<16xf32>,
      %broadcast_in_dim3A_698 = arith.constant 2 : i32
      %broadcast_in_dim3A_699 = vector.broadcast %broadcast_in_dim3A_698 : i32 to vector<16xi32>
      %sub3A_700 = arith.constant 8 : i32
      %sub3A_701 = vector.broadcast %sub3A_700 : i32 to vector<16xi32>
      %sub3A_702 = arith.subi %iota3A, %sub3A_701 : vector<16xi32>
      %sub3A_703 = arith.constant 8 : i32
      %sub3A_704 = vector.broadcast %sub3A_703 : i32 to vector<16xi32>
      %sub3A_705 = arith.subi %iota3A, %sub3A_704 : vector<16xi32>
      %eq3A_706 = arith.constant 8 : i32
      %eq3A_707 = vector.broadcast %eq3A_706 : i32 to vector<16xi32>
      %eq3A_708 = arith.cmpi eq, %iota3A, %eq3A_707 : vector<16xi32>
      tpu.vector_store_idx %arg17[%broadcast_in_dim3A_699, %sub3A_702, %sub3A_705], %gather3A_697 masked %eq3A_708 : memref<8x1x1xf32, #tpu.memory_space<vmem>>[vector<16xi32>, vector<16xi32>, vector<16xi32>], vector<16xf32>, vector<16xi1>
      %gather3A_709 = tpu.vector_load_idx %arg10[%get3A_673] : memref<3976xf32, #tpu.memory_space<vmem>>[vector<16xi32>], vector<16xf32>,
      %broadcast_in_dim3A_710 = arith.constant 3 : i32
      %broadcast_in_dim3A_711 = vector.broadcast %broadcast_in_dim3A_710 : i32 to vector<16xi32>
      %sub3A_712 = arith.constant 8 : i32
      %sub3A_713 = vector.broadcast %sub3A_712 : i32 to vector<16xi32>
      %sub3A_714 = arith.subi %iota3A, %sub3A_713 : vector<16xi32>
      %sub3A_715 = arith.constant 8 : i32
      %sub3A_716 = vector.broadcast %sub3A_715 : i32 to vector<16xi32>
      %sub3A_717 = arith.subi %iota3A, %sub3A_716 : vector<16xi32>
      %eq3A_718 = arith.constant 8 : i32
      %eq3A_719 = vector.broadcast %eq3A_718 : i32 to vector<16xi32>
      %eq3A_720 = arith.cmpi eq, %iota3A, %eq3A_719 : vector<16xi32>
      tpu.vector_store_idx %arg17[%broadcast_in_dim3A_711, %sub3A_714, %sub3A_717], %gather3A_709 masked %eq3A_720 : memref<8x1x1xf32, #tpu.memory_space<vmem>>[vector<16xi32>, vector<16xi32>, vector<16xi32>], vector<16xf32>, vector<16xi1>
      %gather3A_721 = tpu.vector_load_idx %arg11[%get3A_673] : memref<3976xf32, #tpu.memory_space<vmem>>[vector<16xi32>], vector<16xf32>,
      %broadcast_in_dim3A_722 = arith.constant 4 : i32
      %broadcast_in_dim3A_723 = vector.broadcast %broadcast_in_dim3A_722 : i32 to vector<16xi32>
      %sub3A_724 = arith.constant 8 : i32
      %sub3A_725 = vector.broadcast %sub3A_724 : i32 to vector<16xi32>
      %sub3A_726 = arith.subi %iota3A, %sub3A_725 : vector<16xi32>
      %sub3A_727 = arith.constant 8 : i32
      %sub3A_728 = vector.broadcast %sub3A_727 : i32 to vector<16xi32>
      %sub3A_729 = arith.subi %iota3A, %sub3A_728 : vector<16xi32>
      %eq3A_730 = arith.constant 8 : i32
      %eq3A_731 = vector.broadcast %eq3A_730 : i32 to vector<16xi32>
      %eq3A_732 = arith.cmpi eq, %iota3A, %eq3A_731 : vector<16xi32>
      tpu.vector_store_idx %arg17[%broadcast_in_dim3A_723, %sub3A_726, %sub3A_729], %gather3A_721 masked %eq3A_732 : memref<8x1x1xf32, #tpu.memory_space<vmem>>[vector<16xi32>, vector<16xi32>, vector<16xi32>], vector<16xf32>, vector<16xi1>
      %gather3A_733 = tpu.vector_load_idx %arg12[%get3A_673] : memref<3976xf32, #tpu.memory_space<vmem>>[vector<16xi32>], vector<16xf32>,
      %broadcast_in_dim3A_734 = arith.constant 5 : i32
      %broadcast_in_dim3A_735 = vector.broadcast %broadcast_in_dim3A_734 : i32 to vector<16xi32>
      %sub3A_736 = arith.constant 8 : i32
      %sub3A_737 = vector.broadcast %sub3A_736 : i32 to vector<16xi32>
      %sub3A_738 = arith.subi %iota3A, %sub3A_737 : vector<16xi32>
      %sub3A_739 = arith.constant 8 : i32
      %sub3A_740 = vector.broadcast %sub3A_739 : i32 to vector<16xi32>
      %sub3A_741 = arith.subi %iota3A, %sub3A_740 : vector<16xi32>
      %eq3A_742 = arith.constant 8 : i32
      %eq3A_743 = vector.broadcast %eq3A_742 : i32 to vector<16xi32>
      %eq3A_744 = arith.cmpi eq, %iota3A, %eq3A_743 : vector<16xi32>
      tpu.vector_store_idx %arg17[%broadcast_in_dim3A_735, %sub3A_738, %sub3A_741], %gather3A_733 masked %eq3A_744 : memref<8x1x1xf32, #tpu.memory_space<vmem>>[vector<16xi32>, vector<16xi32>, vector<16xi32>], vector<16xf32>, vector<16xi1>
      %gather3A_745 = tpu.vector_load_idx %arg13[%get3A_673] : memref<3976xf32, #tpu.memory_space<vmem>>[vector<16xi32>], vector<16xf32>,
      %broadcast_in_dim3A_746 = arith.constant 6 : i32
      %broadcast_in_dim3A_747 = vector.broadcast %broadcast_in_dim3A_746 : i32 to vector<16xi32>
      %sub3A_748 = arith.constant 8 : i32
      %sub3A_749 = vector.broadcast %sub3A_748 : i32 to vector<16xi32>
      %sub3A_750 = arith.subi %iota3A, %sub3A_749 : vector<16xi32>
      %sub3A_751 = arith.constant 8 : i32
      %sub3A_752 = vector.broadcast %sub3A_751 : i32 to vector<16xi32>
      %sub3A_753 = arith.subi %iota3A, %sub3A_752 : vector<16xi32>
      %eq3A_754 = arith.constant 8 : i32
      %eq3A_755 = vector.broadcast %eq3A_754 : i32 to vector<16xi32>
      %eq3A_756 = arith.cmpi eq, %iota3A, %eq3A_755 : vector<16xi32>
      tpu.vector_store_idx %arg17[%broadcast_in_dim3A_747, %sub3A_750, %sub3A_753], %gather3A_745 masked %eq3A_756 : memref<8x1x1xf32, #tpu.memory_space<vmem>>[vector<16xi32>, vector<16xi32>, vector<16xi32>], vector<16xf32>, vector<16xi1>
      %gather3A_757 = tpu.vector_load_idx %arg14[%get3A_673] : memref<3976xf32, #tpu.memory_space<vmem>>[vector<16xi32>], vector<16xf32>,
      %broadcast_in_dim3A_758 = arith.constant 7 : i32
      %broadcast_in_dim3A_759 = vector.broadcast %broadcast_in_dim3A_758 : i32 to vector<16xi32>
      %sub3A_760 = arith.constant 8 : i32
      %sub3A_761 = vector.broadcast %sub3A_760 : i32 to vector<16xi32>
      %sub3A_762 = arith.subi %iota3A, %sub3A_761 : vector<16xi32>
      %sub3A_763 = arith.constant 8 : i32
      %sub3A_764 = vector.broadcast %sub3A_763 : i32 to vector<16xi32>
      %sub3A_765 = arith.subi %iota3A, %sub3A_764 : vector<16xi32>
      %eq3A_766 = arith.constant 8 : i32
      %eq3A_767 = vector.broadcast %eq3A_766 : i32 to vector<16xi32>
      %eq3A_768 = arith.cmpi eq, %iota3A, %eq3A_767 : vector<16xi32>
      tpu.vector_store_idx %arg17[%broadcast_in_dim3A_759, %sub3A_762, %sub3A_765], %gather3A_757 masked %eq3A_768 : memref<8x1x1xf32, #tpu.memory_space<vmem>>[vector<16xi32>, vector<16xi32>, vector<16xi32>], vector<16xf32>, vector<16xi1>
      "tpu.region"() ({
        %run_scoped3A = tpu.sem_alloc : memref<!tpu.dma_semaphore, #tpu.memory_space<semaphore_mem>>
        %dma_start3A = arith.constant 0 : i32
        %dma_start3A_769 = arith.constant 0 : i32
        %dma_start3A_770 = tpu.memref_slice %arg6[%mul3A_0, %dma_start3A, %dma_start3A_769] : memref<16x1025x1025xf32, #tpu.memory_space<hbm>> -> memref<8x1025x1025xf32, #tpu.memory_space<hbm>>
        %dma_start3A_771 = arith.constant 0 : i32
        %dma_start3A_772 = arith.constant 1024 : i32
        %dma_start3A_773 = arith.constant 1024 : i32
        %dma_start3A_774 = tpu.memref_slice %dma_start3A_770[%dma_start3A_771, %dma_start3A_772, %dma_start3A_773] : memref<8x1025x1025xf32, #tpu.memory_space<hbm>> -> memref<8x1x1xf32, #tpu.memory_space<hbm>>
        %dma_start3A_775 = arith.constant 0 : i32
        %dma_start3A_776 = arith.constant 0 : i32
        %dma_start3A_777 = tpu.memref_slice %arg6[%mul3A_0, %dma_start3A_775, %dma_start3A_776] : memref<16x1025x1025xf32, #tpu.memory_space<hbm>> -> memref<8x1025x1025xf32, #tpu.memory_space<hbm>>
        %dma_start3A_778 = arith.constant 0 : i32
        %dma_start3A_779 = arith.constant 1024 : i32
        %dma_start3A_780 = arith.constant 1024 : i32
        %dma_start3A_781 = tpu.memref_slice %dma_start3A_777[%dma_start3A_778, %dma_start3A_779, %dma_start3A_780] : memref<8x1025x1025xf32, #tpu.memory_space<hbm>> -> memref<8x1x1xf32, #tpu.memory_space<hbm>>
        tpu.enqueue_dma source(%arg17 : memref<8x1x1xf32, #tpu.memory_space<vmem>>) target(%dma_start3A_781 : memref<8x1x1xf32, #tpu.memory_space<hbm>>) target_semaphore(%run_scoped3A : memref<!tpu.dma_semaphore, #tpu.memory_space<semaphore_mem>>)
        %dma_wait3A = arith.constant 0 : i32
        %dma_wait3A_782 = arith.constant 0 : i32
        %dma_wait3A_783 = tpu.memref_slice %arg6[%mul3A_0, %dma_wait3A, %dma_wait3A_782] : memref<16x1025x1025xf32, #tpu.memory_space<hbm>> -> memref<8x1025x1025xf32, #tpu.memory_space<hbm>>
        %dma_wait3A_784 = arith.constant 0 : i32
        %dma_wait3A_785 = arith.constant 1024 : i32
        %dma_wait3A_786 = arith.constant 1024 : i32
        %dma_wait3A_787 = tpu.memref_slice %dma_wait3A_783[%dma_wait3A_784, %dma_wait3A_785, %dma_wait3A_786] : memref<8x1025x1025xf32, #tpu.memory_space<hbm>> -> memref<8x1x1xf32, #tpu.memory_space<hbm>>
        %dma_wait3A_788 = arith.constant 0 : i32
        %dma_wait3A_789 = arith.constant 0 : i32
        %dma_wait3A_790 = tpu.memref_slice %arg6[%mul3A_0, %dma_wait3A_788, %dma_wait3A_789] : memref<16x1025x1025xf32, #tpu.memory_space<hbm>> -> memref<8x1025x1025xf32, #tpu.memory_space<hbm>>
        %dma_wait3A_791 = arith.constant 0 : i32
        %dma_wait3A_792 = arith.constant 1024 : i32
        %dma_wait3A_793 = arith.constant 1024 : i32
        %dma_wait3A_794 = tpu.memref_slice %dma_wait3A_790[%dma_wait3A_791, %dma_wait3A_792, %dma_wait3A_793] : memref<8x1025x1025xf32, #tpu.memory_space<hbm>> -> memref<8x1x1xf32, #tpu.memory_space<hbm>>
        tpu.wait_dma2 semaphore(%run_scoped3A : memref<!tpu.dma_semaphore, #tpu.memory_space<semaphore_mem>>) src(%arg17 : memref<8x1x1xf32, #tpu.memory_space<vmem>>) dst(%dma_wait3A_794 : memref<8x1x1xf32, #tpu.memory_space<hbm>>)
        tpu.yield
      }) : () -> ()
    } else {
    }
    return
  }
}

</mosaic_0001>

<sc_bundles>
// kernel: kernel.3.cloned.1.call-start
scs
__scs_entry_jumppad:
0x0: {  	(pc) =	sbr.rel $0x88, $3  }
0x1: {  	(tag) =	ssettag $0x0;
	lr =	simm.s32 $0x1  }
0x2: {  	[smem:$0x3F9F] =	sst lr;
	_ =	strace $0xD0000000  }
0x3: {  	_ = 	snop  }
0x4: {  	_ = 	snop  }
0x5: {  	_ = 	snop  }
0x6: {  	_ = 	snop  }
0x7: {  	_ = 	snop  }
__scs_overlays_trampoline_lowered:
0x8: {  	[smem:$0x3FAE] =	sst s0  }
0x9: {  	[smem:$0x3FAF] =	sst s1  }
0xa: {  	[smem:$0x3FB0] =	sst s2  }
0xb: {  	[smem:$0x3FB1] =	sst s3  }
0xc: {  	[smem:$0x3FB2] =	sst s4  }
0xd: {  	[smem:$0x3FB3] =	sst s5  }
0xe: {  	[smem:$0x3FB4] =	sst s6  }
0xf: {  	[smem:$0x3FB5] =	sst s7  }
0x10: {  	[smem:$0x3FB6] =	sst s8  }
0x11: {  	[smem:$0x3FB7] =	sst s9;
	s0 =	simm.s32 @!p0 $0x0  }
0x12: {  	s1 =	sld [smem:$0x3F9D];
	s0 =	simm.s32 @p0 $0x1  }
0x13: {  	[smem:$0x3FB8] =	sst s0;
	s0 =	simm.s32 @!p1 $0x0  }
0x14: {  	s2 =	sld [smem:$0x3F9C];
	s0 =	simm.s32 @p1 $0x1  }
0x15: {  	[smem:$0x3FB9] =	sst s0;
	s0 =	simm.s32 @!p2 $0x0  }
0x16: {  	s3 =	sld [smem:$0x3FDB];
	s0 =	simm.s32 @p2 $0x1  }
0x17: {  	s4 =	simm.s32 $0x1BF5;
	[smem:$0x3FBB] =	sst s0  }
0x18: {  	s0 =	sld [smem:$0x3F9E];
	_ =	swait.ge [sflag:s4], $0x0  }
0x19: {  	s7 =	sld [smem:$0x3F9F]  }
0x1a: {  	s8 =	sadd.s32 $0xFFFFE003, lr  }
0x1b: {  	s9 =	sadd.s32 $0xFFFFFEF7, lr;
	s5 =	simm.s32 $0xFFFFFFFF;
	p2 =	slt.u32 s8, $0xFFFFF086  }
0x1c: {  	p1 =	slt.u32 s9, $0xF7A;
	s5 =	simm.s32 @!p2 $0x0  }
0x1d: {  	s5 =	simm.s32 @p1 $0x1;
	p0 =	seq.s32 s7, s2  }
0x1e: {  	s7 =	smul.u32 @!p0 $0xF7A, s2;
	p2 =	seq.s32 @!p0 s5, $0x0  }
0x1f: {  	s9 =	smul.u32 $0xF7A, s1;
	s8 =	simm.s32 @!p0 $0x1BF5;
	p2 =	por !p2, p0  }
0x20: {  	[sflag:s8] =	ssyncset.s32 @!p0 $0xFFFFF086;
	s6 =	sadd.s32 @!p0 s3, s7;
	s7 =	simm.s32 @!p0 $0x108  }
0x21: {  	s3 =	sadd.s32 s3, s9;
	s6 =	sadd.s32 @!p0 $0x88, s6;
	s7 =	simm.s32 @p2 $0x1082  }
0x22: {  	[simem:s7], [sflag:s8] =	dma.local @!p0 [hbm:s6], $0xF7A  }
0x23: {  	s9 =	sor.u32 $0xD0000000, s2;
	s6 =	simm.s32 $0x108;
	_ =	swait.ge @!p0 [sflag:s8], $0x0  }
0x24: {  	s3 =	sadd.s32 $0x88, s3;
	s6 =	simm.s32 @!p1 $0x1082;
	[sflag:s4] =	ssyncset.s32 $0xFFFFF086  }
0x25: {  	[simem:s6], [sflag:s4] =	dma.local [hbm:s3], $0xF7A  }
0x26: {  	[smem:$0x3F9F] =	sst s1;
	(tag) =	ssettag s2;
	_ =	strace s9  }
0x27: {  	s1 =	sld [smem:$0x3FAF]  }
0x28: {  	s2 =	sld [smem:$0x3FB0]  }
0x29: {  	s4 =	sld [smem:$0x3FB2]  }
0x2a: {  	p0 =	seq.s32 s5, $0x0;
	s5 =	sld [smem:$0x3FB3]  }
0x2b: {  	s6 =	sld [smem:$0x3FB4]  }
0x2c: {  	s7 =	sld [smem:$0x3FB5]  }
0x2d: {  	s3 =	simm.s32 $0x108;
	s8 =	sld [smem:$0x3FB6]  }
0x2e: {  	s3 =	simm.s32 @!p0 $0x1082;
	s9 =	sld [smem:$0x3FB7]  }
0x2f: {  	lr =	sadd.s32 s0, s3;
	s0 =	sld [smem:$0x3FAE]  }
0x30: {  	s3 =	sld [smem:$0x3FB1]  }
0x31: {  	[smem:$0x3FBA] =	sst s10  }
0x32: {  	s10 =	sld [smem:$0x3FB8];
	_ =	sdelay $0x3  }
0x33: {  	p0 =	seq.s32 s10, $0x1;
	s10 =	sld [smem:$0x3FBA];
	_ =	sdelay $0x3  }
0x34: {  	[smem:$0x3FBA] =	sst s10  }
0x35: {  	s10 =	sld [smem:$0x3FB9];
	_ =	sdelay $0x3  }
0x36: {  	p1 =	seq.s32 s10, $0x1;
	s10 =	sld [smem:$0x3FBA];
	_ =	sdelay $0x3  }
0x37: {  	[smem:$0x3FBA] =	sst s10  }
0x38: {  	s10 =	sld [smem:$0x3FBB]  }
0x39: {  	_ = 	snop;
	(pc) =	sbr.ind lr, $3  }
0x3a: {  	_ = 	snop  }
0x3b: {  	_ = 	snop  }
0x3c: {  	p2 =	seq.s32 s10, $0x1;
	s10 =	sld [smem:$0x3FBA]  }
0x3d: {  	_ =	shalt  }
0x3e: {  	_ =	shalt  }
0x3f: {  	_ =	shalt  }
0x40: {  	_ =	shalt  }
0x41: {  	_ =	shalt  }
0x42: {  	_ =	shalt  }
0x43: {  	_ =	shalt  }
0x44: {  	_ =	shalt  }
0x45: {  	_ =	shalt  }
0x46: {  	_ =	shalt  }
0x47: {  	_ =	shalt  }
0x48: {  	_ =	shalt  }
0x49: {  	_ =	shalt  }
0x4a: {  	_ =	shalt  }
0x4b: {  	_ =	shalt  }
0x4c: {  	_ =	shalt  }
0x4d: {  	_ =	shalt  }
0x4e: {  	_ =	shalt  }
0x4f: {  	_ =	shalt  }
0x50: {  	_ =	shalt  }
0x51: {  	_ =	shalt  }
0x52: {  	_ =	shalt  }
0x53: {  	_ =	shalt  }
0x54: {  	_ =	shalt  }
0x55: {  	_ =	shalt  }
0x56: {  	_ =	shalt  }
0x57: {  	_ =	shalt  }
0x58: {  	_ =	shalt  }
0x59: {  	_ =	shalt  }
0x5a: {  	_ =	shalt  }
0x5b: {  	_ =	shalt  }
0x5c: {  	_ =	shalt  }
0x5d: {  	_ =	shalt  }
0x5e: {  	_ =	shalt  }
0x5f: {  	_ =	shalt  }
0x60: {  	_ =	shalt  }
0x61: {  	_ =	shalt  }
0x62: {  	_ =	shalt  }
0x63: {  	_ =	shalt  }
0x64: {  	_ =	shalt  }
0x65: {  	_ =	shalt  }
0x66: {  	_ =	shalt  }
0x67: {  	_ =	shalt  }
0x68: {  	_ =	shalt  }
0x69: {  	_ =	shalt  }
0x6a: {  	_ =	shalt  }
0x6b: {  	_ =	shalt  }
0x6c: {  	_ =	shalt  }
0x6d: {  	_ =	shalt  }
0x6e: {  	_ =	shalt  }
0x6f: {  	_ =	shalt  }
0x70: {  	_ =	shalt  }
0x71: {  	_ =	shalt  }
0x72: {  	_ =	shalt  }
0x73: {  	_ =	shalt  }
0x74: {  	_ =	shalt  }
0x75: {  	_ =	shalt  }
0x76: {  	_ =	shalt  }
0x77: {  	_ =	shalt  }
0x78: {  	_ =	shalt  }
0x79: {  	_ =	shalt  }
0x7a: {  	_ =	shalt  }
0x7b: {  	_ =	shalt  }
0x7c: {  	_ =	shalt  }
0x7d: {  	_ =	shalt  }
0x7e: {  	_ =	shalt  }
0x7f: {  	_ =	shalt  }
0x80: {  	_ =	shalt  }
0x81: {  	_ =	shalt  }
0x82: {  	_ =	shalt  }
0x83: {  	_ =	shalt  }
0x84: {  	_ =	shalt  }
0x85: {  	_ =	shalt  }
0x86: {  	_ =	shalt  }
0x87: {  	_ =	shalt  }
.Lfunc_end0:
.L_simem_size_0:
called_computation_lowered:
.L_overlay_start_0:
0x88: {  	s2 =	sld [smem:$0x3FD9]  }
0x89: {  	s3 =	sld [smem:$0x3FFE];
	_ =	sdelay $0x1  }
0x8a: {  	s1 =	srdreg.scid  }
0x8b: {  	s0 =	sand.u32 $0x1, s1  }
0x8c: {  	s17 =	sshll.u32 s0, $0xA;
	s2 =	sadd.s32 s3, s2  }
0x8d: {  	s2 =	sadd.s32 s2, s17  }
0x8e: {  	[smem:$0x3FC6] =	sst s2  }
0x8f: {  	_ = 	snop  }
0x90: {  	s2 =	sld [smem:$0x3FC8]  }
0x91: {  	s18 =	sld [smem:$0x3FD0];
	(tm) =	ssettm $0x1  }
0x92: {  	s4 =	sld [smem:$0x3FFB];
	_ =	sdelay $0x3  }
0x93: {  	_ =	strace s4  }
0x94: {  	s4 =	sld [smem:$0x3FFC];
	_ =	sdelay $0x3  }
0x95: {  	_ =	strace s4  }
0x96: {  	s4 =	sld [smem:$0x3FFD];
	_ =	sdelay $0x3  }
0x97: {  	_ =	strace s4  }
0x98: {  	_ =	strace $0x8FFFFFFF  }
0x99: {  	s19 =	sld [smem:$0x3FDB];
	_ =	sdelay $0x1  }
0x9a: {  	s5 =	simm.s32 $_scs_section_size  }
0x9b: {  	s6 =	simm.s32 $_size__tile_overlayer_lowered;
	s7 =	simm.s32 $_tile_overlayer_lowered  }
0x9c: {  	s22 =	simm.s32 $0x1BFF;
	s21 =	sshll.u32 s7, $0x1;
	s4 =	sadd.s32 s5, s19  }
0x9d: {  	s8 =	simm.s32 $0x0;
	s20 =	sshll.u32 s6, $0x1;
	s6 =	sadd.s32 s21, s4  }
0x9e: {  	[timem:s8], [sflag:s22] =	dma.local [hbm:s6], s20  }
0x9f: {  	_ =	swait.ge [sflag:s22], s20  }
0xa0: {  	s5 =	ssub.s32 $0x0, s20;
	[sflag:s22] =	ssyncset.done $0x0  }
0xa1: {  	[sflag:s22] =	ssyncadd.s32 s5;
	_ =	sdelay $0x1  }
0xa2: {  	s23 =	simm.s32 $0x1B8B  }
0xa3: {  	_ =	swait.ge [sflag:s23], $0x1  }
0xa4: {  	[sflag:s23] =	ssyncset.done $0x0  }
0xa5: {  	s25 =	simm.s32 $0x1B8E;
	s24 =	sld [smem:$0x3FFE];
	[sflag:s23] =	ssyncadd.s32 $0xFFFFFFFF  }
0xa6: {  	s26 =	simm.s32 $execute0_lowered;
	[smem:$0x3FD2] =	sst s25  }
0xa7: {  	s6 =	sshll.u32 s26, $0x1;
	_ =	strace $0x80000046;
	[dreg:$0x1] =	wrdreg $0xFFFFFFFF  }
0xa8: {  	s28 =	simm.s32 $_size_execute0_lowered;
	s4 =	sadd.s32 s4, s6;
	[dreg:$0x0] =	wrdreg $0x0  }
0xa9: {  	s6 =	sshll.u32 s28, $0x1;
	[dreg:$0x2] =	wrdreg s4  }
0xaa: {  	[dreg:$0x3] =	wrdreg s6  }
0xab: {  	[dreg:$0x4] =	wrdreg $0xC0  }
0xac: {  	_ =	task [dreg:s8], $0x5FFFF  }
0xad: {  	[dreg:$0x1] =	wrdreg $0xFFFFFFFF  }
0xae: {  	[dreg:$0x0] =	wrdreg $0x60  }
0xaf: {  	[dreg:$0x2] =	wrdreg s18  }
0xb0: {  	[dreg:$0x3] =	wrdreg s2  }
0xb1: {  	[dreg:$0x4] =	wrdreg s24  }
0xb2: {  	[dreg:$0x5] =	wrdreg $0x9  }
0xb3: {  	_ =	task.clear_ibuf [dreg:s8], $0x6FFFF;
	_ =	strace $0x90000046  }
0xb4: {  	s29 =	simm.s32 $0x9;
	_ =	strace $0x8000004F  }
0xb5: {  	_ =	swait.ge [sflag:s29], $0x1  }
0xb6: {  	[sflag:s29] =	ssyncadd.s32 $0xFFFFFFFF  }
0xb7: {  	_ =	strace $0x9000004F  }
0xb8: {  	_ =	sfence  }
0xb9: {  	s30 =	sld [smem:$0x0];
	_ =	sdelay $0x2  }
0xba: {  	s31 =	sshll.u32 s1, $0xD;
	s1 =	sshrl.u32 s1, $0x2  }
0xbb: {  	s3 =	sand.u32 $0x4000, s31;
	s1 =	sadd.s32 s1, s30  }
0xbc: {  	s0 =	sor.u32 s3, s0;
	s1 =	sshll.u32 s1, $0x11  }
0xbd: {  	s0 =	sor.u32 s1, s0  }
0xbe: {  	s0 =	sadd.s32 $0x8F2B, s0  }
0xbf: {  	[sflag:s0] =	ssyncadd.remote.s32 $0x1  }
0xc0: {  	_ =	sfence.sel $0xFFFF  }
0xc1: {  	[dreg:$0x0] =	wrdreg $0xFFFFFFFF;
	(pc) =	sbr.abs _section_cstart, $3  }
0xc2: {  	[dreg:$0x1] =	wrdreg $0xFFFFFFFF  }
0xc3: {  	_ =	task.clear_ibuf [dreg:s8], $0x2FFFF;
	_ =	strace $0x9FFFFFFF  }
0xc4: {  	(tm) =	ssettm $0x7FFFFFFF  }
0xc5: {  	_ =	shalt  }
tec
execute0_lowered:
.L_overlay_start_1:
0x0: {  	(tag) =	ssettag $0x1  }
0x1: {  	s0 =	rddreg [dreg:$0x0]  }
0x2: {  	s3 =	rddreg [dreg:$0x1]  }
0x3: {  	s10 =	rddreg [dreg:$0x2];
	s1 =	srdreg.scid;
	s31 =	simm.s32 $0x0  }
0x4: {  	s11 =	stileid.u32;
	s1 =	sand.u32 $0x1, s1;
	[smem:$0x7FF] =	sst s31  }
0x5: {  	s21 =	sshll.u32 s11, $0x6;
	s22 =	smul.u32 $0x12000, s11;
	p0 =	sgt.u32 s11, $0x7  }
0x6: {  	p1 =	sne.s32 s11, $0x8;
	s2 =	smul.u32 $0x122400, s1;
	_ =	strace $0x80000047  }
0x7: {  	s4 =	smul.u32 $0x7C40, s1;
	s5 =	ssub.s32 $0x2, s1;
	s23 =	sor.u32 $0x8, s21  }
0x8: {  	s1 =	smul.u32 $0xF88, s1;
	s26 =	sor.u32 $0x10, s21;
	[dreg:$0x11] =	wrdreg s23  }
0x9: {  	s9 =	sor.u32 $0x30, s21;
	s12 =	sor.u32 $0x38, s21;
	[dreg:$0x13] =	wrdreg s26  }
0xa: {  	s6 =	sshrl.u32 s5, $0x1;
	s25 =	sshrl.u32 s23, $0x3;
	[dreg:$0x1a] =	wrdreg s9  }
0xb: {  	s29 =	sshrl.u32 s26, $0x3;
	[dreg:$0x1b] =	wrdreg s12;
	s2 =	sadd.s32 s2, s10  }
0xc: {  	s7 =	sadd.s32 $0xF88, s4;
	s5 =	ssub.s32 s5, s6;
	s1 =	sadd.s32 s0, s1  }
0xd: {  	s16 =	sshrl.u32 s4, $0x3;
	s17 =	sadd.s32 $0x2E98, s4;
	s18 =	sadd.s32 $0x4DA8, s4  }
0xe: {  	s4 =	sadd.s32 $0x6CB8, s4;
	[dreg:$0xb] =	wrdreg s1;
	s15 =	sshrl.u32 s7, $0x3  }
0xf: {  	s6 =	sshrl.u32 s17, $0x3;
	s19 =	sshrl.u32 s18, $0x3;
	s24 =	sshrl.u32 s4, $0x3  }
0x10: {  	s7 =	sshrl.u32 s22, $0x3;
	s4 =	smul.u32 $0x2400, s25;
	s17 =	sor.u32 $0x28, s21  }
0x11: {  	s30 =	sadd.s32 $0x400, s2;
	s5 =	smax.u32 s5, $0x1;
	[dreg:$0x19] =	wrdreg s17  }
0x12: {  	s18 =	sshrl.u32 s9, $0x3;
	s22 =	sshll.u32 s11, $0x8;
	[dreg:$0x1d] =	wrdreg s5  }
0x13: {  	s1 =	sadd.s32 s0, s15;
	s6 =	sadd.s32 s0, s6;
	[dreg:$0x16] =	wrdreg s30  }
0x14: {  	s28 =	sadd.s32 s3, s7;
	s14 =	sadd.s32 $0x400, s7;
	[dreg:$0xc] =	wrdreg s1  }
0x15: {  	s15 =	sor.u32 $0x18, s21;
	s3 =	simm.s32 $0x1;
	[dreg:$0xe] =	wrdreg s6  }
0x16: {  	s1 =	sadd.s32 s0, s16;
	s6 =	sadd.s32 s0, s19;
	[dreg:$0x15] =	wrdreg s28  }
0x17: {  	s0 =	sadd.s32 s0, s24;
	s13 =	sshrl.u32 s4, $0x3;
	[dreg:$0x17] =	wrdreg s15  }
0x18: {  	s4 =	sshrl.u32 s15, $0x3;
	s16 =	sor.u32 $0x20, s21;
	s19 =	sshrl.u32 s12, $0x3  }
0x19: {  	s2 =	sadd.s32 s14, s30;
	s12 =	simm.s32 $0x5000;
	[dreg:$0x10] =	wrdreg s6  }
0x1a: {  	s14 =	simm.s32 $0x6000;
	s15 =	simm.s32 $0x7000;
	[dreg:$0x14] =	wrdreg s0  }
0x1b: {  	s8 =	sadd.s32 $0x3E2, s1;
	s0 =	smul.u32 $0x2400, s29;
	[dreg:$0x18] =	wrdreg s16  }
0x1c: {  	s20 =	sadd.s32 $0x7C4, s1;
	s4 =	smul.u32 $0x2400, s4;
	[smem:$0x7F4] =	sst s2  }
0x1d: {  	s1 =	sadd.s32 $0xBA6, s1;
	s6 =	smul.u32 $0x2400, s18;
	[dreg:$0xd] =	wrdreg s8  }
0x1e: {  	s7 =	sshrl.u32 s16, $0x3;
	s9 =	smul.u32 $0x2400, s19;
	[dreg:$0xf] =	wrdreg s20  }
0x1f: {  	s29 =	sadd.s32 $0x200, s10;
	s10 =	simm.s32 $0x4000;
	[dreg:$0x12] =	wrdreg s1  }
0x20: {  	s1 =	sadd.s32 $0x400, s13;
	s7 =	smul.u32 $0x2400, s7;
	s8 =	sshrl.u32 s17, $0x3  }
0x21: {  	s20 =	sshll.u32 s11, $0x7;
	[smem:$0x7FC] =	sst s29;
	s0 =	sshrl.u32 s0, $0x3  }
0x22: {  	s8 =	smul.u32 $0x2400, s8;
	s4 =	sshrl.u32 s4, $0x3;
	s6 =	sshrl.u32 s6, $0x3  }
0x23: {  	s9 =	sshrl.u32 s9, $0x3;
	[dreg:$0x1c] =	wrdreg s20;
	s21 =	sor.u32 $0x24000, s20  }
0x24: {  	s1 =	sadd.s32 s1, s30;
	s0 =	sadd.s32 $0x400, s0;
	s7 =	sshrl.u32 s7, $0x3  }
0x25: {  	s4 =	sadd.s32 $0x400, s4;
	s5 =	sadd.s32 s30, s21;
	[smem:$0x7F5] =	sst s1  }
0x26: {  	s6 =	sadd.s32 $0x400, s6;
	[dreg:$0x1e] =	wrdreg s5;
	s5 =	sshrl.u32 s22, $0x2  }
0x27: {  	v5 =	vlaneseq.u32;
	s9 =	sadd.s32 $0x400, s9;
	s0 =	sadd.s32 s0, s30;
	[dreg:$0x1f] =	wrdreg s5  }
0x28: {  	v0 =	vmul.u32 $0x80, v5;
	s7 =	sadd.s32 $0x400, s7;
	s23 =	sadd.s32 s4, s30;
	[smem:$0x7F6] =	sst s0  }
0x29: {  	vm0 =	vcmask $0x2320;
	v15 =	vmul.u32 $0x81, v5;
	s8 =	sshrl.u32 s8, $0x3;
	s26 =	sadd.s32 s6, s30;
	[smem:$0x7F7] =	sst s23  }
.Ltmp0:
0x2a: {  	v1 =	vadd.s32 $0x400, v0;
	v2 =	vor.u32 $0x800, v0;
	v3 =	vadd.s32 $0xC00, v0;
	s28 =	sadd.s32 s9, s30;
	[smem:$0x7FA] =	sst s26;
	(pc) =	sbr.rel .LBB2_1-.Ltmp0, $4  }
0x2b: {  	v4 =	vor.u32 $0x1000, v0;
	v5 =	vadd.s32 $0x1400, v0;
	v6 =	vor.u32 $0x1800, v0;
	s8 =	sadd.s32 $0x400, s8;
	s24 =	sadd.s32 s7, s30;
	[smem:$0x7FB] =	sst s28  }
0x2c: {  	v7 =	vadd.s32 $0x1C00, v0;
	v8 =	vadd.s32 $0xFFFFFBF8, v15;
	v9 =	vadd.s32 $0xFFFFFC78, v15;
	s16 =	simm.s32 $0x0;
	[smem:$0x7F8] =	sst s24;
	s25 =	sadd.s32 s8, s30  }
0x2d: {  	v10 =	vadd.s32 $0xFFFFFCF8, v15;
	v11 =	vadd.s32 $0xFFFFFD78, v15;
	v12 =	vadd.s32 $0xFFFFFDF8, v15;
	s9 =	simm.s32 $0x3000;
	s30 =	sshll.u32 s11, $0x3;
	[smem:$0x7F9] =	sst s25  }
0x2e: {  	v13 =	vadd.s32 $0xFFFFFE78, v15;
	v14 =	vadd.s32 $0xFFFFFEF8, v15;
	v15 =	vadd.s32 $0xFFFFFF78, v15;
	s7 =	simm.s32 $0x1000;
	s8 =	simm.s32 $0x2000;
	[smem:$0x7FD] =	sst s30  }
.LBB2_9:
0x2f: {  	s16 =	sadd.s32 $0x1, s16;
	s0 =	rddreg [dreg:$0x1d]  }
0x30: {  	p2 =	sne.s32 s16, s0  }
.Ltmp1:
0x31: {  	_ = 	snop;
	(pc) =	sbr.rel @!p2 .LBB2_10-.Ltmp1, $1  }
0x32: {  	_ =	sdelay $0x3  }
.LBB2_1:
0x33: {  	[smem:$0x7F3] =	sst s16  }
0x34: {  	s0 =	rddreg [dreg:$0xb]  }
0x35: {  	[tilespmem:s31], [sflag:$0x1] =	stream.linear.gather [hbm4b:s0+s31], $0xF88, $0x38;
	[tilespmem:$0x1D100] =	vst v63  }
0x36: {  	_ =	swait.ge [sflag:s3], $0xF88  }
0x37: {  	[sflag:s3] =	ssyncset.done $0x0  }
0x38: {  	s22 =	rddreg [dreg:$0xc];
	[sflag:s3] =	ssyncadd.s32 $0xFFFFF078  }
0x39: {  	[tilespmem:s7], [sflag:$0x1] =	stream.linear.gather [hbm4b:s22+s31], $0xF88, $0x38;
	[tilespmem:$0x1D100] =	vst v63  }
0x3a: {  	_ =	swait.ge [sflag:s3], $0xF88  }
0x3b: {  	[sflag:s3] =	ssyncset.done $0x0  }
0x3c: {  	s23 =	rddreg [dreg:$0xd];
	[sflag:s3] =	ssyncadd.s32 $0xFFFFF078  }
0x3d: {  	[tilespmem:s8], [sflag:$0x1] =	stream.linear.gather [hbm4b:s23+s31], $0xF88, $0x38;
	[tilespmem:$0x1D100] =	vst v63  }
0x3e: {  	_ =	swait.ge [sflag:s3], $0xF88  }
0x3f: {  	[sflag:s3] =	ssyncset.done $0x0  }
0x40: {  	s24 =	rddreg [dreg:$0xe];
	[sflag:s3] =	ssyncadd.s32 $0xFFFFF078  }
0x41: {  	[tilespmem:s9], [sflag:$0x1] =	stream.linear.gather [hbm4b:s24+s31], $0xF88, $0x38;
	[tilespmem:$0x1D100] =	vst v63  }
0x42: {  	_ =	swait.ge [sflag:s3], $0xF88  }
0x43: {  	[sflag:s3] =	ssyncset.done $0x0  }
0x44: {  	s25 =	rddreg [dreg:$0xf];
	[sflag:s3] =	ssyncadd.s32 $0xFFFFF078  }
0x45: {  	[tilespmem:s10], [sflag:$0x1] =	stream.linear.gather [hbm4b:s25+s31], $0xF88, $0x38;
	[tilespmem:$0x1D100] =	vst v63  }
0x46: {  	_ =	swait.ge [sflag:s3], $0xF88  }
0x47: {  	[sflag:s3] =	ssyncset.done $0x0  }
0x48: {  	s26 =	rddreg [dreg:$0x10];
	[sflag:s3] =	ssyncadd.s32 $0xFFFFF078  }
0x49: {  	[tilespmem:s12], [sflag:$0x1] =	stream.linear.gather [hbm4b:s26+s31], $0xF88, $0x38;
	[tilespmem:$0x1D100] =	vst v63  }
0x4a: {  	_ =	swait.ge [sflag:s3], $0xF88  }
0x4b: {  	[sflag:s3] =	ssyncset.done $0x0  }
0x4c: {  	s28 =	rddreg [dreg:$0x12];
	[sflag:s3] =	ssyncadd.s32 $0xFFFFF078  }
0x4d: {  	[tilespmem:s14], [sflag:$0x1] =	stream.linear.gather [hbm4b:s28+s31], $0xF88, $0x38;
	[tilespmem:$0x1D100] =	vst v63  }
0x4e: {  	_ =	swait.ge [sflag:s3], $0xF88  }
0x4f: {  	[sflag:s3] =	ssyncset.done $0x0  }
0x50: {  	s29 =	rddreg [dreg:$0x14];
	[sflag:s3] =	ssyncadd.s32 $0xFFFFF078  }
0x51: {  	[tilespmem:s15], [sflag:$0x1] =	stream.linear.gather [hbm4b:s29+s31], $0xF88, $0x38;
	[tilespmem:$0x1D100] =	vst v63  }
0x52: {  	_ =	swait.ge [sflag:s3], $0xF88  }
0x53: {  	[sflag:s3] =	ssyncset.done $0x0  }
0x54: {  	s1 =	simm.s32 $0xB100;
	s5 =	simm.s32 $0x0;
	[sflag:s3] =	ssyncadd.s32 $0xFFFFF078  }
0x55: {  	s2 =	simm.s32 $0x0;
	s11 =	simm.s32 $0x0;
	_ =	strace $0x80000048  }
0x56: {  	s13 =	simm.s32 $0x0;
	s4 =	simm.s32 $0x0;
	s30 =	rddreg [dreg:$0x15]  }
0x57: {  	[tilespmem:s1], [sflag:$0x1] =	stream.linear.gather [hbm4b:s30+s31], $0x1000, $0x200038;
	[tilespmem:$0x1D100] =	vst v63  }
0x58: {  	s3 =	simm.s32 $0x1;
	s1 =	simm.s32 $0x0;
	_ =	strace $0x90000048  }
.LBB2_2:
0x59: {  	[smem:$0x7E8] =	sst s2;
	s2 =	sadd.s32 $0x1, s5  }
0x5a: {  	s0 =	simm.s32 $0x1;
	p2 =	seq.s32 s2, $0x2  }
0x5b: {  	s0 =	simm.s32 @!p2 $0x0  }
0x5c: {  	s0 =	sadd.s32 s0, s1  }
0x5d: {  	p3 =	seq.s32 s0, $0x8  }
0x5e: {  	s2 =	simm.s32 @p2 $0x0;
	s0 =	simm.s32 @p3 $0x0  }
0x5f: {  	[smem:$0x7EA] =	sst s4;
	p5 =	sne.s32 s5, s2;
	p4 =	sne.s32 s1, s0  }
0x60: {  	p6 =	sne.s32 s4, $0xF;
	s4 =	sld [smem:$0x7FD];
	p3 =	por p5, p4  }
0x61: {  	p2 =	por !p6, !p3  }
0x62: {  	[smem:$0x7E9] =	sst s5;
	p2 =	por !p2, !p2  }
0x63: {  	[smem:$0x7EB] =	sst s0;
	s0 =	sadd.s32 @p2 s4, s0  }
0x64: {  	[smem:$0x7ED] =	sst s3;
	s0 =	smul.u32 @p2 $0x2400, s0  }
0x65: {  	[smem:$0x7EC] =	sst s2;
	s2 =	sshll.u32 @p2 s2, $0xC;
	s5 =	sand.u32 @p2 $0x1, s3  }
0x66: {  	_ =	strace @p2 $0x80000049;
	s6 =	simm.s32 @p2 $0x0;
	s0 =	sadd.s32 @p2 s2, s0  }
0x67: {  	s3 =	rddreg [dreg:$0x1];
	s2 =	sshll.u32 @p2 s5, $0xC;
	s0 =	sshrl.u32 @p2 s0, $0x3  }
0x68: {  	s5 =	sadd.s32 @p2 $0x1, s5;
	s2 =	sadd.s32 @p2 $0xB100, s2;
	s0 =	sadd.s32 @p2 s3, s0  }
0x69: {  	[tilespmem:s2], [sflag:s5] =	stream.linear.gather @p2 [hbm4b:s0+s6], $0x1000, $0x200038;
	[tilespmem:$0x1D100] =	vst v63  }
0x6a: {  	s5 =	sand.u32 $0x1, s13;
	_ =	strace @p2 $0x90000049  }
0x6b: {  	s0 =	sadd.s32 $0x1, s5;
	_ =	strace $0x8000004A  }
0x6c: {  	s17 =	sshll.u32 s13, $0xC;
	_ =	swait.ge [sflag:s0], $0x1000  }
0x6d: {  	s22 =	simm.s32 $0x0;
	s6 =	sand.u32 $0x1, s11;
	[sflag:s0] =	ssyncset.done $0x0  }
0x6e: {  	[smem:$0x7EE] =	sst s11;
	[sflag:s0] =	ssyncadd.s32 $0xFFFFF000;
	s0 =	sshll.u32 s6, $0xF  }
0x6f: {  	_ =	strace $0x9000004A;
	[smem:$0x7EF] =	sst s6;
	s11 =	sadd.s32 $0xE100, s0  }
0x70: {  	s23 =	sand.u32 $0xC00, s22;
	_ =	strace $0x8000004B;
	[dreg:$0x4] =	wrdreg s11  }
0x71: {  	s5 =	sand.u32 $0x1000, s17;
	s16 =	sadd.s32 $0xF100, s0;
	[smem:$0x7F0] =	sst s13  }
0x72: {  	s5 =	sadd.s32 $0xB100, s5;
	s18 =	sor.u32 $0x10100, s0;
	[dreg:$0x5] =	wrdreg s16  }
0x73: {  	v18 =	vmov s5;
	s19 =	sor.u32 $0x11100, s0;
	s20 =	sor.u32 $0x12100, s0;
	[dreg:$0x6] =	wrdreg s18  }
0x74: {  	s21 =	sor.u32 $0x13100, s0;
	s24 =	sor.u32 $0x14100, s0;
	[dreg:$0x7] =	wrdreg s19  }
0x75: {  	[dreg:$0x9] =	wrdreg s21;
	s21 =	sand.u32 $0x380, s22;
	s11 =	sand.u32 $0x40, s22  }
0x76: {  	[dreg:$0x8] =	wrdreg s20;
	s25 =	sor.u32 s21, s23;
	s26 =	sor.u32 $0x30, s11  }
0x77: {  	[dreg:$0xa] =	wrdreg s24;
	s29 =	sor.u32 s26, s25  }
0x78: {  	s3 =	sor.u32 s11, s25;
	v25 =	vld.idx.msk [tilespmem:v18+s29+$0x0 ss:$0x1], $0xffff  }
0x79: {  	v24 =	vld.idx.msk [tilespmem:v18+s3+$0x0 ss:$0x1], $0xffff;
	_ =	sdelay $0x1  }
0x7a: {  	s6 =	sor.u32 $0x10, s11  }
0x7b: {  	s16 =	sor.u32 $0x20, s11;
	s17 =	sor.u32 s6, s25  }
0x7c: {  	s5 =	sor.u32 s16, s25;
	v17 =	vld.idx.msk [tilespmem:v18+s17+$0x0 ss:$0x1], $0xffff  }
0x7d: {  	s0 =	sadd.s32 $0xD100, s0;
	v16 =	vld.idx.msk [tilespmem:v18+s5+$0x0 ss:$0x1], $0xffff  }
0x7e: {  	[smem:$0x7F1] =	sst s0  }
0x7f: {  	v20 =	vmov s0;
	v19 =	vld.idx.msk [tilespmem:v25+s31+$0x0], $0xffff  }
0x80: {  	v21 =	vld.idx.msk [tilespmem:v24+s31+$0x0], $0xffff;
	_ =	sdelay $0x3  }
0x81: {  	[tilespmem:v20+s29+$0x0 ss:$0x1] =	vst.idx.msk $0xffff, v19;
	v19 =	vld.idx.msk [tilespmem:v17+s31+$0x0], $0xffff  }
0x82: {  	[tilespmem:v20+s3+$0x0 ss:$0x1] =	vst.idx.msk $0xffff, v21;
	v21 =	vld.idx.msk [tilespmem:v16+s31+$0x0], $0xffff;
	_ =	sdelay $0x1  }
0x83: {  	v22 =	vld.idx.msk [tilespmem:v25+s7+$0x0], $0xffff  }
0x84: {  	s13 =	rddreg [dreg:$0x4];
	v23 =	vld.idx.msk [tilespmem:v24+s7+$0x0], $0xffff  }
0x85: {  	s0 =	sadd.s32 s23, s13;
	[tilespmem:v20+s17+$0x0 ss:$0x1] =	vst.idx.msk $0xffff, v19  }
0x86: {  	s0 =	sadd.s32 s21, s0;
	[tilespmem:v20+s5+$0x0 ss:$0x1] =	vst.idx.msk $0xffff, v21;
	v19 =	vld.idx.msk [tilespmem:v17+s7+$0x0], $0xffff  }
0x87: {  	s17 =	sadd.s32 s26, s0;
	v21 =	vld.idx.msk [tilespmem:v16+s7+$0x0], $0xffff  }
0x88: {  	s18 =	sadd.s32 s11, s0;
	[tilespmem:s17+$0x0] =	vst v22  }
0x89: {  	[tilespmem:s18+$0x0] =	vst v23;
	v22 =	vld.idx.msk [tilespmem:v25+s8+$0x0], $0xffff  }
0x8a: {  	s19 =	sadd.s32 s6, s0;
	s2 =	rddreg [dreg:$0x5];
	v23 =	vld.idx.msk [tilespmem:v24+s8+$0x0], $0xffff  }
0x8b: {  	s0 =	sadd.s32 s16, s0;
	s2 =	sadd.s32 s23, s2;
	[tilespmem:s19+$0x0] =	vst v19  }
0x8c: {  	s28 =	simm.s32 $0x40;
	s25 =	simm.s32 $0x200;
	s2 =	sadd.s32 s21, s2;
	[tilespmem:s0+$0x0] =	vst v21;
	v19 =	vld.idx.msk [tilespmem:v17+s8+$0x0], $0xffff  }
0x8d: {  	s29 =	simm.s32 $0x10;
	s13 =	sand.u32 $0xC00, s25;
	s20 =	sadd.s32 s26, s2;
	v21 =	vld.idx.msk [tilespmem:v16+s8+$0x0], $0xffff  }
0x8e: {  	s18 =	sand.u32 $0x380, s29;
	s17 =	sand.u32 $0x40, s28;
	s22 =	sadd.s32 s11, s2;
	[tilespmem:s20+$0x0] =	vst v22  }
0x8f: {  	s3 =	sor.u32 s18, s13;
	s25 =	sor.u32 $0x30, s17;
	[tilespmem:s22+$0x0] =	vst v23;
	v22 =	vld.idx.msk [tilespmem:v25+s9+$0x0], $0xffff  }
0x90: {  	s24 =	sadd.s32 s6, s2;
	s19 =	sor.u32 s25, s3;
	s0 =	rddreg [dreg:$0x6];
	v23 =	vld.idx.msk [tilespmem:v24+s9+$0x0], $0xffff  }
0x91: {  	s2 =	sadd.s32 s16, s2;
	s20 =	sor.u32 s17, s3;
	s0 =	sadd.s32 s23, s0;
	[tilespmem:s24+$0x0] =	vst v19;
	v19 =	vld.idx.msk [tilespmem:v18+s19+$0x0 ss:$0x1], $0xffff  }
0x92: {  	s0 =	sadd.s32 s21, s0;
	[tilespmem:s2+$0x0] =	vst v21;
	v21 =	vld.idx.msk [tilespmem:v18+s20+$0x0 ss:$0x1], $0xffff  }
0x93: {  	s29 =	sadd.s32 s26, s0;
	v26 =	vld.idx.msk [tilespmem:v17+s9+$0x0], $0xffff  }
0x94: {  	s22 =	sor.u32 $0x20, s17;
	v27 =	vld.idx.msk [tilespmem:v16+s9+$0x0], $0xffff;
	[tilespmem:s29+$0x0] =	vst v22  }
0x95: {  	s24 =	sor.u32 $0x10, s17;
	s2 =	sor.u32 s22, s3;
	v28 =	vld.idx.msk [tilespmem:v25+s10+$0x0], $0xffff  }
0x96: {  	s30 =	sadd.s32 s11, s0;
	s29 =	sor.u32 s24, s3;
	v22 =	vld.idx.msk [tilespmem:v18+s2+$0x0 ss:$0x1], $0xffff;
	s5 =	rddreg [dreg:$0x7]  }
0x97: {  	[tilespmem:s30+$0x0] =	vst v23;
	s30 =	sadd.s32 s6, s0;
	v23 =	vld.idx.msk [tilespmem:v18+s29+$0x0 ss:$0x1], $0xffff;
	s5 =	sadd.s32 s23, s5  }
0x98: {  	s0 =	sadd.s32 s16, s0;
	s5 =	sadd.s32 s21, s5;
	[tilespmem:s30+$0x0] =	vst v26;
	v26 =	vld.idx.msk [tilespmem:v24+s10+$0x0], $0xffff  }
0x99: {  	s3 =	sadd.s32 s26, s5;
	[tilespmem:s0+$0x0] =	vst v27;
	v27 =	vld.idx.msk [tilespmem:v17+s10+$0x0], $0xffff  }
0x9a: {  	[tilespmem:s3+$0x0] =	vst v28;
	v28 =	vld.idx.msk [tilespmem:v16+s10+$0x0], $0xffff  }
0x9b: {  	v29 =	vld.idx.msk [tilespmem:v25+s12+$0x0], $0xffff  }
0x9c: {  	s30 =	sadd.s32 s11, s5;
	s0 =	rddreg [dreg:$0x8];
	v30 =	vld.idx.msk [tilespmem:v19+s31+$0x0], $0xffff  }
0x9d: {  	s0 =	sadd.s32 s23, s0;
	[tilespmem:s30+$0x0] =	vst v26;
	s30 =	sadd.s32 s6, s5;
	v26 =	vld.idx.msk [tilespmem:v21+s31+$0x0], $0xffff  }
0x9e: {  	s0 =	sadd.s32 s21, s0;
	s5 =	sadd.s32 s16, s5;
	[tilespmem:s30+$0x0] =	vst v27  }
0x9f: {  	s3 =	sadd.s32 s26, s0;
	[tilespmem:s5+$0x0] =	vst v28;
	v27 =	vld.idx.msk [tilespmem:v23+s31+$0x0], $0xffff  }
0xa0: {  	v28 =	vld.idx.msk [tilespmem:v22+s31+$0x0], $0xffff;
	[tilespmem:s3+$0x0] =	vst v29  }
0xa1: {  	[tilespmem:v20+s19+$0x0 ss:$0x1] =	vst.idx.msk $0xffff, v30;
	v29 =	vld.idx.msk [tilespmem:v24+s12+$0x0], $0xffff  }
0xa2: {  	[tilespmem:v20+s20+$0x0 ss:$0x1] =	vst.idx.msk $0xffff, v26;
	v26 =	vld.idx.msk [tilespmem:v25+s14+$0x0], $0xffff  }
0xa3: {  	s5 =	rddreg [dreg:$0x9];
	v30 =	vld.idx.msk [tilespmem:v19+s7+$0x0], $0xffff  }
0xa4: {  	s5 =	sadd.s32 s23, s5;
	s19 =	rddreg [dreg:$0x4];
	v31 =	vld.idx.msk [tilespmem:v21+s7+$0x0], $0xffff;
	[tilespmem:v20+s29+$0x0 ss:$0x1] =	vst.idx.msk $0xffff, v27  }
0xa5: {  	s10 =	sadd.s32 s11, s0;
	s5 =	sadd.s32 s21, s5;
	v27 =	vld.idx.msk [tilespmem:v17+s12+$0x0], $0xffff;
	[tilespmem:v20+s2+$0x0 ss:$0x1] =	vst.idx.msk $0xffff, v28;
	s19 =	sadd.s32 s13, s19  }
0xa6: {  	s20 =	sadd.s32 s26, s5;
	v28 =	vld.idx.msk [tilespmem:v23+s7+$0x0], $0xffff;
	[tilespmem:s10+$0x0] =	vst v29;
	s2 =	sadd.s32 s18, s19  }
0xa7: {  	v29 =	vld.idx.msk [tilespmem:v22+s7+$0x0], $0xffff;
	s29 =	sadd.s32 s25, s2;
	[tilespmem:s20+$0x0] =	vst v26  }
0xa8: {  	s3 =	sadd.s32 s17, s2;
	[tilespmem:s29+$0x0] =	vst v30  }
0xa9: {  	s7 =	sadd.s32 s6, s0;
	v26 =	vld.idx.msk [tilespmem:v16+s12+$0x0], $0xffff;
	[tilespmem:s3+$0x0] =	vst v31  }
0xaa: {  	s10 =	sadd.s32 s24, s2;
	v30 =	vld.idx.msk [tilespmem:v24+s14+$0x0], $0xffff;
	[tilespmem:s7+$0x0] =	vst v27  }
0xab: {  	s2 =	sadd.s32 s22, s2;
	v31 =	vld.idx.msk [tilespmem:v25+s15+$0x0], $0xffff;
	s19 =	rddreg [dreg:$0x5];
	[tilespmem:s10+$0x0] =	vst v28  }
0xac: {  	v27 =	vld.idx.msk [tilespmem:v19+s8+$0x0], $0xffff;
	[tilespmem:s2+$0x0] =	vst v29;
	s2 =	sadd.s32 s4, s1  }
0xad: {  	s0 =	sadd.s32 s16, s0;
	s7 =	sadd.s32 s11, s5;
	v32 =	vld.idx.msk [tilespmem:v21+s8+$0x0], $0xffff;
	[smem:$0x7F2] =	sst s2  }
0xae: {  	s12 =	rddreg [dreg:$0xa];
	s1 =	simm.s32 $0x4;
	s3 =	sadd.s32 s13, s19;
	v33 =	vld.idx.msk [tilespmem:v23+s8+$0x0], $0xffff  }
0xaf: {  	s4 =	sadd.s32 s23, s12;
	s19 =	sadd.s32 s6, s5;
	v28 =	vld.idx.msk [tilespmem:v22+s8+$0x0], $0xffff;
	s10 =	sadd.s32 s18, s3;
	[tilespmem:s0+$0x0] =	vst v26  }
0xb0: {  	s2 =	sadd.s32 s21, s4;
	v25 =	vld.idx.msk [tilespmem:v17+s14+$0x0], $0xffff;
	[tilespmem:s7+$0x0] =	vst v30;
	s12 =	sadd.s32 s25, s10;
	s0 =	sadd.s32 s16, s5  }
0xb1: {  	s23 =	sadd.s32 s17, s10;
	s30 =	sadd.s32 s11, s2;
	s26 =	sadd.s32 s26, s2;
	[tilespmem:s12+$0x0] =	vst v27;
	v26 =	vld.idx.msk [tilespmem:v16+s14+$0x0], $0xffff  }
0xb2: {  	s29 =	sadd.s32 s24, s10;
	s31 =	sadd.s32 s22, s10;
	s21 =	sadd.s32 s16, s2;
	v27 =	vld.idx.msk [tilespmem:v24+s15+$0x0], $0xffff;
	[tilespmem:s26+$0x0] =	vst v31  }
0xb3: {  	s11 =	simm.s32 $0x400;
	s16 =	simm.s32 $0x20;
	s12 =	simm.s32 $0x1000;
	[tilespmem:s23+$0x0] =	vst v32;
	v30 =	vld.idx.msk [tilespmem:v19+s9+$0x0], $0xffff  }
0xb4: {  	s14 =	simm.s32 $0x2000;
	s23 =	sadd.s32 s6, s2;
	s20 =	rddreg [dreg:$0x6];
	v29 =	vld.idx.msk [tilespmem:v21+s9+$0x0], $0xffff;
	[tilespmem:s29+$0x0] =	vst v33  }
.LBB2_3:
0xb5: {  	s29 =	sand.u32 $0xC00, s11;
	s2 =	sand.u32 $0x380, s16;
	s28 =	sadd.s32 $0x40, s28  }
0xb6: {  	v31 =	vld.idx.msk [tilespmem:v23+s9+$0x0], $0xffff;
	s6 =	sand.u32 $0x40, s28;
	s4 =	sor.u32 s2, s29;
	[tilespmem:s31+$0x0] =	vst v28  }
0xb7: {  	[tilespmem:s30+$0x0] =	vst v27;
	s30 =	sor.u32 s6, s4;
	v28 =	vld.idx.msk [tilespmem:v22+s9+$0x0], $0xffff  }
0xb8: {  	s5 =	sadd.s32 s13, s20;
	s15 =	simm.s32 $0x7000;
	[tilespmem:s19+$0x0] =	vst v25;
	v24 =	vld.idx.msk [tilespmem:v18+s30+$0x0 ss:$0x1], $0xffff  }
0xb9: {  	s20 =	sadd.s32 s18, s5;
	s26 =	sor.u32 $0x30, s6;
	[tilespmem:s0+$0x0] =	vst v26;
	v25 =	vld.idx.msk [tilespmem:v17+s15+$0x0], $0xffff  }
0xba: {  	s10 =	sadd.s32 s25, s20;
	s0 =	sor.u32 s26, s4;
	v26 =	vld.idx.msk [tilespmem:v16+s15+$0x0], $0xffff  }
0xbb: {  	s5 =	sor.u32 $0x10, s6;
	v17 =	vmov v23;
	v27 =	vld.idx.msk [tilespmem:v18+s0+$0x0 ss:$0x1], $0xffff;
	[tilespmem:s10+$0x0] =	vst v30;
	s10 =	simm.s32 $0x4000  }
0xbc: {  	s3 =	sor.u32 $0x20, s6;
	s7 =	sadd.s32 s17, s20;
	s31 =	sor.u32 s5, s4;
	v16 =	vmov v22;
	v30 =	vld.idx.msk [tilespmem:v19+s10+$0x0], $0xffff  }
0xbd: {  	s8 =	sadd.s32 s24, s20;
	s19 =	sor.u32 s3, s4;
	s4 =	rddreg [dreg:$0x7];
	[tilespmem:s7+$0x0] =	vst v29;
	v23 =	vld.idx.msk [tilespmem:v18+s31+$0x0 ss:$0x1], $0xffff  }
0xbe: {  	s9 =	sadd.s32 s22, s20;
	v22 =	vld.idx.msk [tilespmem:v18+s19+$0x0 ss:$0x1], $0xffff;
	s7 =	sadd.s32 s13, s4;
	[tilespmem:s8+$0x0] =	vst v31  }
0xbf: {  	s20 =	smov.u32 s22;
	s22 =	smov.u32 s3;
	v29 =	vld.idx.msk [tilespmem:v21+s10+$0x0], $0xffff;
	s3 =	sadd.s32 s18, s7;
	[tilespmem:s9+$0x0] =	vst v28  }
0xc0: {  	s9 =	sadd.s32 s25, s3;
	v28 =	vld.idx.msk [tilespmem:v17+s10+$0x0], $0xffff;
	[tilespmem:s23+$0x0] =	vst v25  }
0xc1: {  	v25 =	vld.idx.msk [tilespmem:v16+s10+$0x0], $0xffff;
	[tilespmem:s9+$0x0] =	vst v30;
	s9 =	simm.s32 $0x5000  }
0xc2: {  	[tilespmem:s21+$0x0] =	vst v26;
	s21 =	simm.s32 $0x0;
	v30 =	vld.idx.msk [tilespmem:v19+s9+$0x0], $0xffff  }
0xc3: {  	s4 =	sadd.s32 s17, s3;
	s10 =	rddreg [dreg:$0x8];
	v31 =	vld.idx.msk [tilespmem:v24+s21+$0x0], $0xffff  }
0xc4: {  	s7 =	sadd.s32 s24, s3;
	s23 =	sadd.s32 s13, s10;
	[tilespmem:s4+$0x0] =	vst v29;
	v26 =	vld.idx.msk [tilespmem:v27+s21+$0x0], $0xffff  }
0xc5: {  	s3 =	sadd.s32 s20, s3;
	s4 =	sadd.s32 s18, s23;
	v32 =	vld.idx.msk [tilespmem:v23+s21+$0x0], $0xffff;
	[tilespmem:s7+$0x0] =	vst v28  }
0xc6: {  	v29 =	vld.idx.msk [tilespmem:v22+s21+$0x0], $0xffff;
	s23 =	sadd.s32 s25, s4;
	[tilespmem:s3+$0x0] =	vst v25  }
0xc7: {  	v28 =	vld.idx.msk [tilespmem:v21+s9+$0x0], $0xffff;
	[tilespmem:s23+$0x0] =	vst v30  }
0xc8: {  	v25 =	vld.idx.msk [tilespmem:v17+s9+$0x0], $0xffff;
	[tilespmem:v20+s30+$0x0 ss:$0x1] =	vst.idx.msk $0xffff, v31  }
0xc9: {  	s23 =	simm.s32 $0x6000;
	[tilespmem:v20+s0+$0x0 ss:$0x1] =	vst.idx.msk $0xffff, v26;
	v31 =	vld.idx.msk [tilespmem:v24+s12+$0x0], $0xffff  }
0xca: {  	s10 =	rddreg [dreg:$0x4];
	v26 =	vld.idx.msk [tilespmem:v19+s23+$0x0], $0xffff  }
0xcb: {  	s3 =	rddreg [dreg:$0x9];
	[tilespmem:v20+s31+$0x0 ss:$0x1] =	vst.idx.msk $0xffff, v32;
	v30 =	vld.idx.msk [tilespmem:v27+s12+$0x0], $0xffff  }
0xcc: {  	s8 =	sadd.s32 s17, s4;
	[tilespmem:v20+s19+$0x0 ss:$0x1] =	vst.idx.msk $0xffff, v29;
	s0 =	sadd.s32 s13, s3;
	s3 =	sadd.s32 s29, s10;
	v32 =	vld.idx.msk [tilespmem:v23+s12+$0x0], $0xffff  }
0xcd: {  	s21 =	sadd.s32 s24, s4;
	v29 =	vld.idx.msk [tilespmem:v22+s12+$0x0], $0xffff;
	s3 =	sadd.s32 s2, s3;
	[tilespmem:s8+$0x0] =	vst v28  }
0xce: {  	s0 =	sadd.s32 s18, s0;
	[tilespmem:s21+$0x0] =	vst v25;
	v25 =	vld.idx.msk [tilespmem:v16+s9+$0x0], $0xffff;
	s9 =	sadd.s32 s6, s3  }
0xcf: {  	s19 =	sadd.s32 s25, s0;
	v33 =	vld.idx.msk [tilespmem:v21+s23+$0x0], $0xffff;
	[tilespmem:s9+$0x0] =	vst v31  }
0xd0: {  	s1 =	sadd.s32 $0x4, s1;
	s11 =	sadd.s32 $0x200, s11;
	s10 =	sadd.s32 s26, s3;
	[tilespmem:s19+$0x0] =	vst v26  }
0xd1: {  	s16 =	sadd.s32 $0x10, s16;
	p4 =	slt.u32 s1, $0xFC;
	s4 =	sadd.s32 s20, s4;
	v31 =	vld.idx.msk [tilespmem:v24+s14+$0x0], $0xffff;
	[tilespmem:s10+$0x0] =	vst v30  }
0xd2: {  	s7 =	sadd.s32 s17, s0;
	s8 =	rddreg [dreg:$0xa];
	s21 =	sadd.s32 s5, s3;
	v30 =	vld.idx.msk [tilespmem:v19+s15+$0x0], $0xffff  }
0xd3: {  	s3 =	sadd.s32 s22, s3;
	s8 =	sadd.s32 s13, s8;
	s13 =	smov.u32 s29;
	[tilespmem:s21+$0x0] =	vst v32;
	v19 =	vmov v27;
	v27 =	vld.idx.msk [tilespmem:v27+s14+$0x0], $0xffff  }
0xd4: {  	s9 =	simm.s32 $0x3000;
	s19 =	sadd.s32 s24, s0;
	[tilespmem:s3+$0x0] =	vst v29;
	s10 =	rddreg [dreg:$0x5];
	v32 =	vld.idx.msk [tilespmem:v23+s14+$0x0], $0xffff  }
0xd5: {  	s3 =	sadd.s32 s18, s8;
	s18 =	smov.u32 s2;
	v28 =	vld.idx.msk [tilespmem:v22+s14+$0x0], $0xffff;
	s10 =	sadd.s32 s13, s10;
	[tilespmem:s4+$0x0] =	vst v25  }
.Ltmp2:
0xd6: {  	s21 =	sadd.s32 s25, s3;
	[tilespmem:s7+$0x0] =	vst v33;
	v25 =	vld.idx.msk [tilespmem:v17+s23+$0x0], $0xffff;
	s2 =	sadd.s32 s18, s10;
	(pc) =	sbr.rel @p4 .LBB2_3-.Ltmp2, $4  }
0xd7: {  	s0 =	sadd.s32 s20, s0;
	s30 =	sadd.s32 s17, s3;
	v26 =	vld.idx.msk [tilespmem:v16+s23+$0x0], $0xffff;
	s29 =	sadd.s32 s26, s2;
	[tilespmem:s21+$0x0] =	vst v30  }
0xd8: {  	s17 =	smov.u32 s6;
	s23 =	sadd.s32 s24, s3;
	s25 =	sadd.s32 s6, s2;
	[tilespmem:s29+$0x0] =	vst v27;
	v27 =	vld.idx.msk [tilespmem:v21+s15+$0x0], $0xffff  }
0xd9: {  	s24 =	smov.u32 s5;
	s8 =	sadd.s32 s5, s2;
	s31 =	sadd.s32 s22, s2;
	[tilespmem:s25+$0x0] =	vst v31;
	v30 =	vld.idx.msk [tilespmem:v19+s9+$0x0], $0xffff  }
0xda: {  	[tilespmem:s8+$0x0] =	vst v32;
	s21 =	sadd.s32 s20, s3;
	s20 =	rddreg [dreg:$0x6];
	v21 =	vmov v24;
	s25 =	smov.u32 s26;
	v29 =	vld.idx.msk [tilespmem:v24+s9+$0x0], $0xffff  }
0xdb: {  	_ = 	snop  }
0xdc: {  	s1 =	sadd.s32 s13, s20  }
0xdd: {  	s1 =	sadd.s32 s18, s1  }
0xde: {  	s2 =	sadd.s32 s25, s1  }
0xdf: {  	v18 =	vld.idx.msk [tilespmem:v23+s9+$0x0], $0xffff;
	s4 =	simm.s32 $0x4000;
	[tilespmem:s2+$0x0] =	vst v30  }
0xe0: {  	[tilespmem:s31+$0x0] =	vst v28;
	v24 =	vld.idx.msk [tilespmem:v19+s4+$0x0], $0xffff  }
0xe1: {  	v20 =	vld.idx.msk [tilespmem:v22+s9+$0x0], $0xffff;
	s2 =	rddreg [dreg:$0x7]  }
0xe2: {  	s3 =	sadd.s32 s17, s1;
	s2 =	sadd.s32 s13, s2  }
0xe3: {  	s29 =	sadd.s32 s24, s1;
	[tilespmem:s3+$0x0] =	vst v29;
	s2 =	sadd.s32 s18, s2  }
0xe4: {  	[tilespmem:s29+$0x0] =	vst v18;
	v55 =	vld.idx.msk [tilespmem:v21+s4+$0x0], $0xffff;
	s3 =	sadd.s32 s25, s2  }
0xe5: {  	s5 =	simm.s32 $0x5000;
	s1 =	sadd.s32 s22, s1;
	v56 =	vld.idx.msk [tilespmem:v23+s4+$0x0], $0xffff;
	[tilespmem:s3+$0x0] =	vst v24  }
0xe6: {  	[tilespmem:s1+$0x0] =	vst v20;
	v58 =	vld.idx.msk [tilespmem:v19+s5+$0x0], $0xffff  }
0xe7: {  	v57 =	vld.idx.msk [tilespmem:v22+s4+$0x0], $0xffff;
	s1 =	rddreg [dreg:$0x8]  }
0xe8: {  	s4 =	sadd.s32 s17, s2;
	s1 =	sadd.s32 s13, s1  }
0xe9: {  	s6 =	sadd.s32 s24, s2;
	[tilespmem:s4+$0x0] =	vst v55;
	s1 =	sadd.s32 s18, s1  }
0xea: {  	[tilespmem:s6+$0x0] =	vst v56;
	v18 =	vld.idx.msk [tilespmem:v21+s5+$0x0], $0xffff;
	s7 =	sadd.s32 s25, s1  }
0xeb: {  	s8 =	simm.s32 $0x6000;
	s2 =	sadd.s32 s22, s2;
	v20 =	vld.idx.msk [tilespmem:v23+s5+$0x0], $0xffff;
	[tilespmem:s7+$0x0] =	vst v58  }
0xec: {  	[tilespmem:s2+$0x0] =	vst v57;
	v59 =	vld.idx.msk [tilespmem:v19+s8+$0x0], $0xffff  }
0xed: {  	v60 =	vld.idx.msk [tilespmem:v22+s5+$0x0], $0xffff;
	s2 =	rddreg [dreg:$0x9]  }
0xee: {  	s10 =	sadd.s32 s17, s1;
	s2 =	sadd.s32 s13, s2  }
0xef: {  	s11 =	sadd.s32 s24, s1;
	[tilespmem:s10+$0x0] =	vst v18;
	s2 =	sadd.s32 s18, s2  }
0xf0: {  	[tilespmem:s11+$0x0] =	vst v20;
	s12 =	sadd.s32 s25, s2  }
0xf1: {  	s1 =	sadd.s32 s22, s1;
	v18 =	vld.idx.msk [tilespmem:v21+s8+$0x0], $0xffff;
	[tilespmem:s12+$0x0] =	vst v59  }
0xf2: {  	v20 =	vld.idx.msk [tilespmem:v23+s8+$0x0], $0xffff;
	s3 =	rddreg [dreg:$0xa];
	[tilespmem:s1+$0x0] =	vst v60  }
0xf3: {  	[tilespmem:s19+$0x0] =	vst v25;
	s14 =	simm.s32 $0x7000;
	v61 =	vld.idx.msk [tilespmem:v22+s8+$0x0], $0xffff  }
0xf4: {  	[tilespmem:s0+$0x0] =	vst v26;
	v17 =	vld.idx.msk [tilespmem:v17+s14+$0x0], $0xffff  }
0xf5: {  	[tilespmem:s30+$0x0] =	vst v27;
	v16 =	vld.idx.msk [tilespmem:v16+s14+$0x0], $0xffff;
	s15 =	sadd.s32 s17, s2  }
0xf6: {  	s16 =	sadd.s32 s24, s2;
	[tilespmem:s15+$0x0] =	vst v18;
	v62 =	vld.idx.msk [tilespmem:v19+s14+$0x0], $0xffff  }
0xf7: {  	s19 =	sadd.s32 s22, s2;
	[tilespmem:s16+$0x0] =	vst v20;
	v63 =	vld.idx.msk [tilespmem:v21+s14+$0x0], $0xffff  }
0xf8: {  	s20 =	sadd.s32 s13, s3;
	v20 =	vld.idx.msk [tilespmem:v23+s14+$0x0], $0xffff;
	[tilespmem:s19+$0x0] =	vst v61  }
0xf9: {  	[tilespmem:s23+$0x0] =	vst v17;
	s23 =	sadd.s32 s18, s20;
	v17 =	vld.idx.msk [tilespmem:v22+s14+$0x0], $0xffff  }
0xfa: {  	[tilespmem:s21+$0x0] =	vst v16;
	s1 =	sadd.s32 s25, s23  }
0xfb: {  	s25 =	sadd.s32 s17, s23;
	[tilespmem:s1+$0x0] =	vst v62  }
0xfc: {  	s28 =	sadd.s32 s24, s23;
	s26 =	sld [smem:$0x7EA];
	[tilespmem:s25+$0x0] =	vst v63  }
0xfd: {  	s0 =	sadd.s32 s22, s23;
	[tilespmem:s28+$0x0] =	vst v20  }
0xfe: {  	s1 =	sld [smem:$0x7F2];
	[tilespmem:s0+$0x0] =	vst v17  }
0xff: {  	p4 =	seq.s32 s26, $0xF;
	s0 =	sld [smem:$0x7E9]  }
0x100: {  	p3 =	por p4, p3  }
0x101: {  	s1 =	smul.u32 @p3 $0x2400, s1;
	_ =	strace $0x9000004B  }
0x102: {  	_ =	strace @p3 $0x8000004C;
	s0 =	sshll.u32 @p3 s0, $0xC  }
0x103: {  	s0 =	sadd.s32 @p3 s0, s1;
	s1 =	sld [smem:$0x7EF]  }
0x104: {  	s5 =	sld [smem:$0x7F1]  }
0x105: {  	s3 =	simm.s32 @p3 $0x122400;
	s2 =	rddreg [dreg:$0x16];
	s0 =	sshrl.u32 @p3 s0, $0x3  }
0x106: {  	s0 =	sadd.s32 @p3 s0, s2;
	s2 =	simm.s32 @p3 $0x1000;
	s1 =	sadd.s32 @p3 $0x3, s1  }
0x107: {  	[hbm4b:s0+s2] =	stream.strided.scatter @p3 [tilespmem:s5], [sflag:s1], $0x8000, s3, s2, $0x200038;
	[tilespmem:$0x1D100] =	vst v63  }
0x108: {  	_ =	strace @p3 $0x9000004C  }
0x109: {  	s2 =	sld [smem:$0x7E8];
	_ =	sdelay $0x1  }
0x10a: {  	p4 =	seq.s32 s26, $0x0  }
0x10b: {  	s31 =	simm.s32 $0x0;
	s7 =	simm.s32 $0x1000;
	s0 =	sand.u32 @!p4 $0x1, s2  }
0x10c: {  	s10 =	simm.s32 $0x4000;
	_ =	strace @!p4 $0x8000004D;
	s0 =	sadd.s32 @!p4 $0x3, s0  }
0x10d: {  	s12 =	simm.s32 $0x5000;
	s1 =	simm.s32 $0x1;
	_ =	swait.ge @!p4 [sflag:s0], $0x8000  }
0x10e: {  	s4 =	sadd.s32 $0x1, s26;
	s1 =	simm.s32 @!p2 $0x0;
	[sflag:s0] =	ssyncset.done @!p4 $0x0  }
0x10f: {  	p2 =	sne.s32 s26, $0x0;
	[sflag:s0] =	ssyncadd.s32 @!p4 $0xFFFF8000;
	s0 =	simm.s32 $0x1  }
0x110: {  	s29 =	sld [smem:$0x7ED];
	s0 =	simm.s32 @!p2 $0x0;
	p2 =	sne.s32 s4, $0x10  }
.Ltmp3:
0x111: {  	s15 =	simm.s32 $0x7000;
	s11 =	sld [smem:$0x7EE];
	(pc) =	sbr.rel @p2 .LBB2_2-.Ltmp3, $4  }
0x112: {  	s8 =	simm.s32 $0x2000;
	s30 =	sld [smem:$0x7F0];
	_ =	strace @!p4 $0x9000004D  }
0x113: {  	s3 =	sadd.s32 s1, s29;
	s1 =	simm.s32 $0x1;
	s5 =	sld [smem:$0x7EC]  }
0x114: {  	s14 =	simm.s32 $0x6000;
	s2 =	sadd.s32 s0, s2;
	s1 =	simm.s32 @!p3 $0x0  }
0x115: {  	s11 =	sadd.s32 s1, s11;
	s13 =	sadd.s32 s1, s30;
	s1 =	sld [smem:$0x7EB]  }
0x116: {  	_ =	strace $0x8000004E;
	s0 =	simm.s32 $0x4  }
0x117: {  	_ =	swait.ge [sflag:s0], $0x8000  }
0x118: {  	[sflag:s0] =	ssyncset.done $0x0  }
0x119: {  	[sflag:s0] =	ssyncadd.s32 $0xFFFF8000  }
0x11a: {  	_ =	strace $0x9000004E  }
0x11b: {  	s28 =	sld [smem:$0x7FC];
	_ =	sdelay $0x1  }
0x11c: {  	s1 =	simm.s32 $0xA800;
	s3 =	simm.s32 $0x1  }
0x11d: {  	[tilespmem:s1], [sflag:$0x1] =	stream.linear.gather [hbm4b:s28+s31], $0x480, $0x38;
	[tilespmem:$0x1D100] =	vst v63  }
0x11e: {  	_ =	swait.ge [sflag:s3], $0x480  }
0x11f: {  	[sflag:s3] =	ssyncset.done $0x0  }
0x120: {  	[sflag:s3] =	ssyncadd.s32 $0xFFFFFB80  }
.Ltmp4:
0x121: {  	s30 =	simm.s32 $0xAC80;
	s29 =	rddreg [dreg:$0x2];
	(pc) =	sbr.rel @p0 .LBB2_7-.Ltmp4, $4  }
0x122: {  	[tilespmem:s30], [sflag:$0x1] =	stream.linear.gather [hbm4b:s29+s31], $0x480, $0x38;
	[tilespmem:$0x1D100] =	vst v63  }
0x123: {  	_ =	swait.ge [sflag:s3], $0x480  }
0x124: {  	[sflag:s3] =	ssyncset.done $0x0  }
0x125: {  	s4 =	simm.s32 $0x400;
	s11 =	simm.s32 $0x122400;
	[sflag:s3] =	ssyncadd.s32 $0xFFFFFB80  }
0x126: {  	s0 =	rddreg [dreg:$0x1c]  }
0x127: {  	v16 =	vld [tilespmem:s0+$0xAC80];
	_ =	sdelay $0x7  }
0x128: {  	v17 =	vld.idx.msk [tilespmem:v16+s31+$0x0], $0xffff;
	_ =	sdelay $0x4  }
0x129: {  	[tilespmem:$0x8000] =	vst v17  }
0x12a: {  	v17 =	vld.idx.msk [tilespmem:v16+s7+$0x0], $0xffff;
	_ =	sdelay $0x4  }
0x12b: {  	[tilespmem:$0x8080] =	vst v17  }
0x12c: {  	v17 =	vld.idx.msk [tilespmem:v16+s8+$0x0], $0xffff;
	_ =	sdelay $0x4  }
0x12d: {  	[tilespmem:$0x8100] =	vst v17  }
0x12e: {  	v17 =	vld.idx.msk [tilespmem:v16+s9+$0x0], $0xffff;
	_ =	sdelay $0x4  }
0x12f: {  	[tilespmem:$0x8180] =	vst v17  }
0x130: {  	v17 =	vld.idx.msk [tilespmem:v16+s10+$0x0], $0xffff;
	_ =	sdelay $0x4  }
0x131: {  	[tilespmem:$0x8200] =	vst v17  }
0x132: {  	v17 =	vld.idx.msk [tilespmem:v16+s12+$0x0], $0xffff;
	_ =	sdelay $0x4  }
0x133: {  	[tilespmem:$0x8280] =	vst v17  }
0x134: {  	v17 =	vld.idx.msk [tilespmem:v16+s14+$0x0], $0xffff;
	_ =	sdelay $0x4  }
0x135: {  	[tilespmem:$0x8300] =	vst v17  }
0x136: {  	v16 =	vld.idx.msk [tilespmem:v16+s15+$0x0], $0xffff;
	_ =	sdelay $0x4  }
0x137: {  	[tilespmem:$0x8380] =	vst v16  }
0x138: {  	v16 =	vld [tilespmem:s0+$0xAC90];
	_ =	sdelay $0x7  }
0x139: {  	v17 =	vld.idx.msk [tilespmem:v16+s31+$0x0], $0xffff;
	_ =	sdelay $0x4  }
0x13a: {  	[tilespmem:$0x8010] =	vst v17  }
0x13b: {  	v17 =	vld.idx.msk [tilespmem:v16+s7+$0x0], $0xffff;
	_ =	sdelay $0x4  }
0x13c: {  	[tilespmem:$0x8090] =	vst v17  }
0x13d: {  	v17 =	vld.idx.msk [tilespmem:v16+s8+$0x0], $0xffff;
	_ =	sdelay $0x4  }
0x13e: {  	[tilespmem:$0x8110] =	vst v17  }
0x13f: {  	v17 =	vld.idx.msk [tilespmem:v16+s9+$0x0], $0xffff;
	_ =	sdelay $0x4  }
0x140: {  	[tilespmem:$0x8190] =	vst v17  }
0x141: {  	v17 =	vld.idx.msk [tilespmem:v16+s10+$0x0], $0xffff;
	_ =	sdelay $0x4  }
0x142: {  	[tilespmem:$0x8210] =	vst v17  }
0x143: {  	v17 =	vld.idx.msk [tilespmem:v16+s12+$0x0], $0xffff;
	_ =	sdelay $0x4  }
0x144: {  	[tilespmem:$0x8290] =	vst v17  }
0x145: {  	v17 =	vld.idx.msk [tilespmem:v16+s14+$0x0], $0xffff;
	_ =	sdelay $0x4  }
0x146: {  	[tilespmem:$0x8310] =	vst v17  }
0x147: {  	v16 =	vld.idx.msk [tilespmem:v16+s15+$0x0], $0xffff;
	_ =	sdelay $0x4  }
0x148: {  	[tilespmem:$0x8390] =	vst v16  }
0x149: {  	v16 =	vld [tilespmem:s0+$0xACA0];
	_ =	sdelay $0x7  }
0x14a: {  	v17 =	vld.idx.msk [tilespmem:v16+s31+$0x0], $0xffff;
	_ =	sdelay $0x4  }
0x14b: {  	[tilespmem:$0x8020] =	vst v17  }
0x14c: {  	v17 =	vld.idx.msk [tilespmem:v16+s7+$0x0], $0xffff;
	_ =	sdelay $0x4  }
0x14d: {  	[tilespmem:$0x80A0] =	vst v17  }
0x14e: {  	v17 =	vld.idx.msk [tilespmem:v16+s8+$0x0], $0xffff;
	_ =	sdelay $0x4  }
0x14f: {  	[tilespmem:$0x8120] =	vst v17  }
0x150: {  	v17 =	vld.idx.msk [tilespmem:v16+s9+$0x0], $0xffff;
	_ =	sdelay $0x4  }
0x151: {  	[tilespmem:$0x81A0] =	vst v17  }
0x152: {  	v17 =	vld.idx.msk [tilespmem:v16+s10+$0x0], $0xffff;
	_ =	sdelay $0x4  }
0x153: {  	[tilespmem:$0x8220] =	vst v17  }
0x154: {  	v17 =	vld.idx.msk [tilespmem:v16+s12+$0x0], $0xffff;
	_ =	sdelay $0x4  }
0x155: {  	[tilespmem:$0x82A0] =	vst v17  }
0x156: {  	v17 =	vld.idx.msk [tilespmem:v16+s14+$0x0], $0xffff;
	_ =	sdelay $0x4  }
0x157: {  	[tilespmem:$0x8320] =	vst v17  }
0x158: {  	v16 =	vld.idx.msk [tilespmem:v16+s15+$0x0], $0xffff;
	_ =	sdelay $0x4  }
0x159: {  	[tilespmem:$0x83A0] =	vst v16  }
0x15a: {  	v16 =	vld [tilespmem:s0+$0xACB0];
	_ =	sdelay $0x7  }
0x15b: {  	v17 =	vld.idx.msk [tilespmem:v16+s31+$0x0], $0xffff;
	_ =	sdelay $0x4  }
0x15c: {  	[tilespmem:$0x8030] =	vst v17  }
0x15d: {  	v17 =	vld.idx.msk [tilespmem:v16+s7+$0x0], $0xffff;
	_ =	sdelay $0x4  }
0x15e: {  	[tilespmem:$0x80B0] =	vst v17  }
0x15f: {  	v17 =	vld.idx.msk [tilespmem:v16+s8+$0x0], $0xffff;
	_ =	sdelay $0x4  }
0x160: {  	[tilespmem:$0x8130] =	vst v17  }
0x161: {  	v17 =	vld.idx.msk [tilespmem:v16+s9+$0x0], $0xffff;
	_ =	sdelay $0x4  }
0x162: {  	[tilespmem:$0x81B0] =	vst v17  }
0x163: {  	v17 =	vld.idx.msk [tilespmem:v16+s10+$0x0], $0xffff;
	_ =	sdelay $0x4  }
0x164: {  	[tilespmem:$0x8230] =	vst v17  }
0x165: {  	v17 =	vld.idx.msk [tilespmem:v16+s12+$0x0], $0xffff;
	_ =	sdelay $0x4  }
0x166: {  	[tilespmem:$0x82B0] =	vst v17  }
0x167: {  	v17 =	vld.idx.msk [tilespmem:v16+s14+$0x0], $0xffff;
	_ =	sdelay $0x4  }
0x168: {  	[tilespmem:$0x8330] =	vst v17  }
0x169: {  	v16 =	vld.idx.msk [tilespmem:v16+s15+$0x0], $0xffff;
	_ =	sdelay $0x4  }
0x16a: {  	[tilespmem:$0x83B0] =	vst v16  }
0x16b: {  	v16 =	vld [tilespmem:s0+$0xACC0];
	_ =	sdelay $0x7  }
0x16c: {  	v17 =	vld.idx.msk [tilespmem:v16+s31+$0x0], $0xffff;
	_ =	sdelay $0x4  }
0x16d: {  	[tilespmem:$0x8040] =	vst v17  }
0x16e: {  	v17 =	vld.idx.msk [tilespmem:v16+s7+$0x0], $0xffff;
	_ =	sdelay $0x4  }
0x16f: {  	[tilespmem:$0x80C0] =	vst v17  }
0x170: {  	v17 =	vld.idx.msk [tilespmem:v16+s8+$0x0], $0xffff;
	_ =	sdelay $0x4  }
0x171: {  	[tilespmem:$0x8140] =	vst v17  }
0x172: {  	v17 =	vld.idx.msk [tilespmem:v16+s9+$0x0], $0xffff;
	_ =	sdelay $0x4  }
0x173: {  	[tilespmem:$0x81C0] =	vst v17  }
0x174: {  	v17 =	vld.idx.msk [tilespmem:v16+s10+$0x0], $0xffff;
	_ =	sdelay $0x4  }
0x175: {  	[tilespmem:$0x8240] =	vst v17  }
0x176: {  	v17 =	vld.idx.msk [tilespmem:v16+s12+$0x0], $0xffff;
	_ =	sdelay $0x4  }
0x177: {  	[tilespmem:$0x82C0] =	vst v17  }
0x178: {  	v17 =	vld.idx.msk [tilespmem:v16+s14+$0x0], $0xffff;
	_ =	sdelay $0x4  }
0x179: {  	[tilespmem:$0x8340] =	vst v17  }
0x17a: {  	v16 =	vld.idx.msk [tilespmem:v16+s15+$0x0], $0xffff;
	_ =	sdelay $0x4  }
0x17b: {  	[tilespmem:$0x83C0] =	vst v16  }
0x17c: {  	v16 =	vld [tilespmem:s0+$0xACD0];
	_ =	sdelay $0x7  }
0x17d: {  	v17 =	vld.idx.msk [tilespmem:v16+s31+$0x0], $0xffff;
	_ =	sdelay $0x4  }
0x17e: {  	[tilespmem:$0x8050] =	vst v17  }
0x17f: {  	v17 =	vld.idx.msk [tilespmem:v16+s7+$0x0], $0xffff;
	_ =	sdelay $0x4  }
0x180: {  	[tilespmem:$0x80D0] =	vst v17  }
0x181: {  	v17 =	vld.idx.msk [tilespmem:v16+s8+$0x0], $0xffff;
	_ =	sdelay $0x4  }
0x182: {  	[tilespmem:$0x8150] =	vst v17  }
0x183: {  	v17 =	vld.idx.msk [tilespmem:v16+s9+$0x0], $0xffff;
	_ =	sdelay $0x4  }
0x184: {  	[tilespmem:$0x81D0] =	vst v17  }
0x185: {  	v17 =	vld.idx.msk [tilespmem:v16+s10+$0x0], $0xffff;
	_ =	sdelay $0x4  }
0x186: {  	[tilespmem:$0x8250] =	vst v17  }
0x187: {  	v17 =	vld.idx.msk [tilespmem:v16+s12+$0x0], $0xffff;
	_ =	sdelay $0x4  }
0x188: {  	[tilespmem:$0x82D0] =	vst v17  }
0x189: {  	v17 =	vld.idx.msk [tilespmem:v16+s14+$0x0], $0xffff;
	_ =	sdelay $0x4  }
0x18a: {  	[tilespmem:$0x8350] =	vst v17  }
0x18b: {  	v16 =	vld.idx.msk [tilespmem:v16+s15+$0x0], $0xffff;
	_ =	sdelay $0x4  }
0x18c: {  	[tilespmem:$0x83D0] =	vst v16  }
0x18d: {  	v16 =	vld [tilespmem:s0+$0xACE0];
	_ =	sdelay $0x7  }
0x18e: {  	v17 =	vld.idx.msk [tilespmem:v16+s31+$0x0], $0xffff;
	_ =	sdelay $0x4  }
0x18f: {  	[tilespmem:$0x8060] =	vst v17  }
0x190: {  	v17 =	vld.idx.msk [tilespmem:v16+s7+$0x0], $0xffff;
	_ =	sdelay $0x4  }
0x191: {  	[tilespmem:$0x80E0] =	vst v17  }
0x192: {  	v17 =	vld.idx.msk [tilespmem:v16+s8+$0x0], $0xffff;
	_ =	sdelay $0x4  }
0x193: {  	[tilespmem:$0x8160] =	vst v17  }
0x194: {  	v17 =	vld.idx.msk [tilespmem:v16+s9+$0x0], $0xffff;
	_ =	sdelay $0x4  }
0x195: {  	[tilespmem:$0x81E0] =	vst v17  }
0x196: {  	v17 =	vld.idx.msk [tilespmem:v16+s10+$0x0], $0xffff;
	_ =	sdelay $0x4  }
0x197: {  	[tilespmem:$0x8260] =	vst v17  }
0x198: {  	v17 =	vld.idx.msk [tilespmem:v16+s12+$0x0], $0xffff;
	_ =	sdelay $0x4  }
0x199: {  	[tilespmem:$0x82E0] =	vst v17  }
0x19a: {  	v17 =	vld.idx.msk [tilespmem:v16+s14+$0x0], $0xffff;
	_ =	sdelay $0x4  }
0x19b: {  	[tilespmem:$0x8360] =	vst v17  }
0x19c: {  	v16 =	vld.idx.msk [tilespmem:v16+s15+$0x0], $0xffff;
	_ =	sdelay $0x4  }
0x19d: {  	[tilespmem:$0x83E0] =	vst v16  }
0x19e: {  	v16 =	vld [tilespmem:s0+$0xACF0];
	_ =	sdelay $0x7  }
0x19f: {  	v17 =	vld.idx.msk [tilespmem:v16+s31+$0x0], $0xffff;
	_ =	sdelay $0x4  }
0x1a0: {  	[tilespmem:$0x8070] =	vst v17  }
0x1a1: {  	v17 =	vld.idx.msk [tilespmem:v16+s7+$0x0], $0xffff;
	_ =	sdelay $0x4  }
0x1a2: {  	[tilespmem:$0x80F0] =	vst v17  }
0x1a3: {  	v17 =	vld.idx.msk [tilespmem:v16+s8+$0x0], $0xffff;
	_ =	sdelay $0x4  }
0x1a4: {  	[tilespmem:$0x8170] =	vst v17  }
0x1a5: {  	v17 =	vld.idx.msk [tilespmem:v16+s9+$0x0], $0xffff;
	_ =	sdelay $0x4  }
0x1a6: {  	[tilespmem:$0x81F0] =	vst v17  }
0x1a7: {  	v17 =	vld.idx.msk [tilespmem:v16+s10+$0x0], $0xffff;
	_ =	sdelay $0x4  }
0x1a8: {  	[tilespmem:$0x8270] =	vst v17  }
0x1a9: {  	v17 =	vld.idx.msk [tilespmem:v16+s12+$0x0], $0xffff;
	_ =	sdelay $0x4  }
0x1aa: {  	[tilespmem:$0x82F0] =	vst v17  }
0x1ab: {  	v17 =	vld.idx.msk [tilespmem:v16+s14+$0x0], $0xffff;
	_ =	sdelay $0x4  }
0x1ac: {  	[tilespmem:$0x8370] =	vst v17  }
0x1ad: {  	v16 =	vld.idx.msk [tilespmem:v16+s15+$0x0], $0xffff;
	_ =	sdelay $0x4  }
0x1ae: {  	s1 =	rddreg [dreg:$0x1e];
	s2 =	simm.s32 $0x2400;
	s5 =	simm.s32 $0x8000;
	[tilespmem:$0x83F0] =	vst v16  }
0x1af: {  	[hbm4b:s1+s4] =	stream.strided.scatter [tilespmem:s5], [sflag:$0x1], $0x0, s2, s4, $0x38;
	[tilespmem:$0x1D100] =	vst v63  }
0x1b0: {  	s6 =	simm.s32 $0x8080;
	s16 =	sadd.s32 $0x24480, s1  }
0x1b1: {  	[hbm4b:s16+s4] =	stream.strided.scatter [tilespmem:s6], [sflag:$0x1], $0x0, s2, s4, $0x38;
	[tilespmem:$0x1D100] =	vst v63  }
0x1b2: {  	s18 =	simm.s32 $0x8100;
	s17 =	sadd.s32 $0x48900, s1  }
0x1b3: {  	[hbm4b:s17+s4] =	stream.strided.scatter [tilespmem:s18], [sflag:$0x1], $0x0, s2, s4, $0x38;
	[tilespmem:$0x1D100] =	vst v63  }
0x1b4: {  	s20 =	simm.s32 $0x8180;
	s19 =	sadd.s32 $0x6CD80, s1  }
0x1b5: {  	[hbm4b:s19+s4] =	stream.strided.scatter [tilespmem:s20], [sflag:$0x1], $0x0, s2, s4, $0x38;
	[tilespmem:$0x1D100] =	vst v63  }
0x1b6: {  	s22 =	simm.s32 $0x8200;
	s21 =	sadd.s32 $0x91200, s1  }
0x1b7: {  	[hbm4b:s21+s4] =	stream.strided.scatter [tilespmem:s22], [sflag:$0x1], $0x0, s2, s4, $0x38;
	[tilespmem:$0x1D100] =	vst v63  }
0x1b8: {  	s24 =	simm.s32 $0x8280;
	s23 =	sadd.s32 $0xB5680, s1  }
0x1b9: {  	[hbm4b:s23+s4] =	stream.strided.scatter [tilespmem:s24], [sflag:$0x1], $0x0, s2, s4, $0x38;
	[tilespmem:$0x1D100] =	vst v63  }
0x1ba: {  	s26 =	simm.s32 $0x8300;
	s25 =	sadd.s32 $0xD9B00, s1  }
0x1bb: {  	[hbm4b:s25+s4] =	stream.strided.scatter [tilespmem:s26], [sflag:$0x1], $0x0, s2, s4, $0x38;
	[tilespmem:$0x1D100] =	vst v63  }
0x1bc: {  	s29 =	simm.s32 $0x8380;
	s28 =	sadd.s32 $0xFDF80, s1  }
0x1bd: {  	[hbm4b:s28+s4] =	stream.strided.scatter [tilespmem:s29], [sflag:$0x1], $0x0, s2, s4, $0x38;
	[tilespmem:$0x1D100] =	vst v63  }
0x1be: {  	s30 =	simm.s32 $0x80  }
0x1bf: {  	[hbm4b:s1+s30] =	stream.strided.scatter [tilespmem:s5], [sflag:$0x1], $0x400, s11, s30, $0x38;
	[tilespmem:$0x1D100] =	vst v63  }
0x1c0: {  	_ =	swait.ge [sflag:s3], $0x400  }
0x1c1: {  	[sflag:s3] =	ssyncset.done $0x0  }
0x1c2: {  	[sflag:s3] =	ssyncadd.s32 $0xFFFFFC00  }
.LBB2_7:
0x1c3: {  	s0 =	rddreg [dreg:$0x1f]  }
0x1c4: {  	v16 =	vld [tilespmem:s0+$0xA800];
	_ =	sdelay $0x7  }
0x1c5: {  	v17 =	vld.idx.msk [tilespmem:v16+s31+$0x0], $0xffff;
	_ =	sdelay $0x3  }
0x1c6: {  	s1 =	simm.s32 $0x8400  }
0x1c7: {  	[tilespmem:v0+s1+$0x0] =	vst.idx.msk $0xff, v17  }
0x1c8: {  	v17 =	vld.idx.msk [tilespmem:v16+s7+$0x0], $0xffff;
	_ =	sdelay $0x4  }
0x1c9: {  	[tilespmem:v1+s1+$0x0] =	vst.idx.msk $0xff, v17  }
0x1ca: {  	v17 =	vld.idx.msk [tilespmem:v16+s8+$0x0], $0xffff;
	_ =	sdelay $0x4  }
0x1cb: {  	[tilespmem:v2+s1+$0x0] =	vst.idx.msk $0xff, v17  }
0x1cc: {  	v17 =	vld.idx.msk [tilespmem:v16+s9+$0x0], $0xffff;
	_ =	sdelay $0x4  }
0x1cd: {  	[tilespmem:v3+s1+$0x0] =	vst.idx.msk $0xff, v17  }
0x1ce: {  	v17 =	vld.idx.msk [tilespmem:v16+s10+$0x0], $0xffff;
	_ =	sdelay $0x4  }
0x1cf: {  	[tilespmem:v4+s1+$0x0] =	vst.idx.msk $0xff, v17  }
0x1d0: {  	v17 =	vld.idx.msk [tilespmem:v16+s12+$0x0], $0xffff;
	_ =	sdelay $0x4  }
0x1d1: {  	[tilespmem:v5+s1+$0x0] =	vst.idx.msk $0xff, v17  }
0x1d2: {  	v17 =	vld.idx.msk [tilespmem:v16+s14+$0x0], $0xffff;
	_ =	sdelay $0x4  }
0x1d3: {  	[tilespmem:v6+s1+$0x0] =	vst.idx.msk $0xff, v17  }
0x1d4: {  	v16 =	vld.idx.msk [tilespmem:v16+s15+$0x0], $0xffff;
	_ =	sdelay $0x2  }
0x1d5: {  	s13 =	sld [smem:$0x7F4];
	_ =	sdelay $0x1  }
0x1d6: {  	[tilespmem:v7+s1+$0x0] =	vst.idx.msk $0xff, v16  }
0x1d7: {  	[hbm4b:s13+s4] =	stream.strided.scatter [tilespmem:s1], [sflag:$0x1], $0x2000, s11, s4, $0x38;
	[tilespmem:$0x1D100] =	vst v63  }
0x1d8: {  	_ =	swait.ge [sflag:s3], $0x2000  }
0x1d9: {  	[sflag:s3] =	ssyncset.done $0x0  }
0x1da: {  	s16 =	rddreg [dreg:$0x11];
	[sflag:s3] =	ssyncadd.s32 $0xFFFFE000  }
0x1db: {  	v16 =	vld [tilespmem:s16+$0xA800];
	_ =	sdelay $0x7  }
0x1dc: {  	v17 =	vld.idx.msk [tilespmem:v16+s31+$0x0], $0xffff;
	_ =	sdelay $0x4  }
0x1dd: {  	[tilespmem:v0+s1+$0x0] =	vst.idx.msk $0xff, v17  }
0x1de: {  	v17 =	vld.idx.msk [tilespmem:v16+s7+$0x0], $0xffff;
	_ =	sdelay $0x4  }
0x1df: {  	[tilespmem:v1+s1+$0x0] =	vst.idx.msk $0xff, v17  }
0x1e0: {  	v17 =	vld.idx.msk [tilespmem:v16+s8+$0x0], $0xffff;
	_ =	sdelay $0x4  }
0x1e1: {  	[tilespmem:v2+s1+$0x0] =	vst.idx.msk $0xff, v17  }
0x1e2: {  	v17 =	vld.idx.msk [tilespmem:v16+s9+$0x0], $0xffff;
	_ =	sdelay $0x4  }
0x1e3: {  	[tilespmem:v3+s1+$0x0] =	vst.idx.msk $0xff, v17  }
0x1e4: {  	v17 =	vld.idx.msk [tilespmem:v16+s10+$0x0], $0xffff;
	_ =	sdelay $0x4  }
0x1e5: {  	[tilespmem:v4+s1+$0x0] =	vst.idx.msk $0xff, v17  }
0x1e6: {  	v17 =	vld.idx.msk [tilespmem:v16+s12+$0x0], $0xffff;
	_ =	sdelay $0x4  }
0x1e7: {  	[tilespmem:v5+s1+$0x0] =	vst.idx.msk $0xff, v17  }
0x1e8: {  	v17 =	vld.idx.msk [tilespmem:v16+s14+$0x0], $0xffff;
	_ =	sdelay $0x4  }
0x1e9: {  	[tilespmem:v6+s1+$0x0] =	vst.idx.msk $0xff, v17  }
0x1ea: {  	v16 =	vld.idx.msk [tilespmem:v16+s15+$0x0], $0xffff;
	_ =	sdelay $0x2  }
0x1eb: {  	s17 =	sld [smem:$0x7F5];
	_ =	sdelay $0x1  }
0x1ec: {  	[tilespmem:v7+s1+$0x0] =	vst.idx.msk $0xff, v16  }
0x1ed: {  	[hbm4b:s17+s4] =	stream.strided.scatter [tilespmem:s1], [sflag:$0x1], $0x2000, s11, s4, $0x38;
	[tilespmem:$0x1D100] =	vst v63  }
0x1ee: {  	_ =	swait.ge [sflag:s3], $0x2000  }
0x1ef: {  	[sflag:s3] =	ssyncset.done $0x0  }
0x1f0: {  	s18 =	rddreg [dreg:$0x13];
	[sflag:s3] =	ssyncadd.s32 $0xFFFFE000  }
0x1f1: {  	v16 =	vld [tilespmem:s18+$0xA800];
	_ =	sdelay $0x7  }
0x1f2: {  	v17 =	vld.idx.msk [tilespmem:v16+s31+$0x0], $0xffff;
	_ =	sdelay $0x4  }
0x1f3: {  	[tilespmem:v0+s1+$0x0] =	vst.idx.msk $0xff, v17  }
0x1f4: {  	v17 =	vld.idx.msk [tilespmem:v16+s7+$0x0], $0xffff;
	_ =	sdelay $0x4  }
0x1f5: {  	[tilespmem:v1+s1+$0x0] =	vst.idx.msk $0xff, v17  }
0x1f6: {  	v17 =	vld.idx.msk [tilespmem:v16+s8+$0x0], $0xffff;
	_ =	sdelay $0x4  }
0x1f7: {  	[tilespmem:v2+s1+$0x0] =	vst.idx.msk $0xff, v17  }
0x1f8: {  	v17 =	vld.idx.msk [tilespmem:v16+s9+$0x0], $0xffff;
	_ =	sdelay $0x4  }
0x1f9: {  	[tilespmem:v3+s1+$0x0] =	vst.idx.msk $0xff, v17  }
0x1fa: {  	v17 =	vld.idx.msk [tilespmem:v16+s10+$0x0], $0xffff;
	_ =	sdelay $0x4  }
0x1fb: {  	[tilespmem:v4+s1+$0x0] =	vst.idx.msk $0xff, v17  }
0x1fc: {  	v17 =	vld.idx.msk [tilespmem:v16+s12+$0x0], $0xffff;
	_ =	sdelay $0x4  }
0x1fd: {  	[tilespmem:v5+s1+$0x0] =	vst.idx.msk $0xff, v17  }
0x1fe: {  	v17 =	vld.idx.msk [tilespmem:v16+s14+$0x0], $0xffff;
	_ =	sdelay $0x4  }
0x1ff: {  	[tilespmem:v6+s1+$0x0] =	vst.idx.msk $0xff, v17  }
0x200: {  	v16 =	vld.idx.msk [tilespmem:v16+s15+$0x0], $0xffff;
	_ =	sdelay $0x2  }
0x201: {  	s19 =	sld [smem:$0x7F6];
	_ =	sdelay $0x1  }
0x202: {  	[tilespmem:v7+s1+$0x0] =	vst.idx.msk $0xff, v16  }
0x203: {  	[hbm4b:s19+s4] =	stream.strided.scatter [tilespmem:s1], [sflag:$0x1], $0x2000, s11, s4, $0x38;
	[tilespmem:$0x1D100] =	vst v63  }
0x204: {  	_ =	swait.ge [sflag:s3], $0x2000  }
0x205: {  	[sflag:s3] =	ssyncset.done $0x0  }
0x206: {  	s20 =	rddreg [dreg:$0x17];
	[sflag:s3] =	ssyncadd.s32 $0xFFFFE000  }
0x207: {  	v16 =	vld [tilespmem:s20+$0xA800];
	_ =	sdelay $0x7  }
0x208: {  	v17 =	vld.idx.msk [tilespmem:v16+s31+$0x0], $0xffff;
	_ =	sdelay $0x4  }
0x209: {  	[tilespmem:v0+s1+$0x0] =	vst.idx.msk $0xff, v17  }
0x20a: {  	v17 =	vld.idx.msk [tilespmem:v16+s7+$0x0], $0xffff;
	_ =	sdelay $0x4  }
0x20b: {  	[tilespmem:v1+s1+$0x0] =	vst.idx.msk $0xff, v17  }
0x20c: {  	v17 =	vld.idx.msk [tilespmem:v16+s8+$0x0], $0xffff;
	_ =	sdelay $0x4  }
0x20d: {  	[tilespmem:v2+s1+$0x0] =	vst.idx.msk $0xff, v17  }
0x20e: {  	v17 =	vld.idx.msk [tilespmem:v16+s9+$0x0], $0xffff;
	_ =	sdelay $0x4  }
0x20f: {  	[tilespmem:v3+s1+$0x0] =	vst.idx.msk $0xff, v17  }
0x210: {  	v17 =	vld.idx.msk [tilespmem:v16+s10+$0x0], $0xffff;
	_ =	sdelay $0x4  }
0x211: {  	[tilespmem:v4+s1+$0x0] =	vst.idx.msk $0xff, v17  }
0x212: {  	v17 =	vld.idx.msk [tilespmem:v16+s12+$0x0], $0xffff;
	_ =	sdelay $0x4  }
0x213: {  	[tilespmem:v5+s1+$0x0] =	vst.idx.msk $0xff, v17  }
0x214: {  	v17 =	vld.idx.msk [tilespmem:v16+s14+$0x0], $0xffff;
	_ =	sdelay $0x4  }
0x215: {  	[tilespmem:v6+s1+$0x0] =	vst.idx.msk $0xff, v17  }
0x216: {  	v16 =	vld.idx.msk [tilespmem:v16+s15+$0x0], $0xffff;
	_ =	sdelay $0x2  }
0x217: {  	s21 =	sld [smem:$0x7F7];
	_ =	sdelay $0x1  }
0x218: {  	[tilespmem:v7+s1+$0x0] =	vst.idx.msk $0xff, v16  }
0x219: {  	[hbm4b:s21+s4] =	stream.strided.scatter [tilespmem:s1], [sflag:$0x1], $0x2000, s11, s4, $0x38;
	[tilespmem:$0x1D100] =	vst v63  }
0x21a: {  	_ =	swait.ge [sflag:s3], $0x2000  }
0x21b: {  	[sflag:s3] =	ssyncset.done $0x0  }
0x21c: {  	s22 =	rddreg [dreg:$0x18];
	[sflag:s3] =	ssyncadd.s32 $0xFFFFE000  }
0x21d: {  	v16 =	vld [tilespmem:s22+$0xA800];
	_ =	sdelay $0x7  }
0x21e: {  	v17 =	vld.idx.msk [tilespmem:v16+s31+$0x0], $0xffff;
	_ =	sdelay $0x4  }
0x21f: {  	[tilespmem:v0+s1+$0x0] =	vst.idx.msk $0xff, v17  }
0x220: {  	v17 =	vld.idx.msk [tilespmem:v16+s7+$0x0], $0xffff;
	_ =	sdelay $0x4  }
0x221: {  	[tilespmem:v1+s1+$0x0] =	vst.idx.msk $0xff, v17  }
0x222: {  	v17 =	vld.idx.msk [tilespmem:v16+s8+$0x0], $0xffff;
	_ =	sdelay $0x4  }
0x223: {  	[tilespmem:v2+s1+$0x0] =	vst.idx.msk $0xff, v17  }
0x224: {  	v17 =	vld.idx.msk [tilespmem:v16+s9+$0x0], $0xffff;
	_ =	sdelay $0x4  }
0x225: {  	[tilespmem:v3+s1+$0x0] =	vst.idx.msk $0xff, v17  }
0x226: {  	v17 =	vld.idx.msk [tilespmem:v16+s10+$0x0], $0xffff;
	_ =	sdelay $0x4  }
0x227: {  	[tilespmem:v4+s1+$0x0] =	vst.idx.msk $0xff, v17  }
0x228: {  	v17 =	vld.idx.msk [tilespmem:v16+s12+$0x0], $0xffff;
	_ =	sdelay $0x4  }
0x229: {  	[tilespmem:v5+s1+$0x0] =	vst.idx.msk $0xff, v17  }
0x22a: {  	v17 =	vld.idx.msk [tilespmem:v16+s14+$0x0], $0xffff;
	_ =	sdelay $0x4  }
0x22b: {  	[tilespmem:v6+s1+$0x0] =	vst.idx.msk $0xff, v17  }
0x22c: {  	v16 =	vld.idx.msk [tilespmem:v16+s15+$0x0], $0xffff;
	_ =	sdelay $0x2  }
0x22d: {  	s23 =	sld [smem:$0x7F8];
	_ =	sdelay $0x1  }
0x22e: {  	[tilespmem:v7+s1+$0x0] =	vst.idx.msk $0xff, v16  }
0x22f: {  	[hbm4b:s23+s4] =	stream.strided.scatter [tilespmem:s1], [sflag:$0x1], $0x2000, s11, s4, $0x38;
	[tilespmem:$0x1D100] =	vst v63  }
0x230: {  	_ =	swait.ge [sflag:s3], $0x2000  }
0x231: {  	[sflag:s3] =	ssyncset.done $0x0  }
0x232: {  	s24 =	rddreg [dreg:$0x19];
	[sflag:s3] =	ssyncadd.s32 $0xFFFFE000  }
0x233: {  	v16 =	vld [tilespmem:s24+$0xA800];
	_ =	sdelay $0x7  }
0x234: {  	v17 =	vld.idx.msk [tilespmem:v16+s31+$0x0], $0xffff;
	_ =	sdelay $0x4  }
0x235: {  	[tilespmem:v0+s1+$0x0] =	vst.idx.msk $0xff, v17  }
0x236: {  	v17 =	vld.idx.msk [tilespmem:v16+s7+$0x0], $0xffff;
	_ =	sdelay $0x4  }
0x237: {  	[tilespmem:v1+s1+$0x0] =	vst.idx.msk $0xff, v17  }
0x238: {  	v17 =	vld.idx.msk [tilespmem:v16+s8+$0x0], $0xffff;
	_ =	sdelay $0x4  }
0x239: {  	[tilespmem:v2+s1+$0x0] =	vst.idx.msk $0xff, v17  }
0x23a: {  	v17 =	vld.idx.msk [tilespmem:v16+s9+$0x0], $0xffff;
	_ =	sdelay $0x4  }
0x23b: {  	[tilespmem:v3+s1+$0x0] =	vst.idx.msk $0xff, v17  }
0x23c: {  	v17 =	vld.idx.msk [tilespmem:v16+s10+$0x0], $0xffff;
	_ =	sdelay $0x4  }
0x23d: {  	[tilespmem:v4+s1+$0x0] =	vst.idx.msk $0xff, v17  }
0x23e: {  	v17 =	vld.idx.msk [tilespmem:v16+s12+$0x0], $0xffff;
	_ =	sdelay $0x4  }
0x23f: {  	[tilespmem:v5+s1+$0x0] =	vst.idx.msk $0xff, v17  }
0x240: {  	v17 =	vld.idx.msk [tilespmem:v16+s14+$0x0], $0xffff;
	_ =	sdelay $0x4  }
0x241: {  	[tilespmem:v6+s1+$0x0] =	vst.idx.msk $0xff, v17  }
0x242: {  	v16 =	vld.idx.msk [tilespmem:v16+s15+$0x0], $0xffff;
	_ =	sdelay $0x2  }
0x243: {  	s25 =	sld [smem:$0x7F9];
	_ =	sdelay $0x1  }
0x244: {  	[tilespmem:v7+s1+$0x0] =	vst.idx.msk $0xff, v16  }
0x245: {  	[hbm4b:s25+s4] =	stream.strided.scatter [tilespmem:s1], [sflag:$0x1], $0x2000, s11, s4, $0x38;
	[tilespmem:$0x1D100] =	vst v63  }
0x246: {  	_ =	swait.ge [sflag:s3], $0x2000  }
0x247: {  	[sflag:s3] =	ssyncset.done $0x0  }
0x248: {  	s26 =	rddreg [dreg:$0x1a];
	[sflag:s3] =	ssyncadd.s32 $0xFFFFE000  }
0x249: {  	v16 =	vld [tilespmem:s26+$0xA800];
	_ =	sdelay $0x7  }
0x24a: {  	v17 =	vld.idx.msk [tilespmem:v16+s31+$0x0], $0xffff;
	_ =	sdelay $0x4  }
0x24b: {  	[tilespmem:v0+s1+$0x0] =	vst.idx.msk $0xff, v17  }
0x24c: {  	v17 =	vld.idx.msk [tilespmem:v16+s7+$0x0], $0xffff;
	_ =	sdelay $0x4  }
0x24d: {  	[tilespmem:v1+s1+$0x0] =	vst.idx.msk $0xff, v17  }
0x24e: {  	v17 =	vld.idx.msk [tilespmem:v16+s8+$0x0], $0xffff;
	_ =	sdelay $0x4  }
0x24f: {  	[tilespmem:v2+s1+$0x0] =	vst.idx.msk $0xff, v17  }
0x250: {  	v17 =	vld.idx.msk [tilespmem:v16+s9+$0x0], $0xffff;
	_ =	sdelay $0x4  }
0x251: {  	[tilespmem:v3+s1+$0x0] =	vst.idx.msk $0xff, v17  }
0x252: {  	v17 =	vld.idx.msk [tilespmem:v16+s10+$0x0], $0xffff;
	_ =	sdelay $0x4  }
0x253: {  	[tilespmem:v4+s1+$0x0] =	vst.idx.msk $0xff, v17  }
0x254: {  	v17 =	vld.idx.msk [tilespmem:v16+s12+$0x0], $0xffff;
	_ =	sdelay $0x4  }
0x255: {  	[tilespmem:v5+s1+$0x0] =	vst.idx.msk $0xff, v17  }
0x256: {  	v17 =	vld.idx.msk [tilespmem:v16+s14+$0x0], $0xffff;
	_ =	sdelay $0x4  }
0x257: {  	[tilespmem:v6+s1+$0x0] =	vst.idx.msk $0xff, v17  }
0x258: {  	v16 =	vld.idx.msk [tilespmem:v16+s15+$0x0], $0xffff;
	_ =	sdelay $0x2  }
0x259: {  	s28 =	sld [smem:$0x7FA];
	_ =	sdelay $0x1  }
0x25a: {  	[tilespmem:v7+s1+$0x0] =	vst.idx.msk $0xff, v16  }
0x25b: {  	[hbm4b:s28+s4] =	stream.strided.scatter [tilespmem:s1], [sflag:$0x1], $0x2000, s11, s4, $0x38;
	[tilespmem:$0x1D100] =	vst v63  }
0x25c: {  	_ =	swait.ge [sflag:s3], $0x2000  }
0x25d: {  	[sflag:s3] =	ssyncset.done $0x0  }
0x25e: {  	s29 =	rddreg [dreg:$0x1b];
	[sflag:s3] =	ssyncadd.s32 $0xFFFFE000  }
0x25f: {  	v16 =	vld [tilespmem:s29+$0xA800];
	_ =	sdelay $0x7  }
0x260: {  	v17 =	vld.idx.msk [tilespmem:v16+s31+$0x0], $0xffff;
	_ =	sdelay $0x4  }
0x261: {  	[tilespmem:v0+s1+$0x0] =	vst.idx.msk $0xff, v17  }
0x262: {  	v17 =	vld.idx.msk [tilespmem:v16+s7+$0x0], $0xffff;
	_ =	sdelay $0x4  }
0x263: {  	[tilespmem:v1+s1+$0x0] =	vst.idx.msk $0xff, v17  }
0x264: {  	v17 =	vld.idx.msk [tilespmem:v16+s8+$0x0], $0xffff;
	_ =	sdelay $0x4  }
0x265: {  	[tilespmem:v2+s1+$0x0] =	vst.idx.msk $0xff, v17  }
0x266: {  	v17 =	vld.idx.msk [tilespmem:v16+s9+$0x0], $0xffff;
	_ =	sdelay $0x4  }
0x267: {  	[tilespmem:v3+s1+$0x0] =	vst.idx.msk $0xff, v17  }
0x268: {  	v17 =	vld.idx.msk [tilespmem:v16+s10+$0x0], $0xffff;
	_ =	sdelay $0x4  }
0x269: {  	[tilespmem:v4+s1+$0x0] =	vst.idx.msk $0xff, v17  }
0x26a: {  	v17 =	vld.idx.msk [tilespmem:v16+s12+$0x0], $0xffff;
	_ =	sdelay $0x4  }
0x26b: {  	[tilespmem:v5+s1+$0x0] =	vst.idx.msk $0xff, v17  }
0x26c: {  	v17 =	vld.idx.msk [tilespmem:v16+s14+$0x0], $0xffff;
	_ =	sdelay $0x4  }
0x26d: {  	[tilespmem:v6+s1+$0x0] =	vst.idx.msk $0xff, v17  }
0x26e: {  	v16 =	vld.idx.msk [tilespmem:v16+s15+$0x0], $0xffff;
	_ =	sdelay $0x2  }
0x26f: {  	s30 =	sld [smem:$0x7FB];
	_ =	sdelay $0x1  }
0x270: {  	[tilespmem:v7+s1+$0x0] =	vst.idx.msk $0xff, v16  }
0x271: {  	[hbm4b:s30+s4] =	stream.strided.scatter [tilespmem:s1], [sflag:$0x1], $0x2000, s11, s4, $0x38;
	[tilespmem:$0x1D100] =	vst v63  }
.Ltmp5:
0x272: {  	_ = 	snop;
	(pc) =	sbr.rel @p1 .LBB2_9-.Ltmp5, $4  }
0x273: {  	_ =	swait.ge [sflag:s3], $0x2000  }
0x274: {  	s16 =	sld [smem:$0x7F3]  }
0x275: {  	[sflag:s3] =	ssyncset.done $0x0  }
0x276: {  	[sflag:s3] =	ssyncadd.s32 $0xFFFFE000  }
0x277: {  	v16 =	vld [tilespmem:$0xABF8];
	_ =	sdelay $0x7  }
0x278: {  	v17 =	vld.idx.msk [tilespmem:v16+s31+$0x0], $0xffff;
	_ =	sdelay $0x3  }
0x279: {  	s6 =	simm.s32 $0xA400  }
0x27a: {  	[tilespmem:v8+s6+$0x0] =	vst.idx.msk vm0, v17  }
0x27b: {  	v17 =	vld.idx.msk [tilespmem:v16+s7+$0x0], $0xffff;
	_ =	sdelay $0x4  }
0x27c: {  	[tilespmem:v9+s6+$0x0] =	vst.idx.msk vm0, v17  }
0x27d: {  	v17 =	vld.idx.msk [tilespmem:v16+s8+$0x0], $0xffff;
	_ =	sdelay $0x4  }
0x27e: {  	[tilespmem:v10+s6+$0x0] =	vst.idx.msk vm0, v17  }
0x27f: {  	v17 =	vld.idx.msk [tilespmem:v16+s9+$0x0], $0xffff;
	_ =	sdelay $0x4  }
0x280: {  	[tilespmem:v11+s6+$0x0] =	vst.idx.msk vm0, v17  }
0x281: {  	v17 =	vld.idx.msk [tilespmem:v16+s10+$0x0], $0xffff;
	_ =	sdelay $0x4  }
0x282: {  	[tilespmem:v12+s6+$0x0] =	vst.idx.msk vm0, v17  }
0x283: {  	v17 =	vld.idx.msk [tilespmem:v16+s12+$0x0], $0xffff;
	_ =	sdelay $0x4  }
0x284: {  	[tilespmem:v13+s6+$0x0] =	vst.idx.msk vm0, v17  }
0x285: {  	v17 =	vld.idx.msk [tilespmem:v16+s14+$0x0], $0xffff;
	_ =	sdelay $0x4  }
0x286: {  	[tilespmem:v14+s6+$0x0] =	vst.idx.msk vm0, v17  }
0x287: {  	v16 =	vld.idx.msk [tilespmem:v16+s15+$0x0], $0xffff;
	_ =	sdelay $0x3  }
0x288: {  	s2 =	rddreg [dreg:$0x16]  }
0x289: {  	s5 =	simm.s32 $0x2400;
	s0 =	sadd.s32 $0x24400, s2;
	[tilespmem:v15+s6+$0x0] =	vst.idx.msk vm0, v16  }
0x28a: {  	[hbm4b:s0+s4] =	stream.strided.scatter [tilespmem:s6], [sflag:$0x1], $0x0, s5, s4, $0x38;
	[tilespmem:$0x1D100] =	vst v63  }
0x28b: {  	s13 =	simm.s32 $0xA480;
	s1 =	sadd.s32 $0x48880, s2  }
0x28c: {  	[hbm4b:s1+s4] =	stream.strided.scatter [tilespmem:s13], [sflag:$0x1], $0x0, s5, s4, $0x38;
	[tilespmem:$0x1D100] =	vst v63  }
0x28d: {  	s18 =	simm.s32 $0xA500;
	s17 =	sadd.s32 $0x6CD00, s2  }
0x28e: {  	[hbm4b:s17+s4] =	stream.strided.scatter [tilespmem:s18], [sflag:$0x1], $0x0, s5, s4, $0x38;
	[tilespmem:$0x1D100] =	vst v63  }
0x28f: {  	s20 =	simm.s32 $0xA580;
	s19 =	sadd.s32 $0x91180, s2  }
0x290: {  	[hbm4b:s19+s4] =	stream.strided.scatter [tilespmem:s20], [sflag:$0x1], $0x0, s5, s4, $0x38;
	[tilespmem:$0x1D100] =	vst v63  }
0x291: {  	s22 =	simm.s32 $0xA600;
	s21 =	sadd.s32 $0xB5600, s2  }
0x292: {  	[hbm4b:s21+s4] =	stream.strided.scatter [tilespmem:s22], [sflag:$0x1], $0x0, s5, s4, $0x38;
	[tilespmem:$0x1D100] =	vst v63  }
0x293: {  	s24 =	simm.s32 $0xA680;
	s23 =	sadd.s32 $0xD9A80, s2  }
0x294: {  	[hbm4b:s23+s4] =	stream.strided.scatter [tilespmem:s24], [sflag:$0x1], $0x0, s5, s4, $0x38;
	[tilespmem:$0x1D100] =	vst v63  }
0x295: {  	s26 =	simm.s32 $0xA700;
	s25 =	sadd.s32 $0xFDF00, s2  }
0x296: {  	[hbm4b:s25+s4] =	stream.strided.scatter [tilespmem:s26], [sflag:$0x1], $0x0, s5, s4, $0x38;
	[tilespmem:$0x1D100] =	vst v63  }
0x297: {  	s29 =	simm.s32 $0xA780;
	s28 =	sadd.s32 $0x122380, s2  }
0x298: {  	[hbm4b:s28+s4] =	stream.strided.scatter [tilespmem:s29], [sflag:$0x1], $0x0, s5, s4, $0x38;
	[tilespmem:$0x1D100] =	vst v63  }
.Ltmp6:
0x299: {  	s30 =	simm.s32 $0x80;
	(pc) =	sbr.rel .LBB2_9-.Ltmp6, $4  }
0x29a: {  	[hbm4b:s0+s30] =	stream.strided.scatter [tilespmem:s6], [sflag:$0x1], $0x400, s11, s30, $0x38;
	[tilespmem:$0x1D100] =	vst v63  }
0x29b: {  	_ =	swait.ge [sflag:s3], $0x400  }
0x29c: {  	[sflag:s3] =	ssyncset.done $0x0  }
0x29d: {  	[sflag:s3] =	ssyncadd.s32 $0xFFFFFC00  }
.LBB2_10:
0x29e: {  	_ =	sfence.sel $0x180000  }
0x29f: {  	[bflag:$0x0] =	sbarrier.arrive $0xFFFF  }
0x2a0: {  	_ =	strace $0x90000047  }
0x2a1: {  	s0 =	stileid.u32;
	[bflag:$0x2] =	sbarrier.arrive $0xFFFF  }
0x2a2: {  	p0 =	sne.s32 s0, $0x0;
	s0 =	rddreg [dreg:$0x3]  }
0x2a3: {  	s0 =	sadd.s32 @!p0 $0x100000, s0  }
0x2a4: {  	[sflag:s0] =	ssyncadd.tile.s32 @!p0 $0x1;
	_ =	shalt  }
.Lfunc_end2:
_tile_overlayer_lowered:
.L_overlay_start_2:
0x2a5: {  	(tag) =	ssettag $0x2  }
0x2a6: {  	s0 =	rddreg [dreg:$0x0];
	s2 =	stileid.u32  }
0x2a7: {  	s1 =	rddreg [dreg:$0x1];
	p0 =	sne.s32 s2, $0x0  }
0x2a8: {  	s3 =	rddreg [dreg:$0x2];
	[bflag:$0x3] =	sbarrier.arrive $0xFFFF;
	s2 =	simm.s32 @!p0 $0x1C01  }
0x2a9: {  	[timem:s3], [sflag:s2] =	dma.local @!p0 [hbm:s0], s1  }
0x2aa: {  	s0 =	simm.s32 @!p0 $0x1  }
0x2ab: {  	_ =	swait.ge @!p0 [sflag:s0], s1  }
0x2ac: {  	s1 =	ssub.s32 @!p0 $0x0, s1;
	[sflag:s0] =	ssyncset.done @!p0 $0x0  }
0x2ad: {  	[sflag:s0] =	ssyncadd.s32 @!p0 s1  }
0x2ae: {  	[bflag:$0x3] =	sbarrier.arrive $0xFFFF  }
0x2af: {  	_ =	shalt  }

</sc_bundles>
